<compile_context>
chip_gen: v7x
topology: tpu7x:2x2x1
jax: 0.10.2.dev20260603
libtpu: 0.0.44.dev20260713+nightly
codegen_flags: <defaults>
</compile_context>

<pallas_src>
import functools

import jax
import jax.numpy as jnp
from jax import lax
from jax.experimental import pallas as pl
from jax.experimental.pallas import tpu as pltpu
from jax.experimental.pallas import tpu_sc as plsc

N_NODES = 10000
N_EDGES = 320000
D = 128

NUM_TILES = 32
CHUNK = 128
CHUNKS_PER_TILE = 79
E_PAD = NUM_TILES * CHUNKS_PER_TILE * CHUNK
ACC_ROWS = 10240
ROWS_PER_TILE = ACC_ROWS // 16


def _prep_edges(edge_index):
    ei = edge_index.astype(jnp.int32).reshape(2, N_EDGES // CHUNK, CHUNK)
    npad = E_PAD - N_EDGES
    ar = jnp.arange(npad, dtype=jnp.int32)
    pad_src = ((ar * 97) % N_NODES).reshape(npad // CHUNK, CHUNK)
    pad_dst = (N_NODES + (ar % (ACC_ROWS - N_NODES))).reshape(npad // CHUNK, CHUNK)
    srcb = jnp.concatenate([ei[0], pad_src]).reshape(NUM_TILES, CHUNKS_PER_TILE, 1, CHUNK)
    dstb = jnp.concatenate([ei[1], pad_dst]).reshape(NUM_TILES, CHUNKS_PER_TILE, CHUNK)
    return srcb, dstb


def _sc_agg_body(with_deg, x_hbm, srcb_hbm, dstb_hbm, out_hbm, outdeg_hbm,
                 src_v, dst_v, buf0, buf1, ones_v, zb_v, acc_sh, deg_sh,
                 isem, sl0, sl1, gsem0, gsem1, ssem0, ssem1, dsem):
    cid = lax.axis_index("c")
    sid = lax.axis_index("s")
    wid = cid * 16 + sid

    ld_dst = pltpu.async_copy(dstb_hbm.at[wid], dst_v, isem)

    def sload(j, sem):
        pltpu.async_copy(srcb_hbm.at[wid, j], src_v.at[j % 2], sem)

    def slwait(j, sem):
        pltpu.make_async_copy(srcb_hbm.at[wid, j], src_v.at[j % 2], sem).wait()

    sload(0, sl0)
    sload(1, sl1)

    zv = jnp.zeros((16,), jnp.float32)

    def zrow(r, _):
        for c in range(D // 16):
            buf0[r, pl.ds(c * 16, 16)] = zv
        return 0
    lax.fori_loop(0, CHUNK, zrow, 0)

    if with_deg:
        for c in range(CHUNK // 16):
            ones_v[pl.ds(c * 16, 16)] = jnp.ones((16,), jnp.float32)

        def zdeg(i, _):
            zb_v[pl.ds(i * 16, 16)] = zv
            return 0
        lax.fori_loop(0, ROWS_PER_TILE // 16, zdeg, 0)

    zcps = [pltpu.async_copy(
        buf0, acc_sh.at[pl.ds((sid * (ROWS_PER_TILE // CHUNK) + k) * CHUNK, CHUNK), :], gsem0)
        for k in range(ROWS_PER_TILE // CHUNK)]
    if with_deg:
        zcps.append(pltpu.async_copy(
            zb_v, deg_sh.at[pl.ds(sid * ROWS_PER_TILE, ROWS_PER_TILE)], gsem0))
    for cp in zcps:
        cp.wait()
    plsc.subcore_barrier()
    ld_dst.wait()

    def gather(j, buf, sem):
        pltpu.async_copy(x_hbm.at[src_v.at[j % 2, 0]], buf, sem)

    def gwait(j, buf, sem):
        pltpu.make_async_copy(x_hbm.at[src_v.at[j % 2, 0]], buf, sem).wait()

    def scat(j, buf, sem):
        pltpu.async_copy(buf, acc_sh.at[dst_v.at[j]], sem, add=True)

    def swait(j, buf, sem):
        pltpu.make_async_copy(buf, acc_sh.at[dst_v.at[j]], sem).wait()

    def degscat(j):
        if with_deg:
            pltpu.async_copy(ones_v, deg_sh.at[dst_v.at[j]], dsem, add=True)

    slwait(0, sl0)
    gather(0, buf0, gsem0)
    slwait(1, sl1)
    gwait(0, buf0, gsem0)
    sload(2, sl0)
    gather(1, buf1, gsem1)
    scat(0, buf0, ssem0)
    degscat(0)

    def pair(k, _):
        j = 2 * k + 1
        gwait(j, buf1, gsem1)
        sload(j + 2, sl1)
        swait(j - 1, buf0, ssem0)
        slwait(j + 1, sl0)
        gather(j + 1, buf0, gsem0)
        scat(j, buf1, ssem1)
        degscat(j)
        gwait(j + 1, buf0, gsem0)
        sload(j + 3, sl0)
        swait(j, buf1, ssem1)
        slwait(j + 2, sl1)
        gather(j + 2, buf1, gsem1)
        scat(j + 1, buf0, ssem0)
        degscat(j + 1)
        return 0
    lax.fori_loop(0, (CHUNKS_PER_TILE - 3) // 2, pair, 0)

    J = CHUNKS_PER_TILE - 2
    gwait(J, buf1, gsem1)
    swait(J - 1, buf0, ssem0)
    slwait(J + 1, sl0)
    gather(J + 1, buf0, gsem0)
    scat(J, buf1, ssem1)
    degscat(J)
    gwait(J + 1, buf0, gsem0)
    swait(J, buf1, ssem1)
    scat(J + 1, buf0, ssem0)
    degscat(J + 1)
    swait(J + 1, buf0, ssem0)

    if with_deg:
        def ddrain(j, _):
            pltpu.make_async_copy(ones_v, deg_sh.at[dst_v.at[j]], dsem).wait()
            return 0
        lax.fori_loop(0, CHUNKS_PER_TILE, ddrain, 0)

    plsc.subcore_barrier()

    ocps = []
    for k in range(ROWS_PER_TILE // CHUNK):
        r0 = (sid * (ROWS_PER_TILE // CHUNK) + k) * CHUNK
        ocps.append(pltpu.async_copy(acc_sh.at[pl.ds(r0, CHUNK), :],
                                     out_hbm.at[cid, pl.ds(r0, CHUNK), :], gsem0))
    if with_deg:
        ocps.append(pltpu.async_copy(deg_sh.at[pl.ds(sid * ROWS_PER_TILE, ROWS_PER_TILE)],
                                     outdeg_hbm.at[cid, pl.ds(sid * ROWS_PER_TILE, ROWS_PER_TILE)], gsem0))
    for cp in ocps:
        cp.wait()


@functools.cache
def _get_sc_agg(with_deg):
    return pl.kernel(
        functools.partial(_sc_agg_body, with_deg),
        out_type=(jax.ShapeDtypeStruct((2, ACC_ROWS, D), jnp.float32),
                  jax.ShapeDtypeStruct((2, ACC_ROWS), jnp.float32)),
        mesh=plsc.VectorSubcoreMesh(core_axis_name="c", subcore_axis_name="s"),
        scratch_types=(
            pltpu.VMEM((2, 1, CHUNK), jnp.int32),
            pltpu.VMEM((CHUNKS_PER_TILE, CHUNK), jnp.int32),
            pltpu.VMEM((CHUNK, D), jnp.float32),
            pltpu.VMEM((CHUNK, D), jnp.float32),
            pltpu.VMEM((CHUNK,), jnp.float32),
            pltpu.VMEM((ROWS_PER_TILE,), jnp.float32),
            pltpu.VMEM_SHARED((ACC_ROWS, D), jnp.float32),
            pltpu.VMEM_SHARED((ACC_ROWS,), jnp.float32),
            pltpu.SemaphoreType.DMA,
            pltpu.SemaphoreType.DMA,
            pltpu.SemaphoreType.DMA,
            pltpu.SemaphoreType.DMA,
            pltpu.SemaphoreType.DMA,
            pltpu.SemaphoreType.DMA,
            pltpu.SemaphoreType.DMA,
            pltpu.SemaphoreType.DMA,
        ),
    )


def _tc_layer_body(x_ref, agg_ref, deg_ref, wl_ref, wr_ref, b_ref, o_ref):
    agg = agg_ref[0] + agg_ref[1]
    deg = deg_ref[0] + deg_ref[1]
    inv = jnp.reshape(1.0 / jnp.maximum(deg, 1.0), (deg.shape[0], 1))
    m = agg * inv
    h = (jnp.dot(m, wl_ref[...], preferred_element_type=jnp.float32)
         + b_ref[...]
         + jnp.dot(x_ref[...], wr_ref[...], preferred_element_type=jnp.float32))
    o_ref[...] = 0.5 * h * (1.0 + lax.erf(h * 0.7071067811865476))


def _tc_layer(x, acc, deg, WlT, b, WrT):
    R = 2048
    grid = ACC_ROWS // R
    return pl.pallas_call(
        _tc_layer_body,
        grid=(grid,),
        in_specs=[
            pl.BlockSpec((R, D), lambda i: (i, 0)),
            pl.BlockSpec((2, R, D), lambda i: (0, i, 0)),
            pl.BlockSpec((2, R), lambda i: (0, i)),
            pl.BlockSpec((D, D), lambda i: (0, 0)),
            pl.BlockSpec((D, D), lambda i: (0, 0)),
            pl.BlockSpec((1, D), lambda i: (0, 0)),
        ],
        out_specs=pl.BlockSpec((R, D), lambda i: (i, 0)),
        out_shape=jax.ShapeDtypeStruct((N_NODES, D), jnp.float32),
    )(x, acc, deg, WlT, WrT, b.reshape(1, D))


def kernel(x, edge_index, W_l0, b_l0, W_r0, W_l1, b_l1, W_r1):
    srcb, dstb = _prep_edges(edge_index)
    acc0, deg = _get_sc_agg(True)(x, srcb, dstb)
    h0 = _tc_layer(x, acc0, deg, W_l0.T, b_l0, W_r0.T)
    acc1, _ = _get_sc_agg(False)(h0, srcb, dstb)
    return _tc_layer(h0, acc1, deg, W_l1.T, b_l1, W_r1.T)

# --- scband reference (transcript-rebuilt; emitter-appended) ---
"""Pipeline reference for scband-flexible-gnn-18674517803529 (READ-ONLY COPY).

The authoritative reference and input builder live on the scoring server;
editing this copy changes nothing except your own understanding.
"""

import jax, jax.numpy as jnp
import numpy as np

N_NODES = 10000
N_EDGES = 320000
D_IN = 128
D_HID = 128


def setup_inputs(seed: int = 0) -> dict:
    key = jax.random.key(seed)
    ks = jax.random.split(key, 9)
    x = jax.random.normal(ks[0], (N_NODES, D_IN), dtype=jnp.float32)
    edge_index = jax.random.randint(ks[1], (2, N_EDGES), 0, N_NODES, dtype=jnp.int64 if jax.config.jax_enable_x64 else jnp.int32)
    s = 1.0 / np.sqrt(D_IN)
    W_l0 = jax.random.uniform(ks[2], (D_HID, D_IN), dtype=jnp.float32, minval=-s, maxval=s)
    b_l0 = jax.random.uniform(ks[3], (D_HID,), dtype=jnp.float32, minval=-s, maxval=s)
    W_r0 = jax.random.uniform(ks[4], (D_HID, D_IN), dtype=jnp.float32, minval=-s, maxval=s)
    s2 = 1.0 / np.sqrt(D_HID)
    W_l1 = jax.random.uniform(ks[5], (D_HID, D_HID), dtype=jnp.float32, minval=-s2, maxval=s2)
    b_l1 = jax.random.uniform(ks[6], (D_HID,), dtype=jnp.float32, minval=-s2, maxval=s2)
    W_r1 = jax.random.uniform(ks[7], (D_HID, D_HID), dtype=jnp.float32, minval=-s2, maxval=s2)
    return {"x": x, "edge_index": edge_index, "W_l0": W_l0, "b_l0": b_l0, "W_r0": W_r0, "W_l1": W_l1, "b_l1": b_l1, "W_r1": W_r1}


def _sage_layer(x, edge_index, W_l, b_l, W_r):
    # PyG SAGEConv (aggr='mean', root_weight=True):
    # out = lin_l(mean_{j->i} x_j) + lin_r(x_i)
    src = edge_index[0]
    dst = edge_index[1]
    msgs = jnp.take(x, src, axis=0)                                   # gather
    agg = jax.ops.segment_sum(msgs, dst, num_segments=x.shape[0])     # scatter-add
    deg = jax.ops.segment_sum(jnp.ones((edge_index.shape[1],), dtype=x.dtype), dst, num_segments=x.shape[0])
    agg = agg / jnp.clip(deg, 1.0)[:, None]
    return agg @ W_l.T + b_l + x @ W_r.T


def reference(x, edge_index, W_l0, b_l0, W_r0, W_l1, b_l1, W_r1):
    # FlexibleGNN forward, gnn_type='sage', num_layers=2, dropout=0.0 (eval), act=gelu(exact)
    h = _sage_layer(x, edge_index, W_l0, b_l0, W_r0)
    h = jax.nn.gelu(h, approximate=False)
    h = _sage_layer(h, edge_index, W_l1, b_l1, W_r1)
    h = jax.nn.gelu(h, approximate=False)
    return h

if __name__ == "__main__":
    import jax
    _d = setup_inputs()
    print(jax.jit(kernel)(*tuple(_d.values())))

</pallas_src>

<mosaic_0001>
#map = affine_map<(d0, d1) -> (0, 0)>
#map1 = affine_map<(d0, d1) -> (0, 0, 0, 0)>
#map2 = affine_map<(d0, d1) -> (0, 0, 0)>
module attributes {stable_mosaic.version = 14 : i64} {
  func.func @_sc_agg_body(%arg0: i32, %arg1: i32, %arg2: memref<10000x128xf32, #tpu.memory_space<hbm>>, %arg3: memref<32x79x1x128xi32, #tpu.memory_space<hbm>>, %arg4: memref<32x79x128xi32, #tpu.memory_space<hbm>>, %arg5: memref<2x10240x128xf32, #tpu.memory_space<hbm>>, %arg6: memref<2x10240xf32, #tpu.memory_space<hbm>>, %arg7: memref<2x1x128xi32, #tpu.memory_space<vmem>>, %arg8: memref<79x128xi32, #tpu.memory_space<vmem>>, %arg9: memref<128x128xf32, #tpu.memory_space<vmem>>, %arg10: memref<128x128xf32, #tpu.memory_space<vmem>>, %arg11: memref<128xf32, #tpu.memory_space<vmem>>, %arg12: memref<640xf32, #tpu.memory_space<vmem>>, %arg13: memref<10240x128xf32, #tpu.memory_space<vmem_shared>>, %arg14: memref<10240xf32, #tpu.memory_space<vmem_shared>>, %arg15: memref<!tpu.dma_semaphore, #tpu.memory_space<semaphore_mem>>, %arg16: memref<!tpu.dma_semaphore, #tpu.memory_space<semaphore_mem>>, %arg17: memref<!tpu.dma_semaphore, #tpu.memory_space<semaphore_mem>>, %arg18: memref<!tpu.dma_semaphore, #tpu.memory_space<semaphore_mem>>, %arg19: memref<!tpu.dma_semaphore, #tpu.memory_space<semaphore_mem>>, %arg20: memref<!tpu.dma_semaphore, #tpu.memory_space<semaphore_mem>>, %arg21: memref<!tpu.dma_semaphore, #tpu.memory_space<semaphore_mem>>, %arg22: memref<!tpu.dma_semaphore, #tpu.memory_space<semaphore_mem>>) attributes {dimension_semantics = [#tpu.dimension_semantics<core_parallel>, #tpu.dimension_semantics<subcore_parallel>], iteration_bounds = array<i64: 2, 16>, scalar_prefetch = 0 : i64, scratch_operands = 16 : i64, tpu.core_type = #tpu.core_type<sc_vector_subcore>, window_params = [{transform_indices = #map}, {transform_indices = #map1}, {transform_indices = #map2}, {transform_indices = #map2}, {transform_indices = #map}]} {
    %mul3A = arith.constant 16 : i32
    %mul3A_0 = arith.muli %arg0, %mul3A : i32
    %add3A = arith.addi %mul3A_0, %arg1 : i32
    %dma_start3A = arith.constant 0 : i32
    %dma_start3A_1 = arith.constant 0 : i32
    %dma_start3A_2 = tpu.memref_slice %arg4[%add3A, %dma_start3A, %dma_start3A_1] : memref<32x79x128xi32, #tpu.memory_space<hbm>> -> memref<1x79x128xi32, #tpu.memory_space<hbm>>
    %dma_start3A_3 = tpu.memref_squeeze %dma_start3A_2 : memref<1x79x128xi32, #tpu.memory_space<hbm>> -> memref<79x128xi32, #tpu.memory_space<hbm>>
    %dma_start3A_4 = arith.constant 0 : i32
    %dma_start3A_5 = arith.constant 0 : i32
    %dma_start3A_6 = tpu.memref_slice %arg4[%add3A, %dma_start3A_4, %dma_start3A_5] : memref<32x79x128xi32, #tpu.memory_space<hbm>> -> memref<1x79x128xi32, #tpu.memory_space<hbm>>
    %dma_start3A_7 = tpu.memref_squeeze %dma_start3A_6 : memref<1x79x128xi32, #tpu.memory_space<hbm>> -> memref<79x128xi32, #tpu.memory_space<hbm>>
    tpu.enqueue_dma source(%dma_start3A_7 : memref<79x128xi32, #tpu.memory_space<hbm>>) target(%arg8 : memref<79x128xi32, #tpu.memory_space<vmem>>) target_semaphore(%arg15 : memref<!tpu.dma_semaphore, #tpu.memory_space<semaphore_mem>>)
    %dma_start3A_8 = arith.constant 0 : i32
    %dma_start3A_9 = arith.constant 0 : i32
    %dma_start3A_10 = arith.constant 0 : i32
    %dma_start3A_11 = arith.constant 0 : i32
    %dma_start3A_12 = tpu.memref_slice %arg7[%dma_start3A_9, %dma_start3A_10, %dma_start3A_11] : memref<2x1x128xi32, #tpu.memory_space<vmem>> -> memref<1x1x128xi32, #tpu.memory_space<vmem>>
    %dma_start3A_13 = tpu.memref_squeeze %dma_start3A_12 : memref<1x1x128xi32, #tpu.memory_space<vmem>> -> memref<1x128xi32, #tpu.memory_space<vmem>>
    %dma_start3A_14 = arith.constant 0 : i32
    %dma_start3A_15 = arith.constant 0 : i32
    %dma_start3A_16 = tpu.memref_slice %arg3[%add3A, %dma_start3A_8, %dma_start3A_14, %dma_start3A_15] : memref<32x79x1x128xi32, #tpu.memory_space<hbm>> -> memref<1x1x1x128xi32, #tpu.memory_space<hbm>>
    %dma_start3A_17 = tpu.memref_squeeze %dma_start3A_16 : memref<1x1x1x128xi32, #tpu.memory_space<hbm>> -> memref<1x128xi32, #tpu.memory_space<hbm>>
    %dma_start3A_18 = arith.constant 0 : i32
    %dma_start3A_19 = arith.constant 0 : i32
    %dma_start3A_20 = tpu.memref_slice %arg7[%dma_start3A_9, %dma_start3A_18, %dma_start3A_19] : memref<2x1x128xi32, #tpu.memory_space<vmem>> -> memref<1x1x128xi32, #tpu.memory_space<vmem>>
    %dma_start3A_21 = tpu.memref_squeeze %dma_start3A_20 : memref<1x1x128xi32, #tpu.memory_space<vmem>> -> memref<1x128xi32, #tpu.memory_space<vmem>>
    %dma_start3A_22 = arith.constant 0 : i32
    %dma_start3A_23 = arith.constant 0 : i32
    %dma_start3A_24 = tpu.memref_slice %arg3[%add3A, %dma_start3A_8, %dma_start3A_22, %dma_start3A_23] : memref<32x79x1x128xi32, #tpu.memory_space<hbm>> -> memref<1x1x1x128xi32, #tpu.memory_space<hbm>>
    %dma_start3A_25 = tpu.memref_squeeze %dma_start3A_24 : memref<1x1x1x128xi32, #tpu.memory_space<hbm>> -> memref<1x128xi32, #tpu.memory_space<hbm>>
    tpu.enqueue_dma source(%dma_start3A_25 : memref<1x128xi32, #tpu.memory_space<hbm>>) target(%dma_start3A_21 : memref<1x128xi32, #tpu.memory_space<vmem>>) target_semaphore(%arg16 : memref<!tpu.dma_semaphore, #tpu.memory_space<semaphore_mem>>)
    %dma_start3A_26 = arith.constant 1 : i32
    %dma_start3A_27 = arith.constant 1 : i32
    %dma_start3A_28 = arith.constant 0 : i32
    %dma_start3A_29 = arith.constant 0 : i32
    %dma_start3A_30 = tpu.memref_slice %arg7[%dma_start3A_27, %dma_start3A_28, %dma_start3A_29] : memref<2x1x128xi32, #tpu.memory_space<vmem>> -> memref<1x1x128xi32, #tpu.memory_space<vmem>>
    %dma_start3A_31 = tpu.memref_squeeze %dma_start3A_30 : memref<1x1x128xi32, #tpu.memory_space<vmem>> -> memref<1x128xi32, #tpu.memory_space<vmem>>
    %dma_start3A_32 = arith.constant 0 : i32
    %dma_start3A_33 = arith.constant 0 : i32
    %dma_start3A_34 = tpu.memref_slice %arg3[%add3A, %dma_start3A_26, %dma_start3A_32, %dma_start3A_33] : memref<32x79x1x128xi32, #tpu.memory_space<hbm>> -> memref<1x1x1x128xi32, #tpu.memory_space<hbm>>
    %dma_start3A_35 = tpu.memref_squeeze %dma_start3A_34 : memref<1x1x1x128xi32, #tpu.memory_space<hbm>> -> memref<1x128xi32, #tpu.memory_space<hbm>>
    %dma_start3A_36 = arith.constant 0 : i32
    %dma_start3A_37 = arith.constant 0 : i32
    %dma_start3A_38 = tpu.memref_slice %arg7[%dma_start3A_27, %dma_start3A_36, %dma_start3A_37] : memref<2x1x128xi32, #tpu.memory_space<vmem>> -> memref<1x1x128xi32, #tpu.memory_space<vmem>>
    %dma_start3A_39 = tpu.memref_squeeze %dma_start3A_38 : memref<1x1x128xi32, #tpu.memory_space<vmem>> -> memref<1x128xi32, #tpu.memory_space<vmem>>
    %dma_start3A_40 = arith.constant 0 : i32
    %dma_start3A_41 = arith.constant 0 : i32
    %dma_start3A_42 = tpu.memref_slice %arg3[%add3A, %dma_start3A_26, %dma_start3A_40, %dma_start3A_41] : memref<32x79x1x128xi32, #tpu.memory_space<hbm>> -> memref<1x1x1x128xi32, #tpu.memory_space<hbm>>
    %dma_start3A_43 = tpu.memref_squeeze %dma_start3A_42 : memref<1x1x1x128xi32, #tpu.memory_space<hbm>> -> memref<1x128xi32, #tpu.memory_space<hbm>>
    tpu.enqueue_dma source(%dma_start3A_43 : memref<1x128xi32, #tpu.memory_space<hbm>>) target(%dma_start3A_39 : memref<1x128xi32, #tpu.memory_space<vmem>>) target_semaphore(%arg17 : memref<!tpu.dma_semaphore, #tpu.memory_space<semaphore_mem>>)
    %broadcast_in_dim3A = arith.constant 0.000000e+00 : f32
    %broadcast_in_dim3A_44 = vector.broadcast %broadcast_in_dim3A : f32 to vector<16xf32>
    %scan3A = arith.constant 0 : i32
    %scan3A_45 = arith.constant 0 : i32
    %scan3A_46 = arith.constant 128 : i32
    %scan3A_47 = arith.addi %scan3A_45, %scan3A_46 : i32
    %scan3A_48 = arith.constant 1 : i32
    %scan3A_49 = scf.for %scan3A_378 = %scan3A_45 to %scan3A_47 step %scan3A_48 iter_args(%scan3A_379 = %scan3A) -> (i32)  : i32 {
      %swap3A = arith.index_cast %scan3A_378 : i32 to index
      %swap3A_380 = arith.constant 0 : index
      %swap3A_381 = tpu.vector_load %arg9[%swap3A, %swap3A_380] {strides = array<i32>} : memref<128x128xf32, #tpu.memory_space<vmem>>, vector<1x16xf32>,
      %swap3A_382 = vector.shape_cast %swap3A_381 : vector<1x16xf32> to vector<16xf32>
      %swap3A_383 = vector.shape_cast %broadcast_in_dim3A_44 : vector<16xf32> to vector<1x16xf32>
      tpu.vector_store %arg9[%swap3A, %swap3A_380], %swap3A_383 {strides = array<i32>} : memref<128x128xf32, #tpu.memory_space<vmem>>, vector<1x16xf32>,
      %swap3A_384 = arith.index_cast %scan3A_378 : i32 to index
      %swap3A_385 = arith.constant 16 : index
      %swap3A_386 = tpu.vector_load %arg9[%swap3A_384, %swap3A_385] {strides = array<i32>} : memref<128x128xf32, #tpu.memory_space<vmem>>, vector<1x16xf32>,
      %swap3A_387 = vector.shape_cast %swap3A_386 : vector<1x16xf32> to vector<16xf32>
      %swap3A_388 = vector.shape_cast %broadcast_in_dim3A_44 : vector<16xf32> to vector<1x16xf32>
      tpu.vector_store %arg9[%swap3A_384, %swap3A_385], %swap3A_388 {strides = array<i32>} : memref<128x128xf32, #tpu.memory_space<vmem>>, vector<1x16xf32>,
      %swap3A_389 = arith.index_cast %scan3A_378 : i32 to index
      %swap3A_390 = arith.constant 32 : index
      %swap3A_391 = tpu.vector_load %arg9[%swap3A_389, %swap3A_390] {strides = array<i32>} : memref<128x128xf32, #tpu.memory_space<vmem>>, vector<1x16xf32>,
      %swap3A_392 = vector.shape_cast %swap3A_391 : vector<1x16xf32> to vector<16xf32>
      %swap3A_393 = vector.shape_cast %broadcast_in_dim3A_44 : vector<16xf32> to vector<1x16xf32>
      tpu.vector_store %arg9[%swap3A_389, %swap3A_390], %swap3A_393 {strides = array<i32>} : memref<128x128xf32, #tpu.memory_space<vmem>>, vector<1x16xf32>,
      %swap3A_394 = arith.index_cast %scan3A_378 : i32 to index
      %swap3A_395 = arith.constant 48 : index
      %swap3A_396 = tpu.vector_load %arg9[%swap3A_394, %swap3A_395] {strides = array<i32>} : memref<128x128xf32, #tpu.memory_space<vmem>>, vector<1x16xf32>,
      %swap3A_397 = vector.shape_cast %swap3A_396 : vector<1x16xf32> to vector<16xf32>
      %swap3A_398 = vector.shape_cast %broadcast_in_dim3A_44 : vector<16xf32> to vector<1x16xf32>
      tpu.vector_store %arg9[%swap3A_394, %swap3A_395], %swap3A_398 {strides = array<i32>} : memref<128x128xf32, #tpu.memory_space<vmem>>, vector<1x16xf32>,
      %swap3A_399 = arith.index_cast %scan3A_378 : i32 to index
      %swap3A_400 = arith.constant 64 : index
      %swap3A_401 = tpu.vector_load %arg9[%swap3A_399, %swap3A_400] {strides = array<i32>} : memref<128x128xf32, #tpu.memory_space<vmem>>, vector<1x16xf32>,
      %swap3A_402 = vector.shape_cast %swap3A_401 : vector<1x16xf32> to vector<16xf32>
      %swap3A_403 = vector.shape_cast %broadcast_in_dim3A_44 : vector<16xf32> to vector<1x16xf32>
      tpu.vector_store %arg9[%swap3A_399, %swap3A_400], %swap3A_403 {strides = array<i32>} : memref<128x128xf32, #tpu.memory_space<vmem>>, vector<1x16xf32>,
      %swap3A_404 = arith.index_cast %scan3A_378 : i32 to index
      %swap3A_405 = arith.constant 80 : index
      %swap3A_406 = tpu.vector_load %arg9[%swap3A_404, %swap3A_405] {strides = array<i32>} : memref<128x128xf32, #tpu.memory_space<vmem>>, vector<1x16xf32>,
      %swap3A_407 = vector.shape_cast %swap3A_406 : vector<1x16xf32> to vector<16xf32>
      %swap3A_408 = vector.shape_cast %broadcast_in_dim3A_44 : vector<16xf32> to vector<1x16xf32>
      tpu.vector_store %arg9[%swap3A_404, %swap3A_405], %swap3A_408 {strides = array<i32>} : memref<128x128xf32, #tpu.memory_space<vmem>>, vector<1x16xf32>,
      %swap3A_409 = arith.index_cast %scan3A_378 : i32 to index
      %swap3A_410 = arith.constant 96 : index
      %swap3A_411 = tpu.vector_load %arg9[%swap3A_409, %swap3A_410] {strides = array<i32>} : memref<128x128xf32, #tpu.memory_space<vmem>>, vector<1x16xf32>,
      %swap3A_412 = vector.shape_cast %swap3A_411 : vector<1x16xf32> to vector<16xf32>
      %swap3A_413 = vector.shape_cast %broadcast_in_dim3A_44 : vector<16xf32> to vector<1x16xf32>
      tpu.vector_store %arg9[%swap3A_409, %swap3A_410], %swap3A_413 {strides = array<i32>} : memref<128x128xf32, #tpu.memory_space<vmem>>, vector<1x16xf32>,
      %swap3A_414 = arith.index_cast %scan3A_378 : i32 to index
      %swap3A_415 = arith.constant 112 : index
      %swap3A_416 = tpu.vector_load %arg9[%swap3A_414, %swap3A_415] {strides = array<i32>} : memref<128x128xf32, #tpu.memory_space<vmem>>, vector<1x16xf32>,
      %swap3A_417 = vector.shape_cast %swap3A_416 : vector<1x16xf32> to vector<16xf32>
      %swap3A_418 = vector.shape_cast %broadcast_in_dim3A_44 : vector<16xf32> to vector<1x16xf32>
      tpu.vector_store %arg9[%swap3A_414, %swap3A_415], %swap3A_418 {strides = array<i32>} : memref<128x128xf32, #tpu.memory_space<vmem>>, vector<1x16xf32>,
      %scan3A_419 = arith.constant 0 : i32
      scf.yield %scan3A_419 : i32
    }
    %scan3A_50 = arith.constant 128 : i32
    %mul3A_51 = arith.constant 5 : i32
    %mul3A_52 = arith.muli %arg1, %mul3A_51 : i32
    %add3A_53 = arith.constant 0 : i32
    %add3A_54 = arith.addi %mul3A_52, %add3A_53 : i32
    %mul3A_55 = arith.constant 128 : i32
    %mul3A_56 = arith.muli %add3A_54, %mul3A_55 : i32
    %dma_start3A_57 = arith.constant 0 : i32
    %dma_start3A_58 = tpu.memref_slice %arg13[%mul3A_56, %dma_start3A_57] : memref<10240x128xf32, #tpu.memory_space<vmem_shared>> -> memref<128x128xf32, #tpu.memory_space<vmem_shared>>
    %dma_start3A_59 = arith.constant 0 : i32
    %dma_start3A_60 = tpu.memref_slice %arg13[%mul3A_56, %dma_start3A_59] : memref<10240x128xf32, #tpu.memory_space<vmem_shared>> -> memref<128x128xf32, #tpu.memory_space<vmem_shared>>
    tpu.enqueue_dma source(%arg9 : memref<128x128xf32, #tpu.memory_space<vmem>>) target(%dma_start3A_60 : memref<128x128xf32, #tpu.memory_space<vmem_shared>>) target_semaphore(%arg18 : memref<!tpu.dma_semaphore, #tpu.memory_space<semaphore_mem>>)
    %mul3A_61 = arith.constant 5 : i32
    %mul3A_62 = arith.muli %arg1, %mul3A_61 : i32
    %add3A_63 = arith.constant 1 : i32
    %add3A_64 = arith.addi %mul3A_62, %add3A_63 : i32
    %mul3A_65 = arith.constant 128 : i32
    %mul3A_66 = arith.muli %add3A_64, %mul3A_65 : i32
    %dma_start3A_67 = arith.constant 0 : i32
    %dma_start3A_68 = tpu.memref_slice %arg13[%mul3A_66, %dma_start3A_67] : memref<10240x128xf32, #tpu.memory_space<vmem_shared>> -> memref<128x128xf32, #tpu.memory_space<vmem_shared>>
    %dma_start3A_69 = arith.constant 0 : i32
    %dma_start3A_70 = tpu.memref_slice %arg13[%mul3A_66, %dma_start3A_69] : memref<10240x128xf32, #tpu.memory_space<vmem_shared>> -> memref<128x128xf32, #tpu.memory_space<vmem_shared>>
    tpu.enqueue_dma source(%arg9 : memref<128x128xf32, #tpu.memory_space<vmem>>) target(%dma_start3A_70 : memref<128x128xf32, #tpu.memory_space<vmem_shared>>) target_semaphore(%arg18 : memref<!tpu.dma_semaphore, #tpu.memory_space<semaphore_mem>>)
    %mul3A_71 = arith.constant 5 : i32
    %mul3A_72 = arith.muli %arg1, %mul3A_71 : i32
    %add3A_73 = arith.constant 2 : i32
    %add3A_74 = arith.addi %mul3A_72, %add3A_73 : i32
    %mul3A_75 = arith.constant 128 : i32
    %mul3A_76 = arith.muli %add3A_74, %mul3A_75 : i32
    %dma_start3A_77 = arith.constant 0 : i32
    %dma_start3A_78 = tpu.memref_slice %arg13[%mul3A_76, %dma_start3A_77] : memref<10240x128xf32, #tpu.memory_space<vmem_shared>> -> memref<128x128xf32, #tpu.memory_space<vmem_shared>>
    %dma_start3A_79 = arith.constant 0 : i32
    %dma_start3A_80 = tpu.memref_slice %arg13[%mul3A_76, %dma_start3A_79] : memref<10240x128xf32, #tpu.memory_space<vmem_shared>> -> memref<128x128xf32, #tpu.memory_space<vmem_shared>>
    tpu.enqueue_dma source(%arg9 : memref<128x128xf32, #tpu.memory_space<vmem>>) target(%dma_start3A_80 : memref<128x128xf32, #tpu.memory_space<vmem_shared>>) target_semaphore(%arg18 : memref<!tpu.dma_semaphore, #tpu.memory_space<semaphore_mem>>)
    %mul3A_81 = arith.constant 5 : i32
    %mul3A_82 = arith.muli %arg1, %mul3A_81 : i32
    %add3A_83 = arith.constant 3 : i32
    %add3A_84 = arith.addi %mul3A_82, %add3A_83 : i32
    %mul3A_85 = arith.constant 128 : i32
    %mul3A_86 = arith.muli %add3A_84, %mul3A_85 : i32
    %dma_start3A_87 = arith.constant 0 : i32
    %dma_start3A_88 = tpu.memref_slice %arg13[%mul3A_86, %dma_start3A_87] : memref<10240x128xf32, #tpu.memory_space<vmem_shared>> -> memref<128x128xf32, #tpu.memory_space<vmem_shared>>
    %dma_start3A_89 = arith.constant 0 : i32
    %dma_start3A_90 = tpu.memref_slice %arg13[%mul3A_86, %dma_start3A_89] : memref<10240x128xf32, #tpu.memory_space<vmem_shared>> -> memref<128x128xf32, #tpu.memory_space<vmem_shared>>
    tpu.enqueue_dma source(%arg9 : memref<128x128xf32, #tpu.memory_space<vmem>>) target(%dma_start3A_90 : memref<128x128xf32, #tpu.memory_space<vmem_shared>>) target_semaphore(%arg18 : memref<!tpu.dma_semaphore, #tpu.memory_space<semaphore_mem>>)
    %mul3A_91 = arith.constant 5 : i32
    %mul3A_92 = arith.muli %arg1, %mul3A_91 : i32
    %add3A_93 = arith.constant 4 : i32
    %add3A_94 = arith.addi %mul3A_92, %add3A_93 : i32
    %mul3A_95 = arith.constant 128 : i32
    %mul3A_96 = arith.muli %add3A_94, %mul3A_95 : i32
    %dma_start3A_97 = arith.constant 0 : i32
    %dma_start3A_98 = tpu.memref_slice %arg13[%mul3A_96, %dma_start3A_97] : memref<10240x128xf32, #tpu.memory_space<vmem_shared>> -> memref<128x128xf32, #tpu.memory_space<vmem_shared>>
    %dma_start3A_99 = arith.constant 0 : i32
    %dma_start3A_100 = tpu.memref_slice %arg13[%mul3A_96, %dma_start3A_99] : memref<10240x128xf32, #tpu.memory_space<vmem_shared>> -> memref<128x128xf32, #tpu.memory_space<vmem_shared>>
    tpu.enqueue_dma source(%arg9 : memref<128x128xf32, #tpu.memory_space<vmem>>) target(%dma_start3A_100 : memref<128x128xf32, #tpu.memory_space<vmem_shared>>) target_semaphore(%arg18 : memref<!tpu.dma_semaphore, #tpu.memory_space<semaphore_mem>>)
    %dma_wait3A = arith.constant 0 : i32
    %dma_wait3A_101 = tpu.memref_slice %arg13[%mul3A_56, %dma_wait3A] : memref<10240x128xf32, #tpu.memory_space<vmem_shared>> -> memref<128x128xf32, #tpu.memory_space<vmem_shared>>
    %dma_wait3A_102 = arith.constant 0 : i32
    %dma_wait3A_103 = tpu.memref_slice %arg13[%mul3A_56, %dma_wait3A_102] : memref<10240x128xf32, #tpu.memory_space<vmem_shared>> -> memref<128x128xf32, #tpu.memory_space<vmem_shared>>
    tpu.wait_dma2 semaphore(%arg18 : memref<!tpu.dma_semaphore, #tpu.memory_space<semaphore_mem>>) src(%arg9 : memref<128x128xf32, #tpu.memory_space<vmem>>) dst(%dma_wait3A_103 : memref<128x128xf32, #tpu.memory_space<vmem_shared>>)
    %dma_wait3A_104 = arith.constant 0 : i32
    %dma_wait3A_105 = tpu.memref_slice %arg13[%mul3A_66, %dma_wait3A_104] : memref<10240x128xf32, #tpu.memory_space<vmem_shared>> -> memref<128x128xf32, #tpu.memory_space<vmem_shared>>
    %dma_wait3A_106 = arith.constant 0 : i32
    %dma_wait3A_107 = tpu.memref_slice %arg13[%mul3A_66, %dma_wait3A_106] : memref<10240x128xf32, #tpu.memory_space<vmem_shared>> -> memref<128x128xf32, #tpu.memory_space<vmem_shared>>
    tpu.wait_dma2 semaphore(%arg18 : memref<!tpu.dma_semaphore, #tpu.memory_space<semaphore_mem>>) src(%arg9 : memref<128x128xf32, #tpu.memory_space<vmem>>) dst(%dma_wait3A_107 : memref<128x128xf32, #tpu.memory_space<vmem_shared>>)
    %dma_wait3A_108 = arith.constant 0 : i32
    %dma_wait3A_109 = tpu.memref_slice %arg13[%mul3A_76, %dma_wait3A_108] : memref<10240x128xf32, #tpu.memory_space<vmem_shared>> -> memref<128x128xf32, #tpu.memory_space<vmem_shared>>
    %dma_wait3A_110 = arith.constant 0 : i32
    %dma_wait3A_111 = tpu.memref_slice %arg13[%mul3A_76, %dma_wait3A_110] : memref<10240x128xf32, #tpu.memory_space<vmem_shared>> -> memref<128x128xf32, #tpu.memory_space<vmem_shared>>
    tpu.wait_dma2 semaphore(%arg18 : memref<!tpu.dma_semaphore, #tpu.memory_space<semaphore_mem>>) src(%arg9 : memref<128x128xf32, #tpu.memory_space<vmem>>) dst(%dma_wait3A_111 : memref<128x128xf32, #tpu.memory_space<vmem_shared>>)
    %dma_wait3A_112 = arith.constant 0 : i32
    %dma_wait3A_113 = tpu.memref_slice %arg13[%mul3A_86, %dma_wait3A_112] : memref<10240x128xf32, #tpu.memory_space<vmem_shared>> -> memref<128x128xf32, #tpu.memory_space<vmem_shared>>
    %dma_wait3A_114 = arith.constant 0 : i32
    %dma_wait3A_115 = tpu.memref_slice %arg13[%mul3A_86, %dma_wait3A_114] : memref<10240x128xf32, #tpu.memory_space<vmem_shared>> -> memref<128x128xf32, #tpu.memory_space<vmem_shared>>
    tpu.wait_dma2 semaphore(%arg18 : memref<!tpu.dma_semaphore, #tpu.memory_space<semaphore_mem>>) src(%arg9 : memref<128x128xf32, #tpu.memory_space<vmem>>) dst(%dma_wait3A_115 : memref<128x128xf32, #tpu.memory_space<vmem_shared>>)
    %dma_wait3A_116 = arith.constant 0 : i32
    %dma_wait3A_117 = tpu.memref_slice %arg13[%mul3A_96, %dma_wait3A_116] : memref<10240x128xf32, #tpu.memory_space<vmem_shared>> -> memref<128x128xf32, #tpu.memory_space<vmem_shared>>
    %dma_wait3A_118 = arith.constant 0 : i32
    %dma_wait3A_119 = tpu.memref_slice %arg13[%mul3A_96, %dma_wait3A_118] : memref<10240x128xf32, #tpu.memory_space<vmem_shared>> -> memref<128x128xf32, #tpu.memory_space<vmem_shared>>
    tpu.wait_dma2 semaphore(%arg18 : memref<!tpu.dma_semaphore, #tpu.memory_space<semaphore_mem>>) src(%arg9 : memref<128x128xf32, #tpu.memory_space<vmem>>) dst(%dma_wait3A_119 : memref<128x128xf32, #tpu.memory_space<vmem_shared>>)
    %barrier3A = arith.constant 0 : index
    tpu.barrier barrier_id(%barrier3A)
    %dma_wait3A_120 = arith.constant 0 : i32
    %dma_wait3A_121 = arith.constant 0 : i32
    %dma_wait3A_122 = tpu.memref_slice %arg4[%add3A, %dma_wait3A_120, %dma_wait3A_121] : memref<32x79x128xi32, #tpu.memory_space<hbm>> -> memref<1x79x128xi32, #tpu.memory_space<hbm>>
    %dma_wait3A_123 = tpu.memref_squeeze %dma_wait3A_122 : memref<1x79x128xi32, #tpu.memory_space<hbm>> -> memref<79x128xi32, #tpu.memory_space<hbm>>
    %dma_wait3A_124 = arith.constant 0 : i32
    %dma_wait3A_125 = arith.constant 0 : i32
    %dma_wait3A_126 = tpu.memref_slice %arg4[%add3A, %dma_wait3A_124, %dma_wait3A_125] : memref<32x79x128xi32, #tpu.memory_space<hbm>> -> memref<1x79x128xi32, #tpu.memory_space<hbm>>
    %dma_wait3A_127 = tpu.memref_squeeze %dma_wait3A_126 : memref<1x79x128xi32, #tpu.memory_space<hbm>> -> memref<79x128xi32, #tpu.memory_space<hbm>>
    tpu.wait_dma2 semaphore(%arg15 : memref<!tpu.dma_semaphore, #tpu.memory_space<semaphore_mem>>) src(%dma_wait3A_127 : memref<79x128xi32, #tpu.memory_space<hbm>>) dst(%arg8 : memref<79x128xi32, #tpu.memory_space<vmem>>)
    %dma_wait3A_128 = arith.constant 0 : i32
    %dma_wait3A_129 = arith.constant 0 : i32
    %dma_wait3A_130 = arith.constant 0 : i32
    %dma_wait3A_131 = arith.constant 0 : i32
    %dma_wait3A_132 = tpu.memref_slice %arg7[%dma_wait3A_129, %dma_wait3A_130, %dma_wait3A_131] : memref<2x1x128xi32, #tpu.memory_space<vmem>> -> memref<1x1x128xi32, #tpu.memory_space<vmem>>
    %dma_wait3A_133 = tpu.memref_squeeze %dma_wait3A_132 : memref<1x1x128xi32, #tpu.memory_space<vmem>> -> memref<1x128xi32, #tpu.memory_space<vmem>>
    %dma_wait3A_134 = arith.constant 0 : i32
    %dma_wait3A_135 = arith.constant 0 : i32
    %dma_wait3A_136 = tpu.memref_slice %arg3[%add3A, %dma_wait3A_128, %dma_wait3A_134, %dma_wait3A_135] : memref<32x79x1x128xi32, #tpu.memory_space<hbm>> -> memref<1x1x1x128xi32, #tpu.memory_space<hbm>>
    %dma_wait3A_137 = tpu.memref_squeeze %dma_wait3A_136 : memref<1x1x1x128xi32, #tpu.memory_space<hbm>> -> memref<1x128xi32, #tpu.memory_space<hbm>>
    %dma_wait3A_138 = arith.constant 0 : i32
    %dma_wait3A_139 = arith.constant 0 : i32
    %dma_wait3A_140 = tpu.memref_slice %arg7[%dma_wait3A_129, %dma_wait3A_138, %dma_wait3A_139] : memref<2x1x128xi32, #tpu.memory_space<vmem>> -> memref<1x1x128xi32, #tpu.memory_space<vmem>>
    %dma_wait3A_141 = tpu.memref_squeeze %dma_wait3A_140 : memref<1x1x128xi32, #tpu.memory_space<vmem>> -> memref<1x128xi32, #tpu.memory_space<vmem>>
    %dma_wait3A_142 = arith.constant 0 : i32
    %dma_wait3A_143 = arith.constant 0 : i32
    %dma_wait3A_144 = tpu.memref_slice %arg3[%add3A, %dma_wait3A_128, %dma_wait3A_142, %dma_wait3A_143] : memref<32x79x1x128xi32, #tpu.memory_space<hbm>> -> memref<1x1x1x128xi32, #tpu.memory_space<hbm>>
    %dma_wait3A_145 = tpu.memref_squeeze %dma_wait3A_144 : memref<1x1x1x128xi32, #tpu.memory_space<hbm>> -> memref<1x128xi32, #tpu.memory_space<hbm>>
    tpu.wait_dma2 semaphore(%arg16 : memref<!tpu.dma_semaphore, #tpu.memory_space<semaphore_mem>>) src(%dma_wait3A_145 : memref<1x128xi32, #tpu.memory_space<hbm>>) dst(%dma_wait3A_141 : memref<1x128xi32, #tpu.memory_space<vmem>>)
    %dma_start3A_146 = arith.constant 0 : i32
    %dma_start3A_147 = arith.constant 0 : i32
    %dma_start3A_148 = arith.constant 0 : i32
    %dma_start3A_149 = tpu.memref_slice %arg7[%dma_start3A_146, %dma_start3A_147, %dma_start3A_148] : memref<2x1x128xi32, #tpu.memory_space<vmem>> -> memref<1x1x128xi32, #tpu.memory_space<vmem>>
    %dma_start3A_150 = tpu.memref_squeeze %dma_start3A_149 : memref<1x1x128xi32, #tpu.memory_space<vmem>> -> memref<128xi32, #tpu.memory_space<vmem>>
    %dma_start3A_151 = arith.constant 0 : i32
    %dma_start3A_152 = arith.constant 0 : i32
    %dma_start3A_153 = tpu.memref_slice %arg2[%dma_start3A_151, %dma_start3A_152] : memref<10000x128xf32, #tpu.memory_space<hbm>> -> memref<10000x128xf32, #tpu.memory_space<hbm>>
    tpu.enqueue_indirect_dma source(%dma_start3A_153 : memref<10000x128xf32, #tpu.memory_space<hbm>>) target(%arg9 : memref<128x128xf32, #tpu.memory_space<vmem>>) offsets(%dma_start3A_150 : memref<128xi32, #tpu.memory_space<vmem>>) semaphore(%arg18 : memref<!tpu.dma_semaphore, #tpu.memory_space<semaphore_mem>>)
    %dma_wait3A_154 = arith.constant 1 : i32
    %dma_wait3A_155 = arith.constant 1 : i32
    %dma_wait3A_156 = arith.constant 0 : i32
    %dma_wait3A_157 = arith.constant 0 : i32
    %dma_wait3A_158 = tpu.memref_slice %arg7[%dma_wait3A_155, %dma_wait3A_156, %dma_wait3A_157] : memref<2x1x128xi32, #tpu.memory_space<vmem>> -> memref<1x1x128xi32, #tpu.memory_space<vmem>>
    %dma_wait3A_159 = tpu.memref_squeeze %dma_wait3A_158 : memref<1x1x128xi32, #tpu.memory_space<vmem>> -> memref<1x128xi32, #tpu.memory_space<vmem>>
    %dma_wait3A_160 = arith.constant 0 : i32
    %dma_wait3A_161 = arith.constant 0 : i32
    %dma_wait3A_162 = tpu.memref_slice %arg3[%add3A, %dma_wait3A_154, %dma_wait3A_160, %dma_wait3A_161] : memref<32x79x1x128xi32, #tpu.memory_space<hbm>> -> memref<1x1x1x128xi32, #tpu.memory_space<hbm>>
    %dma_wait3A_163 = tpu.memref_squeeze %dma_wait3A_162 : memref<1x1x1x128xi32, #tpu.memory_space<hbm>> -> memref<1x128xi32, #tpu.memory_space<hbm>>
    %dma_wait3A_164 = arith.constant 0 : i32
    %dma_wait3A_165 = arith.constant 0 : i32
    %dma_wait3A_166 = tpu.memref_slice %arg7[%dma_wait3A_155, %dma_wait3A_164, %dma_wait3A_165] : memref<2x1x128xi32, #tpu.memory_space<vmem>> -> memref<1x1x128xi32, #tpu.memory_space<vmem>>
    %dma_wait3A_167 = tpu.memref_squeeze %dma_wait3A_166 : memref<1x1x128xi32, #tpu.memory_space<vmem>> -> memref<1x128xi32, #tpu.memory_space<vmem>>
    %dma_wait3A_168 = arith.constant 0 : i32
    %dma_wait3A_169 = arith.constant 0 : i32
    %dma_wait3A_170 = tpu.memref_slice %arg3[%add3A, %dma_wait3A_154, %dma_wait3A_168, %dma_wait3A_169] : memref<32x79x1x128xi32, #tpu.memory_space<hbm>> -> memref<1x1x1x128xi32, #tpu.memory_space<hbm>>
    %dma_wait3A_171 = tpu.memref_squeeze %dma_wait3A_170 : memref<1x1x1x128xi32, #tpu.memory_space<hbm>> -> memref<1x128xi32, #tpu.memory_space<hbm>>
    tpu.wait_dma2 semaphore(%arg17 : memref<!tpu.dma_semaphore, #tpu.memory_space<semaphore_mem>>) src(%dma_wait3A_171 : memref<1x128xi32, #tpu.memory_space<hbm>>) dst(%dma_wait3A_167 : memref<1x128xi32, #tpu.memory_space<vmem>>)
    %dma_wait3A_172 = arith.constant 0 : i32
    %dma_wait3A_173 = arith.constant 0 : i32
    %dma_wait3A_174 = arith.constant 0 : i32
    %dma_wait3A_175 = tpu.memref_slice %arg7[%dma_wait3A_172, %dma_wait3A_173, %dma_wait3A_174] : memref<2x1x128xi32, #tpu.memory_space<vmem>> -> memref<1x1x128xi32, #tpu.memory_space<vmem>>
    %dma_wait3A_176 = tpu.memref_squeeze %dma_wait3A_175 : memref<1x1x128xi32, #tpu.memory_space<vmem>> -> memref<128xi32, #tpu.memory_space<vmem>>
    %dma_wait3A_177 = arith.constant 0 : i32
    %dma_wait3A_178 = arith.constant 0 : i32
    %dma_wait3A_179 = tpu.memref_slice %arg2[%dma_wait3A_177, %dma_wait3A_178] : memref<10000x128xf32, #tpu.memory_space<hbm>> -> memref<10000x128xf32, #tpu.memory_space<hbm>>
    tpu.wait_indirect_dma semaphore(%arg18 : memref<!tpu.dma_semaphore, #tpu.memory_space<semaphore_mem>>) src(%dma_wait3A_179 : memref<10000x128xf32, #tpu.memory_space<hbm>>) dst(%arg9 : memref<128x128xf32, #tpu.memory_space<vmem>>)
    %dma_start3A_180 = arith.constant 2 : i32
    %dma_start3A_181 = arith.constant 0 : i32
    %dma_start3A_182 = arith.constant 0 : i32
    %dma_start3A_183 = arith.constant 0 : i32
    %dma_start3A_184 = tpu.memref_slice %arg7[%dma_start3A_181, %dma_start3A_182, %dma_start3A_183] : memref<2x1x128xi32, #tpu.memory_space<vmem>> -> memref<1x1x128xi32, #tpu.memory_space<vmem>>
    %dma_start3A_185 = tpu.memref_squeeze %dma_start3A_184 : memref<1x1x128xi32, #tpu.memory_space<vmem>> -> memref<1x128xi32, #tpu.memory_space<vmem>>
    %dma_start3A_186 = arith.constant 0 : i32
    %dma_start3A_187 = arith.constant 0 : i32
    %dma_start3A_188 = tpu.memref_slice %arg3[%add3A, %dma_start3A_180, %dma_start3A_186, %dma_start3A_187] : memref<32x79x1x128xi32, #tpu.memory_space<hbm>> -> memref<1x1x1x128xi32, #tpu.memory_space<hbm>>
    %dma_start3A_189 = tpu.memref_squeeze %dma_start3A_188 : memref<1x1x1x128xi32, #tpu.memory_space<hbm>> -> memref<1x128xi32, #tpu.memory_space<hbm>>
    %dma_start3A_190 = arith.constant 0 : i32
    %dma_start3A_191 = arith.constant 0 : i32
    %dma_start3A_192 = tpu.memref_slice %arg7[%dma_start3A_181, %dma_start3A_190, %dma_start3A_191] : memref<2x1x128xi32, #tpu.memory_space<vmem>> -> memref<1x1x128xi32, #tpu.memory_space<vmem>>
    %dma_start3A_193 = tpu.memref_squeeze %dma_start3A_192 : memref<1x1x128xi32, #tpu.memory_space<vmem>> -> memref<1x128xi32, #tpu.memory_space<vmem>>
    %dma_start3A_194 = arith.constant 0 : i32
    %dma_start3A_195 = arith.constant 0 : i32
    %dma_start3A_196 = tpu.memref_slice %arg3[%add3A, %dma_start3A_180, %dma_start3A_194, %dma_start3A_195] : memref<32x79x1x128xi32, #tpu.memory_space<hbm>> -> memref<1x1x1x128xi32, #tpu.memory_space<hbm>>
    %dma_start3A_197 = tpu.memref_squeeze %dma_start3A_196 : memref<1x1x1x128xi32, #tpu.memory_space<hbm>> -> memref<1x128xi32, #tpu.memory_space<hbm>>
    tpu.enqueue_dma source(%dma_start3A_197 : memref<1x128xi32, #tpu.memory_space<hbm>>) target(%dma_start3A_193 : memref<1x128xi32, #tpu.memory_space<vmem>>) target_semaphore(%arg16 : memref<!tpu.dma_semaphore, #tpu.memory_space<semaphore_mem>>)
    %dma_start3A_198 = arith.constant 1 : i32
    %dma_start3A_199 = arith.constant 0 : i32
    %dma_start3A_200 = arith.constant 0 : i32
    %dma_start3A_201 = tpu.memref_slice %arg7[%dma_start3A_198, %dma_start3A_199, %dma_start3A_200] : memref<2x1x128xi32, #tpu.memory_space<vmem>> -> memref<1x1x128xi32, #tpu.memory_space<vmem>>
    %dma_start3A_202 = tpu.memref_squeeze %dma_start3A_201 : memref<1x1x128xi32, #tpu.memory_space<vmem>> -> memref<128xi32, #tpu.memory_space<vmem>>
    %dma_start3A_203 = arith.constant 0 : i32
    %dma_start3A_204 = arith.constant 0 : i32
    %dma_start3A_205 = tpu.memref_slice %arg2[%dma_start3A_203, %dma_start3A_204] : memref<10000x128xf32, #tpu.memory_space<hbm>> -> memref<10000x128xf32, #tpu.memory_space<hbm>>
    tpu.enqueue_indirect_dma source(%dma_start3A_205 : memref<10000x128xf32, #tpu.memory_space<hbm>>) target(%arg10 : memref<128x128xf32, #tpu.memory_space<vmem>>) offsets(%dma_start3A_202 : memref<128xi32, #tpu.memory_space<vmem>>) semaphore(%arg19 : memref<!tpu.dma_semaphore, #tpu.memory_space<semaphore_mem>>)
    %dma_start3A_206 = arith.constant 0 : i32
    %dma_start3A_207 = arith.constant 0 : i32
    %dma_start3A_208 = tpu.memref_slice %arg8[%dma_start3A_206, %dma_start3A_207] : memref<79x128xi32, #tpu.memory_space<vmem>> -> memref<1x128xi32, #tpu.memory_space<vmem>>
    %dma_start3A_209 = tpu.memref_squeeze %dma_start3A_208 : memref<1x128xi32, #tpu.memory_space<vmem>> -> memref<128xi32, #tpu.memory_space<vmem>>
    %dma_start3A_210 = arith.constant 0 : i32
    %dma_start3A_211 = arith.constant 0 : i32
    %dma_start3A_212 = tpu.memref_slice %arg13[%dma_start3A_210, %dma_start3A_211] : memref<10240x128xf32, #tpu.memory_space<vmem_shared>> -> memref<10240x128xf32, #tpu.memory_space<vmem_shared>>
    tpu.enqueue_indirect_dma source(%arg9 : memref<128x128xf32, #tpu.memory_space<vmem>>) target(%dma_start3A_212 : memref<10240x128xf32, #tpu.memory_space<vmem_shared>>) offsets(%dma_start3A_209 : memref<128xi32, #tpu.memory_space<vmem>>) semaphore(%arg20 : memref<!tpu.dma_semaphore, #tpu.memory_space<semaphore_mem>>) {add = true}
    %scan3A_213 = arith.constant 0 : i32
    %scan3A_214 = arith.constant 0 : i32
    %scan3A_215 = arith.constant 38 : i32
    %scan3A_216 = arith.addi %scan3A_214, %scan3A_215 : i32
    %scan3A_217 = arith.constant 1 : i32
    %scan3A_218 = scf.for %scan3A_378 = %scan3A_214 to %scan3A_216 step %scan3A_217 iter_args(%scan3A_379 = %scan3A_213) -> (i32)  : i32 {
      %mul3A_380 = arith.constant 2 : i32
      %mul3A_381 = arith.muli %mul3A_380, %scan3A_378 : i32
      %add3A_382 = arith.constant 1 : i32
      %add3A_383 = arith.addi %mul3A_381, %add3A_382 : i32
      %jit3A = arith.constant 2 : i32
      %eq3A = arith.constant 0 : i32
      %eq3A_384 = arith.cmpi eq, %jit3A, %eq3A : i32
      %jit3A_385 = arith.constant 1 : i32
      %select_n3A = arith.select %eq3A_384, %jit3A_385, %jit3A : i32
      %rem3A = arith.remsi %add3A_383, %select_n3A : i32
      %ne3A = arith.constant 0 : i32
      %ne3A_386 = arith.cmpi ne, %rem3A, %ne3A : i32
      %lt3A = arith.constant 0 : i32
      %lt3A_387 = arith.cmpi slt, %rem3A, %lt3A : i32
      %lt3A_388 = arith.constant 0 : i32
      %lt3A_389 = arith.cmpi slt, %select_n3A, %lt3A_388 : i32
      %ne3A_390 = arith.xori %lt3A_387, %lt3A_389 : i1
      %and3A = arith.andi %ne3A_390, %ne3A_386 : i1
      %add3A_391 = arith.addi %rem3A, %select_n3A : i32
      %select_n3A_392 = arith.select %and3A, %add3A_391, %rem3A : i32
      %dma_wait3A_393 = arith.constant 0 : i32
      %dma_wait3A_394 = arith.constant 0 : i32
      %dma_wait3A_395 = tpu.memref_slice %arg7[%select_n3A_392, %dma_wait3A_393, %dma_wait3A_394] : memref<2x1x128xi32, #tpu.memory_space<vmem>> -> memref<1x1x128xi32, #tpu.memory_space<vmem>>
      %dma_wait3A_396 = tpu.memref_squeeze %dma_wait3A_395 : memref<1x1x128xi32, #tpu.memory_space<vmem>> -> memref<128xi32, #tpu.memory_space<vmem>>
      %dma_wait3A_397 = arith.constant 0 : i32
      %dma_wait3A_398 = arith.constant 0 : i32
      %dma_wait3A_399 = tpu.memref_slice %arg2[%dma_wait3A_397, %dma_wait3A_398] : memref<10000x128xf32, #tpu.memory_space<hbm>> -> memref<10000x128xf32, #tpu.memory_space<hbm>>
      tpu.wait_indirect_dma semaphore(%arg19 : memref<!tpu.dma_semaphore, #tpu.memory_space<semaphore_mem>>) src(%dma_wait3A_399 : memref<10000x128xf32, #tpu.memory_space<hbm>>) dst(%arg10 : memref<128x128xf32, #tpu.memory_space<vmem>>)
      %add3A_400 = arith.constant 2 : i32
      %add3A_401 = arith.addi %add3A_383, %add3A_400 : i32
      %jit3A_402 = arith.constant 2 : i32
      %eq3A_403 = arith.constant 0 : i32
      %eq3A_404 = arith.cmpi eq, %jit3A_402, %eq3A_403 : i32
      %jit3A_405 = arith.constant 1 : i32
      %select_n3A_406 = arith.select %eq3A_404, %jit3A_405, %jit3A_402 : i32
      %rem3A_407 = arith.remsi %add3A_401, %select_n3A_406 : i32
      %ne3A_408 = arith.constant 0 : i32
      %ne3A_409 = arith.cmpi ne, %rem3A_407, %ne3A_408 : i32
      %lt3A_410 = arith.constant 0 : i32
      %lt3A_411 = arith.cmpi slt, %rem3A_407, %lt3A_410 : i32
      %lt3A_412 = arith.constant 0 : i32
      %lt3A_413 = arith.cmpi slt, %select_n3A_406, %lt3A_412 : i32
      %ne3A_414 = arith.xori %lt3A_411, %lt3A_413 : i1
      %and3A_415 = arith.andi %ne3A_414, %ne3A_409 : i1
      %add3A_416 = arith.addi %rem3A_407, %select_n3A_406 : i32
      %select_n3A_417 = arith.select %and3A_415, %add3A_416, %rem3A_407 : i32
      %dma_start3A_418 = arith.constant 0 : i32
      %dma_start3A_419 = arith.constant 0 : i32
      %dma_start3A_420 = tpu.memref_slice %arg7[%select_n3A_417, %dma_start3A_418, %dma_start3A_419] : memref<2x1x128xi32, #tpu.memory_space<vmem>> -> memref<1x1x128xi32, #tpu.memory_space<vmem>>
      %dma_start3A_421 = tpu.memref_squeeze %dma_start3A_420 : memref<1x1x128xi32, #tpu.memory_space<vmem>> -> memref<1x128xi32, #tpu.memory_space<vmem>>
      %dma_start3A_422 = arith.constant 0 : i32
      %dma_start3A_423 = arith.constant 0 : i32
      %dma_start3A_424 = tpu.memref_slice %arg3[%add3A, %add3A_401, %dma_start3A_422, %dma_start3A_423] : memref<32x79x1x128xi32, #tpu.memory_space<hbm>> -> memref<1x1x1x128xi32, #tpu.memory_space<hbm>>
      %dma_start3A_425 = tpu.memref_squeeze %dma_start3A_424 : memref<1x1x1x128xi32, #tpu.memory_space<hbm>> -> memref<1x128xi32, #tpu.memory_space<hbm>>
      %dma_start3A_426 = arith.constant 0 : i32
      %dma_start3A_427 = arith.constant 0 : i32
      %dma_start3A_428 = tpu.memref_slice %arg7[%select_n3A_417, %dma_start3A_426, %dma_start3A_427] : memref<2x1x128xi32, #tpu.memory_space<vmem>> -> memref<1x1x128xi32, #tpu.memory_space<vmem>>
      %dma_start3A_429 = tpu.memref_squeeze %dma_start3A_428 : memref<1x1x128xi32, #tpu.memory_space<vmem>> -> memref<1x128xi32, #tpu.memory_space<vmem>>
      %dma_start3A_430 = arith.constant 0 : i32
      %dma_start3A_431 = arith.constant 0 : i32
      %dma_start3A_432 = tpu.memref_slice %arg3[%add3A, %add3A_401, %dma_start3A_430, %dma_start3A_431] : memref<32x79x1x128xi32, #tpu.memory_space<hbm>> -> memref<1x1x1x128xi32, #tpu.memory_space<hbm>>
      %dma_start3A_433 = tpu.memref_squeeze %dma_start3A_432 : memref<1x1x1x128xi32, #tpu.memory_space<hbm>> -> memref<1x128xi32, #tpu.memory_space<hbm>>
      tpu.enqueue_dma source(%dma_start3A_433 : memref<1x128xi32, #tpu.memory_space<hbm>>) target(%dma_start3A_429 : memref<1x128xi32, #tpu.memory_space<vmem>>) target_semaphore(%arg17 : memref<!tpu.dma_semaphore, #tpu.memory_space<semaphore_mem>>)
      %sub3A = arith.constant 1 : i32
      %sub3A_434 = arith.subi %add3A_383, %sub3A : i32
      %dma_wait3A_435 = arith.constant 0 : i32
      %dma_wait3A_436 = tpu.memref_slice %arg8[%sub3A_434, %dma_wait3A_435] : memref<79x128xi32, #tpu.memory_space<vmem>> -> memref<1x128xi32, #tpu.memory_space<vmem>>
      %dma_wait3A_437 = tpu.memref_squeeze %dma_wait3A_436 : memref<1x128xi32, #tpu.memory_space<vmem>> -> memref<128xi32, #tpu.memory_space<vmem>>
      %dma_wait3A_438 = arith.constant 0 : i32
      %dma_wait3A_439 = arith.constant 0 : i32
      %dma_wait3A_440 = tpu.memref_slice %arg13[%dma_wait3A_438, %dma_wait3A_439] : memref<10240x128xf32, #tpu.memory_space<vmem_shared>> -> memref<10240x128xf32, #tpu.memory_space<vmem_shared>>
      tpu.wait_indirect_dma semaphore(%arg20 : memref<!tpu.dma_semaphore, #tpu.memory_space<semaphore_mem>>) src(%arg9 : memref<128x128xf32, #tpu.memory_space<vmem>>) dst(%dma_wait3A_440 : memref<10240x128xf32, #tpu.memory_space<vmem_shared>>)
      %add3A_441 = arith.constant 1 : i32
      %add3A_442 = arith.addi %add3A_383, %add3A_441 : i32
      %jit3A_443 = arith.constant 2 : i32
      %eq3A_444 = arith.constant 0 : i32
      %eq3A_445 = arith.cmpi eq, %jit3A_443, %eq3A_444 : i32
      %jit3A_446 = arith.constant 1 : i32
      %select_n3A_447 = arith.select %eq3A_445, %jit3A_446, %jit3A_443 : i32
      %rem3A_448 = arith.remsi %add3A_442, %select_n3A_447 : i32
      %ne3A_449 = arith.constant 0 : i32
      %ne3A_450 = arith.cmpi ne, %rem3A_448, %ne3A_449 : i32
      %lt3A_451 = arith.constant 0 : i32
      %lt3A_452 = arith.cmpi slt, %rem3A_448, %lt3A_451 : i32
      %lt3A_453 = arith.constant 0 : i32
      %lt3A_454 = arith.cmpi slt, %select_n3A_447, %lt3A_453 : i32
      %ne3A_455 = arith.xori %lt3A_452, %lt3A_454 : i1
      %and3A_456 = arith.andi %ne3A_455, %ne3A_450 : i1
      %add3A_457 = arith.addi %rem3A_448, %select_n3A_447 : i32
      %select_n3A_458 = arith.select %and3A_456, %add3A_457, %rem3A_448 : i32
      %dma_wait3A_459 = arith.constant 0 : i32
      %dma_wait3A_460 = arith.constant 0 : i32
      %dma_wait3A_461 = tpu.memref_slice %arg7[%select_n3A_458, %dma_wait3A_459, %dma_wait3A_460] : memref<2x1x128xi32, #tpu.memory_space<vmem>> -> memref<1x1x128xi32, #tpu.memory_space<vmem>>
      %dma_wait3A_462 = tpu.memref_squeeze %dma_wait3A_461 : memref<1x1x128xi32, #tpu.memory_space<vmem>> -> memref<1x128xi32, #tpu.memory_space<vmem>>
      %dma_wait3A_463 = arith.constant 0 : i32
      %dma_wait3A_464 = arith.constant 0 : i32
      %dma_wait3A_465 = tpu.memref_slice %arg3[%add3A, %add3A_442, %dma_wait3A_463, %dma_wait3A_464] : memref<32x79x1x128xi32, #tpu.memory_space<hbm>> -> memref<1x1x1x128xi32, #tpu.memory_space<hbm>>
      %dma_wait3A_466 = tpu.memref_squeeze %dma_wait3A_465 : memref<1x1x1x128xi32, #tpu.memory_space<hbm>> -> memref<1x128xi32, #tpu.memory_space<hbm>>
      %dma_wait3A_467 = arith.constant 0 : i32
      %dma_wait3A_468 = arith.constant 0 : i32
      %dma_wait3A_469 = tpu.memref_slice %arg7[%select_n3A_458, %dma_wait3A_467, %dma_wait3A_468] : memref<2x1x128xi32, #tpu.memory_space<vmem>> -> memref<1x1x128xi32, #tpu.memory_space<vmem>>
      %dma_wait3A_470 = tpu.memref_squeeze %dma_wait3A_469 : memref<1x1x128xi32, #tpu.memory_space<vmem>> -> memref<1x128xi32, #tpu.memory_space<vmem>>
      %dma_wait3A_471 = arith.constant 0 : i32
      %dma_wait3A_472 = arith.constant 0 : i32
      %dma_wait3A_473 = tpu.memref_slice %arg3[%add3A, %add3A_442, %dma_wait3A_471, %dma_wait3A_472] : memref<32x79x1x128xi32, #tpu.memory_space<hbm>> -> memref<1x1x1x128xi32, #tpu.memory_space<hbm>>
      %dma_wait3A_474 = tpu.memref_squeeze %dma_wait3A_473 : memref<1x1x1x128xi32, #tpu.memory_space<hbm>> -> memref<1x128xi32, #tpu.memory_space<hbm>>
      tpu.wait_dma2 semaphore(%arg16 : memref<!tpu.dma_semaphore, #tpu.memory_space<semaphore_mem>>) src(%dma_wait3A_474 : memref<1x128xi32, #tpu.memory_space<hbm>>) dst(%dma_wait3A_470 : memref<1x128xi32, #tpu.memory_space<vmem>>)
      %add3A_475 = arith.constant 1 : i32
      %add3A_476 = arith.addi %add3A_383, %add3A_475 : i32
      %jit3A_477 = arith.constant 2 : i32
      %eq3A_478 = arith.constant 0 : i32
      %eq3A_479 = arith.cmpi eq, %jit3A_477, %eq3A_478 : i32
      %jit3A_480 = arith.constant 1 : i32
      %select_n3A_481 = arith.select %eq3A_479, %jit3A_480, %jit3A_477 : i32
      %rem3A_482 = arith.remsi %add3A_476, %select_n3A_481 : i32
      %ne3A_483 = arith.constant 0 : i32
      %ne3A_484 = arith.cmpi ne, %rem3A_482, %ne3A_483 : i32
      %lt3A_485 = arith.constant 0 : i32
      %lt3A_486 = arith.cmpi slt, %rem3A_482, %lt3A_485 : i32
      %lt3A_487 = arith.constant 0 : i32
      %lt3A_488 = arith.cmpi slt, %select_n3A_481, %lt3A_487 : i32
      %ne3A_489 = arith.xori %lt3A_486, %lt3A_488 : i1
      %and3A_490 = arith.andi %ne3A_489, %ne3A_484 : i1
      %add3A_491 = arith.addi %rem3A_482, %select_n3A_481 : i32
      %select_n3A_492 = arith.select %and3A_490, %add3A_491, %rem3A_482 : i32
      %dma_start3A_493 = arith.constant 0 : i32
      %dma_start3A_494 = arith.constant 0 : i32
      %dma_start3A_495 = tpu.memref_slice %arg7[%select_n3A_492, %dma_start3A_493, %dma_start3A_494] : memref<2x1x128xi32, #tpu.memory_space<vmem>> -> memref<1x1x128xi32, #tpu.memory_space<vmem>>
      %dma_start3A_496 = tpu.memref_squeeze %dma_start3A_495 : memref<1x1x128xi32, #tpu.memory_space<vmem>> -> memref<128xi32, #tpu.memory_space<vmem>>
      %dma_start3A_497 = arith.constant 0 : i32
      %dma_start3A_498 = arith.constant 0 : i32
      %dma_start3A_499 = tpu.memref_slice %arg2[%dma_start3A_497, %dma_start3A_498] : memref<10000x128xf32, #tpu.memory_space<hbm>> -> memref<10000x128xf32, #tpu.memory_space<hbm>>
      tpu.enqueue_indirect_dma source(%dma_start3A_499 : memref<10000x128xf32, #tpu.memory_space<hbm>>) target(%arg9 : memref<128x128xf32, #tpu.memory_space<vmem>>) offsets(%dma_start3A_496 : memref<128xi32, #tpu.memory_space<vmem>>) semaphore(%arg18 : memref<!tpu.dma_semaphore, #tpu.memory_space<semaphore_mem>>)
      %dma_start3A_500 = arith.constant 0 : i32
      %dma_start3A_501 = tpu.memref_slice %arg8[%add3A_383, %dma_start3A_500] : memref<79x128xi32, #tpu.memory_space<vmem>> -> memref<1x128xi32, #tpu.memory_space<vmem>>
      %dma_start3A_502 = tpu.memref_squeeze %dma_start3A_501 : memref<1x128xi32, #tpu.memory_space<vmem>> -> memref<128xi32, #tpu.memory_space<vmem>>
      %dma_start3A_503 = arith.constant 0 : i32
      %dma_start3A_504 = arith.constant 0 : i32
      %dma_start3A_505 = tpu.memref_slice %arg13[%dma_start3A_503, %dma_start3A_504] : memref<10240x128xf32, #tpu.memory_space<vmem_shared>> -> memref<10240x128xf32, #tpu.memory_space<vmem_shared>>
      tpu.enqueue_indirect_dma source(%arg10 : memref<128x128xf32, #tpu.memory_space<vmem>>) target(%dma_start3A_505 : memref<10240x128xf32, #tpu.memory_space<vmem_shared>>) offsets(%dma_start3A_502 : memref<128xi32, #tpu.memory_space<vmem>>) semaphore(%arg21 : memref<!tpu.dma_semaphore, #tpu.memory_space<semaphore_mem>>) {add = true}
      %add3A_506 = arith.constant 1 : i32
      %add3A_507 = arith.addi %add3A_383, %add3A_506 : i32
      %jit3A_508 = arith.constant 2 : i32
      %eq3A_509 = arith.constant 0 : i32
      %eq3A_510 = arith.cmpi eq, %jit3A_508, %eq3A_509 : i32
      %jit3A_511 = arith.constant 1 : i32
      %select_n3A_512 = arith.select %eq3A_510, %jit3A_511, %jit3A_508 : i32
      %rem3A_513 = arith.remsi %add3A_507, %select_n3A_512 : i32
      %ne3A_514 = arith.constant 0 : i32
      %ne3A_515 = arith.cmpi ne, %rem3A_513, %ne3A_514 : i32
      %lt3A_516 = arith.constant 0 : i32
      %lt3A_517 = arith.cmpi slt, %rem3A_513, %lt3A_516 : i32
      %lt3A_518 = arith.constant 0 : i32
      %lt3A_519 = arith.cmpi slt, %select_n3A_512, %lt3A_518 : i32
      %ne3A_520 = arith.xori %lt3A_517, %lt3A_519 : i1
      %and3A_521 = arith.andi %ne3A_520, %ne3A_515 : i1
      %add3A_522 = arith.addi %rem3A_513, %select_n3A_512 : i32
      %select_n3A_523 = arith.select %and3A_521, %add3A_522, %rem3A_513 : i32
      %dma_wait3A_524 = arith.constant 0 : i32
      %dma_wait3A_525 = arith.constant 0 : i32
      %dma_wait3A_526 = tpu.memref_slice %arg7[%select_n3A_523, %dma_wait3A_524, %dma_wait3A_525] : memref<2x1x128xi32, #tpu.memory_space<vmem>> -> memref<1x1x128xi32, #tpu.memory_space<vmem>>
      %dma_wait3A_527 = tpu.memref_squeeze %dma_wait3A_526 : memref<1x1x128xi32, #tpu.memory_space<vmem>> -> memref<128xi32, #tpu.memory_space<vmem>>
      %dma_wait3A_528 = arith.constant 0 : i32
      %dma_wait3A_529 = arith.constant 0 : i32
      %dma_wait3A_530 = tpu.memref_slice %arg2[%dma_wait3A_528, %dma_wait3A_529] : memref<10000x128xf32, #tpu.memory_space<hbm>> -> memref<10000x128xf32, #tpu.memory_space<hbm>>
      tpu.wait_indirect_dma semaphore(%arg18 : memref<!tpu.dma_semaphore, #tpu.memory_space<semaphore_mem>>) src(%dma_wait3A_530 : memref<10000x128xf32, #tpu.memory_space<hbm>>) dst(%arg9 : memref<128x128xf32, #tpu.memory_space<vmem>>)
      %add3A_531 = arith.constant 3 : i32
      %add3A_532 = arith.addi %add3A_383, %add3A_531 : i32
      %jit3A_533 = arith.constant 2 : i32
      %eq3A_534 = arith.constant 0 : i32
      %eq3A_535 = arith.cmpi eq, %jit3A_533, %eq3A_534 : i32
      %jit3A_536 = arith.constant 1 : i32
      %select_n3A_537 = arith.select %eq3A_535, %jit3A_536, %jit3A_533 : i32
      %rem3A_538 = arith.remsi %add3A_532, %select_n3A_537 : i32
      %ne3A_539 = arith.constant 0 : i32
      %ne3A_540 = arith.cmpi ne, %rem3A_538, %ne3A_539 : i32
      %lt3A_541 = arith.constant 0 : i32
      %lt3A_542 = arith.cmpi slt, %rem3A_538, %lt3A_541 : i32
      %lt3A_543 = arith.constant 0 : i32
      %lt3A_544 = arith.cmpi slt, %select_n3A_537, %lt3A_543 : i32
      %ne3A_545 = arith.xori %lt3A_542, %lt3A_544 : i1
      %and3A_546 = arith.andi %ne3A_545, %ne3A_540 : i1
      %add3A_547 = arith.addi %rem3A_538, %select_n3A_537 : i32
      %select_n3A_548 = arith.select %and3A_546, %add3A_547, %rem3A_538 : i32
      %dma_start3A_549 = arith.constant 0 : i32
      %dma_start3A_550 = arith.constant 0 : i32
      %dma_start3A_551 = tpu.memref_slice %arg7[%select_n3A_548, %dma_start3A_549, %dma_start3A_550] : memref<2x1x128xi32, #tpu.memory_space<vmem>> -> memref<1x1x128xi32, #tpu.memory_space<vmem>>
      %dma_start3A_552 = tpu.memref_squeeze %dma_start3A_551 : memref<1x1x128xi32, #tpu.memory_space<vmem>> -> memref<1x128xi32, #tpu.memory_space<vmem>>
      %dma_start3A_553 = arith.constant 0 : i32
      %dma_start3A_554 = arith.constant 0 : i32
      %dma_start3A_555 = tpu.memref_slice %arg3[%add3A, %add3A_532, %dma_start3A_553, %dma_start3A_554] : memref<32x79x1x128xi32, #tpu.memory_space<hbm>> -> memref<1x1x1x128xi32, #tpu.memory_space<hbm>>
      %dma_start3A_556 = tpu.memref_squeeze %dma_start3A_555 : memref<1x1x1x128xi32, #tpu.memory_space<hbm>> -> memref<1x128xi32, #tpu.memory_space<hbm>>
      %dma_start3A_557 = arith.constant 0 : i32
      %dma_start3A_558 = arith.constant 0 : i32
      %dma_start3A_559 = tpu.memref_slice %arg7[%select_n3A_548, %dma_start3A_557, %dma_start3A_558] : memref<2x1x128xi32, #tpu.memory_space<vmem>> -> memref<1x1x128xi32, #tpu.memory_space<vmem>>
      %dma_start3A_560 = tpu.memref_squeeze %dma_start3A_559 : memref<1x1x128xi32, #tpu.memory_space<vmem>> -> memref<1x128xi32, #tpu.memory_space<vmem>>
      %dma_start3A_561 = arith.constant 0 : i32
      %dma_start3A_562 = arith.constant 0 : i32
      %dma_start3A_563 = tpu.memref_slice %arg3[%add3A, %add3A_532, %dma_start3A_561, %dma_start3A_562] : memref<32x79x1x128xi32, #tpu.memory_space<hbm>> -> memref<1x1x1x128xi32, #tpu.memory_space<hbm>>
      %dma_start3A_564 = tpu.memref_squeeze %dma_start3A_563 : memref<1x1x1x128xi32, #tpu.memory_space<hbm>> -> memref<1x128xi32, #tpu.memory_space<hbm>>
      tpu.enqueue_dma source(%dma_start3A_564 : memref<1x128xi32, #tpu.memory_space<hbm>>) target(%dma_start3A_560 : memref<1x128xi32, #tpu.memory_space<vmem>>) target_semaphore(%arg16 : memref<!tpu.dma_semaphore, #tpu.memory_space<semaphore_mem>>)
      %dma_wait3A_565 = arith.constant 0 : i32
      %dma_wait3A_566 = tpu.memref_slice %arg8[%add3A_383, %dma_wait3A_565] : memref<79x128xi32, #tpu.memory_space<vmem>> -> memref<1x128xi32, #tpu.memory_space<vmem>>
      %dma_wait3A_567 = tpu.memref_squeeze %dma_wait3A_566 : memref<1x128xi32, #tpu.memory_space<vmem>> -> memref<128xi32, #tpu.memory_space<vmem>>
      %dma_wait3A_568 = arith.constant 0 : i32
      %dma_wait3A_569 = arith.constant 0 : i32
      %dma_wait3A_570 = tpu.memref_slice %arg13[%dma_wait3A_568, %dma_wait3A_569] : memref<10240x128xf32, #tpu.memory_space<vmem_shared>> -> memref<10240x128xf32, #tpu.memory_space<vmem_shared>>
      tpu.wait_indirect_dma semaphore(%arg21 : memref<!tpu.dma_semaphore, #tpu.memory_space<semaphore_mem>>) src(%arg10 : memref<128x128xf32, #tpu.memory_space<vmem>>) dst(%dma_wait3A_570 : memref<10240x128xf32, #tpu.memory_space<vmem_shared>>)
      %add3A_571 = arith.constant 2 : i32
      %add3A_572 = arith.addi %add3A_383, %add3A_571 : i32
      %jit3A_573 = arith.constant 2 : i32
      %eq3A_574 = arith.constant 0 : i32
      %eq3A_575 = arith.cmpi eq, %jit3A_573, %eq3A_574 : i32
      %jit3A_576 = arith.constant 1 : i32
      %select_n3A_577 = arith.select %eq3A_575, %jit3A_576, %jit3A_573 : i32
      %rem3A_578 = arith.remsi %add3A_572, %select_n3A_577 : i32
      %ne3A_579 = arith.constant 0 : i32
      %ne3A_580 = arith.cmpi ne, %rem3A_578, %ne3A_579 : i32
      %lt3A_581 = arith.constant 0 : i32
      %lt3A_582 = arith.cmpi slt, %rem3A_578, %lt3A_581 : i32
      %lt3A_583 = arith.constant 0 : i32
      %lt3A_584 = arith.cmpi slt, %select_n3A_577, %lt3A_583 : i32
      %ne3A_585 = arith.xori %lt3A_582, %lt3A_584 : i1
      %and3A_586 = arith.andi %ne3A_585, %ne3A_580 : i1
      %add3A_587 = arith.addi %rem3A_578, %select_n3A_577 : i32
      %select_n3A_588 = arith.select %and3A_586, %add3A_587, %rem3A_578 : i32
      %dma_wait3A_589 = arith.constant 0 : i32
      %dma_wait3A_590 = arith.constant 0 : i32
      %dma_wait3A_591 = tpu.memref_slice %arg7[%select_n3A_588, %dma_wait3A_589, %dma_wait3A_590] : memref<2x1x128xi32, #tpu.memory_space<vmem>> -> memref<1x1x128xi32, #tpu.memory_space<vmem>>
      %dma_wait3A_592 = tpu.memref_squeeze %dma_wait3A_591 : memref<1x1x128xi32, #tpu.memory_space<vmem>> -> memref<1x128xi32, #tpu.memory_space<vmem>>
      %dma_wait3A_593 = arith.constant 0 : i32
      %dma_wait3A_594 = arith.constant 0 : i32
      %dma_wait3A_595 = tpu.memref_slice %arg3[%add3A, %add3A_572, %dma_wait3A_593, %dma_wait3A_594] : memref<32x79x1x128xi32, #tpu.memory_space<hbm>> -> memref<1x1x1x128xi32, #tpu.memory_space<hbm>>
      %dma_wait3A_596 = tpu.memref_squeeze %dma_wait3A_595 : memref<1x1x1x128xi32, #tpu.memory_space<hbm>> -> memref<1x128xi32, #tpu.memory_space<hbm>>
      %dma_wait3A_597 = arith.constant 0 : i32
      %dma_wait3A_598 = arith.constant 0 : i32
      %dma_wait3A_599 = tpu.memref_slice %arg7[%select_n3A_588, %dma_wait3A_597, %dma_wait3A_598] : memref<2x1x128xi32, #tpu.memory_space<vmem>> -> memref<1x1x128xi32, #tpu.memory_space<vmem>>
      %dma_wait3A_600 = tpu.memref_squeeze %dma_wait3A_599 : memref<1x1x128xi32, #tpu.memory_space<vmem>> -> memref<1x128xi32, #tpu.memory_space<vmem>>
      %dma_wait3A_601 = arith.constant 0 : i32
      %dma_wait3A_602 = arith.constant 0 : i32
      %dma_wait3A_603 = tpu.memref_slice %arg3[%add3A, %add3A_572, %dma_wait3A_601, %dma_wait3A_602] : memref<32x79x1x128xi32, #tpu.memory_space<hbm>> -> memref<1x1x1x128xi32, #tpu.memory_space<hbm>>
      %dma_wait3A_604 = tpu.memref_squeeze %dma_wait3A_603 : memref<1x1x1x128xi32, #tpu.memory_space<hbm>> -> memref<1x128xi32, #tpu.memory_space<hbm>>
      tpu.wait_dma2 semaphore(%arg17 : memref<!tpu.dma_semaphore, #tpu.memory_space<semaphore_mem>>) src(%dma_wait3A_604 : memref<1x128xi32, #tpu.memory_space<hbm>>) dst(%dma_wait3A_600 : memref<1x128xi32, #tpu.memory_space<vmem>>)
      %add3A_605 = arith.constant 2 : i32
      %add3A_606 = arith.addi %add3A_383, %add3A_605 : i32
      %jit3A_607 = arith.constant 2 : i32
      %eq3A_608 = arith.constant 0 : i32
      %eq3A_609 = arith.cmpi eq, %jit3A_607, %eq3A_608 : i32
      %jit3A_610 = arith.constant 1 : i32
      %select_n3A_611 = arith.select %eq3A_609, %jit3A_610, %jit3A_607 : i32
      %rem3A_612 = arith.remsi %add3A_606, %select_n3A_611 : i32
      %ne3A_613 = arith.constant 0 : i32
      %ne3A_614 = arith.cmpi ne, %rem3A_612, %ne3A_613 : i32
      %lt3A_615 = arith.constant 0 : i32
      %lt3A_616 = arith.cmpi slt, %rem3A_612, %lt3A_615 : i32
      %lt3A_617 = arith.constant 0 : i32
      %lt3A_618 = arith.cmpi slt, %select_n3A_611, %lt3A_617 : i32
      %ne3A_619 = arith.xori %lt3A_616, %lt3A_618 : i1
      %and3A_620 = arith.andi %ne3A_619, %ne3A_614 : i1
      %add3A_621 = arith.addi %rem3A_612, %select_n3A_611 : i32
      %select_n3A_622 = arith.select %and3A_620, %add3A_621, %rem3A_612 : i32
      %dma_start3A_623 = arith.constant 0 : i32
      %dma_start3A_624 = arith.constant 0 : i32
      %dma_start3A_625 = tpu.memref_slice %arg7[%select_n3A_622, %dma_start3A_623, %dma_start3A_624] : memref<2x1x128xi32, #tpu.memory_space<vmem>> -> memref<1x1x128xi32, #tpu.memory_space<vmem>>
      %dma_start3A_626 = tpu.memref_squeeze %dma_start3A_625 : memref<1x1x128xi32, #tpu.memory_space<vmem>> -> memref<128xi32, #tpu.memory_space<vmem>>
      %dma_start3A_627 = arith.constant 0 : i32
      %dma_start3A_628 = arith.constant 0 : i32
      %dma_start3A_629 = tpu.memref_slice %arg2[%dma_start3A_627, %dma_start3A_628] : memref<10000x128xf32, #tpu.memory_space<hbm>> -> memref<10000x128xf32, #tpu.memory_space<hbm>>
      tpu.enqueue_indirect_dma source(%dma_start3A_629 : memref<10000x128xf32, #tpu.memory_space<hbm>>) target(%arg10 : memref<128x128xf32, #tpu.memory_space<vmem>>) offsets(%dma_start3A_626 : memref<128xi32, #tpu.memory_space<vmem>>) semaphore(%arg19 : memref<!tpu.dma_semaphore, #tpu.memory_space<semaphore_mem>>)
      %add3A_630 = arith.constant 1 : i32
      %add3A_631 = arith.addi %add3A_383, %add3A_630 : i32
      %dma_start3A_632 = arith.constant 0 : i32
      %dma_start3A_633 = tpu.memref_slice %arg8[%add3A_631, %dma_start3A_632] : memref<79x128xi32, #tpu.memory_space<vmem>> -> memref<1x128xi32, #tpu.memory_space<vmem>>
      %dma_start3A_634 = tpu.memref_squeeze %dma_start3A_633 : memref<1x128xi32, #tpu.memory_space<vmem>> -> memref<128xi32, #tpu.memory_space<vmem>>
      %dma_start3A_635 = arith.constant 0 : i32
      %dma_start3A_636 = arith.constant 0 : i32
      %dma_start3A_637 = tpu.memref_slice %arg13[%dma_start3A_635, %dma_start3A_636] : memref<10240x128xf32, #tpu.memory_space<vmem_shared>> -> memref<10240x128xf32, #tpu.memory_space<vmem_shared>>
      tpu.enqueue_indirect_dma source(%arg9 : memref<128x128xf32, #tpu.memory_space<vmem>>) target(%dma_start3A_637 : memref<10240x128xf32, #tpu.memory_space<vmem_shared>>) offsets(%dma_start3A_634 : memref<128xi32, #tpu.memory_space<vmem>>) semaphore(%arg20 : memref<!tpu.dma_semaphore, #tpu.memory_space<semaphore_mem>>) {add = true}
      %add3A_638 = arith.constant 1 : i32
      %add3A_639 = arith.addi %add3A_383, %add3A_638 : i32
      %scan3A_640 = arith.constant 0 : i32
      scf.yield %scan3A_640 : i32
    }
    %scan3A_219 = arith.constant 38 : i32
    %dma_wait3A_220 = arith.constant 1 : i32
    %dma_wait3A_221 = arith.constant 0 : i32
    %dma_wait3A_222 = arith.constant 0 : i32
    %dma_wait3A_223 = tpu.memref_slice %arg7[%dma_wait3A_220, %dma_wait3A_221, %dma_wait3A_222] : memref<2x1x128xi32, #tpu.memory_space<vmem>> -> memref<1x1x128xi32, #tpu.memory_space<vmem>>
    %dma_wait3A_224 = tpu.memref_squeeze %dma_wait3A_223 : memref<1x1x128xi32, #tpu.memory_space<vmem>> -> memref<128xi32, #tpu.memory_space<vmem>>
    %dma_wait3A_225 = arith.constant 0 : i32
    %dma_wait3A_226 = arith.constant 0 : i32
    %dma_wait3A_227 = tpu.memref_slice %arg2[%dma_wait3A_225, %dma_wait3A_226] : memref<10000x128xf32, #tpu.memory_space<hbm>> -> memref<10000x128xf32, #tpu.memory_space<hbm>>
    tpu.wait_indirect_dma semaphore(%arg19 : memref<!tpu.dma_semaphore, #tpu.memory_space<semaphore_mem>>) src(%dma_wait3A_227 : memref<10000x128xf32, #tpu.memory_space<hbm>>) dst(%arg10 : memref<128x128xf32, #tpu.memory_space<vmem>>)
    %dma_wait3A_228 = arith.constant 76 : i32
    %dma_wait3A_229 = arith.constant 0 : i32
    %dma_wait3A_230 = tpu.memref_slice %arg8[%dma_wait3A_228, %dma_wait3A_229] : memref<79x128xi32, #tpu.memory_space<vmem>> -> memref<1x128xi32, #tpu.memory_space<vmem>>
    %dma_wait3A_231 = tpu.memref_squeeze %dma_wait3A_230 : memref<1x128xi32, #tpu.memory_space<vmem>> -> memref<128xi32, #tpu.memory_space<vmem>>
    %dma_wait3A_232 = arith.constant 0 : i32
    %dma_wait3A_233 = arith.constant 0 : i32
    %dma_wait3A_234 = tpu.memref_slice %arg13[%dma_wait3A_232, %dma_wait3A_233] : memref<10240x128xf32, #tpu.memory_space<vmem_shared>> -> memref<10240x128xf32, #tpu.memory_space<vmem_shared>>
    tpu.wait_indirect_dma semaphore(%arg20 : memref<!tpu.dma_semaphore, #tpu.memory_space<semaphore_mem>>) src(%arg9 : memref<128x128xf32, #tpu.memory_space<vmem>>) dst(%dma_wait3A_234 : memref<10240x128xf32, #tpu.memory_space<vmem_shared>>)
    %dma_wait3A_235 = arith.constant 78 : i32
    %dma_wait3A_236 = arith.constant 0 : i32
    %dma_wait3A_237 = arith.constant 0 : i32
    %dma_wait3A_238 = arith.constant 0 : i32
    %dma_wait3A_239 = tpu.memref_slice %arg7[%dma_wait3A_236, %dma_wait3A_237, %dma_wait3A_238] : memref<2x1x128xi32, #tpu.memory_space<vmem>> -> memref<1x1x128xi32, #tpu.memory_space<vmem>>
    %dma_wait3A_240 = tpu.memref_squeeze %dma_wait3A_239 : memref<1x1x128xi32, #tpu.memory_space<vmem>> -> memref<1x128xi32, #tpu.memory_space<vmem>>
    %dma_wait3A_241 = arith.constant 0 : i32
    %dma_wait3A_242 = arith.constant 0 : i32
    %dma_wait3A_243 = tpu.memref_slice %arg3[%add3A, %dma_wait3A_235, %dma_wait3A_241, %dma_wait3A_242] : memref<32x79x1x128xi32, #tpu.memory_space<hbm>> -> memref<1x1x1x128xi32, #tpu.memory_space<hbm>>
    %dma_wait3A_244 = tpu.memref_squeeze %dma_wait3A_243 : memref<1x1x1x128xi32, #tpu.memory_space<hbm>> -> memref<1x128xi32, #tpu.memory_space<hbm>>
    %dma_wait3A_245 = arith.constant 0 : i32
    %dma_wait3A_246 = arith.constant 0 : i32
    %dma_wait3A_247 = tpu.memref_slice %arg7[%dma_wait3A_236, %dma_wait3A_245, %dma_wait3A_246] : memref<2x1x128xi32, #tpu.memory_space<vmem>> -> memref<1x1x128xi32, #tpu.memory_space<vmem>>
    %dma_wait3A_248 = tpu.memref_squeeze %dma_wait3A_247 : memref<1x1x128xi32, #tpu.memory_space<vmem>> -> memref<1x128xi32, #tpu.memory_space<vmem>>
    %dma_wait3A_249 = arith.constant 0 : i32
    %dma_wait3A_250 = arith.constant 0 : i32
    %dma_wait3A_251 = tpu.memref_slice %arg3[%add3A, %dma_wait3A_235, %dma_wait3A_249, %dma_wait3A_250] : memref<32x79x1x128xi32, #tpu.memory_space<hbm>> -> memref<1x1x1x128xi32, #tpu.memory_space<hbm>>
    %dma_wait3A_252 = tpu.memref_squeeze %dma_wait3A_251 : memref<1x1x1x128xi32, #tpu.memory_space<hbm>> -> memref<1x128xi32, #tpu.memory_space<hbm>>
    tpu.wait_dma2 semaphore(%arg16 : memref<!tpu.dma_semaphore, #tpu.memory_space<semaphore_mem>>) src(%dma_wait3A_252 : memref<1x128xi32, #tpu.memory_space<hbm>>) dst(%dma_wait3A_248 : memref<1x128xi32, #tpu.memory_space<vmem>>)
    %dma_start3A_253 = arith.constant 0 : i32
    %dma_start3A_254 = arith.constant 0 : i32
    %dma_start3A_255 = arith.constant 0 : i32
    %dma_start3A_256 = tpu.memref_slice %arg7[%dma_start3A_253, %dma_start3A_254, %dma_start3A_255] : memref<2x1x128xi32, #tpu.memory_space<vmem>> -> memref<1x1x128xi32, #tpu.memory_space<vmem>>
    %dma_start3A_257 = tpu.memref_squeeze %dma_start3A_256 : memref<1x1x128xi32, #tpu.memory_space<vmem>> -> memref<128xi32, #tpu.memory_space<vmem>>
    %dma_start3A_258 = arith.constant 0 : i32
    %dma_start3A_259 = arith.constant 0 : i32
    %dma_start3A_260 = tpu.memref_slice %arg2[%dma_start3A_258, %dma_start3A_259] : memref<10000x128xf32, #tpu.memory_space<hbm>> -> memref<10000x128xf32, #tpu.memory_space<hbm>>
    tpu.enqueue_indirect_dma source(%dma_start3A_260 : memref<10000x128xf32, #tpu.memory_space<hbm>>) target(%arg9 : memref<128x128xf32, #tpu.memory_space<vmem>>) offsets(%dma_start3A_257 : memref<128xi32, #tpu.memory_space<vmem>>) semaphore(%arg18 : memref<!tpu.dma_semaphore, #tpu.memory_space<semaphore_mem>>)
    %dma_start3A_261 = arith.constant 77 : i32
    %dma_start3A_262 = arith.constant 0 : i32
    %dma_start3A_263 = tpu.memref_slice %arg8[%dma_start3A_261, %dma_start3A_262] : memref<79x128xi32, #tpu.memory_space<vmem>> -> memref<1x128xi32, #tpu.memory_space<vmem>>
    %dma_start3A_264 = tpu.memref_squeeze %dma_start3A_263 : memref<1x128xi32, #tpu.memory_space<vmem>> -> memref<128xi32, #tpu.memory_space<vmem>>
    %dma_start3A_265 = arith.constant 0 : i32
    %dma_start3A_266 = arith.constant 0 : i32
    %dma_start3A_267 = tpu.memref_slice %arg13[%dma_start3A_265, %dma_start3A_266] : memref<10240x128xf32, #tpu.memory_space<vmem_shared>> -> memref<10240x128xf32, #tpu.memory_space<vmem_shared>>
    tpu.enqueue_indirect_dma source(%arg10 : memref<128x128xf32, #tpu.memory_space<vmem>>) target(%dma_start3A_267 : memref<10240x128xf32, #tpu.memory_space<vmem_shared>>) offsets(%dma_start3A_264 : memref<128xi32, #tpu.memory_space<vmem>>) semaphore(%arg21 : memref<!tpu.dma_semaphore, #tpu.memory_space<semaphore_mem>>) {add = true}
    %dma_wait3A_268 = arith.constant 0 : i32
    %dma_wait3A_269 = arith.constant 0 : i32
    %dma_wait3A_270 = arith.constant 0 : i32
    %dma_wait3A_271 = tpu.memref_slice %arg7[%dma_wait3A_268, %dma_wait3A_269, %dma_wait3A_270] : memref<2x1x128xi32, #tpu.memory_space<vmem>> -> memref<1x1x128xi32, #tpu.memory_space<vmem>>
    %dma_wait3A_272 = tpu.memref_squeeze %dma_wait3A_271 : memref<1x1x128xi32, #tpu.memory_space<vmem>> -> memref<128xi32, #tpu.memory_space<vmem>>
    %dma_wait3A_273 = arith.constant 0 : i32
    %dma_wait3A_274 = arith.constant 0 : i32
    %dma_wait3A_275 = tpu.memref_slice %arg2[%dma_wait3A_273, %dma_wait3A_274] : memref<10000x128xf32, #tpu.memory_space<hbm>> -> memref<10000x128xf32, #tpu.memory_space<hbm>>
    tpu.wait_indirect_dma semaphore(%arg18 : memref<!tpu.dma_semaphore, #tpu.memory_space<semaphore_mem>>) src(%dma_wait3A_275 : memref<10000x128xf32, #tpu.memory_space<hbm>>) dst(%arg9 : memref<128x128xf32, #tpu.memory_space<vmem>>)
    %dma_wait3A_276 = arith.constant 77 : i32
    %dma_wait3A_277 = arith.constant 0 : i32
    %dma_wait3A_278 = tpu.memref_slice %arg8[%dma_wait3A_276, %dma_wait3A_277] : memref<79x128xi32, #tpu.memory_space<vmem>> -> memref<1x128xi32, #tpu.memory_space<vmem>>
    %dma_wait3A_279 = tpu.memref_squeeze %dma_wait3A_278 : memref<1x128xi32, #tpu.memory_space<vmem>> -> memref<128xi32, #tpu.memory_space<vmem>>
    %dma_wait3A_280 = arith.constant 0 : i32
    %dma_wait3A_281 = arith.constant 0 : i32
    %dma_wait3A_282 = tpu.memref_slice %arg13[%dma_wait3A_280, %dma_wait3A_281] : memref<10240x128xf32, #tpu.memory_space<vmem_shared>> -> memref<10240x128xf32, #tpu.memory_space<vmem_shared>>
    tpu.wait_indirect_dma semaphore(%arg21 : memref<!tpu.dma_semaphore, #tpu.memory_space<semaphore_mem>>) src(%arg10 : memref<128x128xf32, #tpu.memory_space<vmem>>) dst(%dma_wait3A_282 : memref<10240x128xf32, #tpu.memory_space<vmem_shared>>)
    %dma_start3A_283 = arith.constant 78 : i32
    %dma_start3A_284 = arith.constant 0 : i32
    %dma_start3A_285 = tpu.memref_slice %arg8[%dma_start3A_283, %dma_start3A_284] : memref<79x128xi32, #tpu.memory_space<vmem>> -> memref<1x128xi32, #tpu.memory_space<vmem>>
    %dma_start3A_286 = tpu.memref_squeeze %dma_start3A_285 : memref<1x128xi32, #tpu.memory_space<vmem>> -> memref<128xi32, #tpu.memory_space<vmem>>
    %dma_start3A_287 = arith.constant 0 : i32
    %dma_start3A_288 = arith.constant 0 : i32
    %dma_start3A_289 = tpu.memref_slice %arg13[%dma_start3A_287, %dma_start3A_288] : memref<10240x128xf32, #tpu.memory_space<vmem_shared>> -> memref<10240x128xf32, #tpu.memory_space<vmem_shared>>
    tpu.enqueue_indirect_dma source(%arg9 : memref<128x128xf32, #tpu.memory_space<vmem>>) target(%dma_start3A_289 : memref<10240x128xf32, #tpu.memory_space<vmem_shared>>) offsets(%dma_start3A_286 : memref<128xi32, #tpu.memory_space<vmem>>) semaphore(%arg20 : memref<!tpu.dma_semaphore, #tpu.memory_space<semaphore_mem>>) {add = true}
    %dma_wait3A_290 = arith.constant 78 : i32
    %dma_wait3A_291 = arith.constant 0 : i32
    %dma_wait3A_292 = tpu.memref_slice %arg8[%dma_wait3A_290, %dma_wait3A_291] : memref<79x128xi32, #tpu.memory_space<vmem>> -> memref<1x128xi32, #tpu.memory_space<vmem>>
    %dma_wait3A_293 = tpu.memref_squeeze %dma_wait3A_292 : memref<1x128xi32, #tpu.memory_space<vmem>> -> memref<128xi32, #tpu.memory_space<vmem>>
    %dma_wait3A_294 = arith.constant 0 : i32
    %dma_wait3A_295 = arith.constant 0 : i32
    %dma_wait3A_296 = tpu.memref_slice %arg13[%dma_wait3A_294, %dma_wait3A_295] : memref<10240x128xf32, #tpu.memory_space<vmem_shared>> -> memref<10240x128xf32, #tpu.memory_space<vmem_shared>>
    tpu.wait_indirect_dma semaphore(%arg20 : memref<!tpu.dma_semaphore, #tpu.memory_space<semaphore_mem>>) src(%arg9 : memref<128x128xf32, #tpu.memory_space<vmem>>) dst(%dma_wait3A_296 : memref<10240x128xf32, #tpu.memory_space<vmem_shared>>)
    %barrier3A_297 = arith.constant 0 : index
    tpu.barrier barrier_id(%barrier3A_297)
    %mul3A_298 = arith.constant 5 : i32
    %mul3A_299 = arith.muli %arg1, %mul3A_298 : i32
    %add3A_300 = arith.constant 0 : i32
    %add3A_301 = arith.addi %mul3A_299, %add3A_300 : i32
    %mul3A_302 = arith.constant 128 : i32
    %mul3A_303 = arith.muli %add3A_301, %mul3A_302 : i32
    %dma_start3A_304 = arith.constant 0 : i32
    %dma_start3A_305 = tpu.memref_slice %arg5[%arg0, %mul3A_303, %dma_start3A_304] : memref<2x10240x128xf32, #tpu.memory_space<hbm>> -> memref<1x128x128xf32, #tpu.memory_space<hbm>>
    %dma_start3A_306 = tpu.memref_squeeze %dma_start3A_305 : memref<1x128x128xf32, #tpu.memory_space<hbm>> -> memref<128x128xf32, #tpu.memory_space<hbm>>
    %dma_start3A_307 = arith.constant 0 : i32
    %dma_start3A_308 = tpu.memref_slice %arg13[%mul3A_303, %dma_start3A_307] : memref<10240x128xf32, #tpu.memory_space<vmem_shared>> -> memref<128x128xf32, #tpu.memory_space<vmem_shared>>
    tpu.enqueue_dma source(%dma_start3A_308 : memref<128x128xf32, #tpu.memory_space<vmem_shared>>) target(%dma_start3A_306 : memref<128x128xf32, #tpu.memory_space<hbm>>) target_semaphore(%arg18 : memref<!tpu.dma_semaphore, #tpu.memory_space<semaphore_mem>>)
    %mul3A_309 = arith.constant 5 : i32
    %mul3A_310 = arith.muli %arg1, %mul3A_309 : i32
    %add3A_311 = arith.constant 1 : i32
    %add3A_312 = arith.addi %mul3A_310, %add3A_311 : i32
    %mul3A_313 = arith.constant 128 : i32
    %mul3A_314 = arith.muli %add3A_312, %mul3A_313 : i32
    %dma_start3A_315 = arith.constant 0 : i32
    %dma_start3A_316 = tpu.memref_slice %arg5[%arg0, %mul3A_314, %dma_start3A_315] : memref<2x10240x128xf32, #tpu.memory_space<hbm>> -> memref<1x128x128xf32, #tpu.memory_space<hbm>>
    %dma_start3A_317 = tpu.memref_squeeze %dma_start3A_316 : memref<1x128x128xf32, #tpu.memory_space<hbm>> -> memref<128x128xf32, #tpu.memory_space<hbm>>
    %dma_start3A_318 = arith.constant 0 : i32
    %dma_start3A_319 = tpu.memref_slice %arg13[%mul3A_314, %dma_start3A_318] : memref<10240x128xf32, #tpu.memory_space<vmem_shared>> -> memref<128x128xf32, #tpu.memory_space<vmem_shared>>
    tpu.enqueue_dma source(%dma_start3A_319 : memref<128x128xf32, #tpu.memory_space<vmem_shared>>) target(%dma_start3A_317 : memref<128x128xf32, #tpu.memory_space<hbm>>) target_semaphore(%arg18 : memref<!tpu.dma_semaphore, #tpu.memory_space<semaphore_mem>>)
    %mul3A_320 = arith.constant 5 : i32
    %mul3A_321 = arith.muli %arg1, %mul3A_320 : i32
    %add3A_322 = arith.constant 2 : i32
    %add3A_323 = arith.addi %mul3A_321, %add3A_322 : i32
    %mul3A_324 = arith.constant 128 : i32
    %mul3A_325 = arith.muli %add3A_323, %mul3A_324 : i32
    %dma_start3A_326 = arith.constant 0 : i32
    %dma_start3A_327 = tpu.memref_slice %arg5[%arg0, %mul3A_325, %dma_start3A_326] : memref<2x10240x128xf32, #tpu.memory_space<hbm>> -> memref<1x128x128xf32, #tpu.memory_space<hbm>>
    %dma_start3A_328 = tpu.memref_squeeze %dma_start3A_327 : memref<1x128x128xf32, #tpu.memory_space<hbm>> -> memref<128x128xf32, #tpu.memory_space<hbm>>
    %dma_start3A_329 = arith.constant 0 : i32
    %dma_start3A_330 = tpu.memref_slice %arg13[%mul3A_325, %dma_start3A_329] : memref<10240x128xf32, #tpu.memory_space<vmem_shared>> -> memref<128x128xf32, #tpu.memory_space<vmem_shared>>
    tpu.enqueue_dma source(%dma_start3A_330 : memref<128x128xf32, #tpu.memory_space<vmem_shared>>) target(%dma_start3A_328 : memref<128x128xf32, #tpu.memory_space<hbm>>) target_semaphore(%arg18 : memref<!tpu.dma_semaphore, #tpu.memory_space<semaphore_mem>>)
    %mul3A_331 = arith.constant 5 : i32
    %mul3A_332 = arith.muli %arg1, %mul3A_331 : i32
    %add3A_333 = arith.constant 3 : i32
    %add3A_334 = arith.addi %mul3A_332, %add3A_333 : i32
    %mul3A_335 = arith.constant 128 : i32
    %mul3A_336 = arith.muli %add3A_334, %mul3A_335 : i32
    %dma_start3A_337 = arith.constant 0 : i32
    %dma_start3A_338 = tpu.memref_slice %arg5[%arg0, %mul3A_336, %dma_start3A_337] : memref<2x10240x128xf32, #tpu.memory_space<hbm>> -> memref<1x128x128xf32, #tpu.memory_space<hbm>>
    %dma_start3A_339 = tpu.memref_squeeze %dma_start3A_338 : memref<1x128x128xf32, #tpu.memory_space<hbm>> -> memref<128x128xf32, #tpu.memory_space<hbm>>
    %dma_start3A_340 = arith.constant 0 : i32
    %dma_start3A_341 = tpu.memref_slice %arg13[%mul3A_336, %dma_start3A_340] : memref<10240x128xf32, #tpu.memory_space<vmem_shared>> -> memref<128x128xf32, #tpu.memory_space<vmem_shared>>
    tpu.enqueue_dma source(%dma_start3A_341 : memref<128x128xf32, #tpu.memory_space<vmem_shared>>) target(%dma_start3A_339 : memref<128x128xf32, #tpu.memory_space<hbm>>) target_semaphore(%arg18 : memref<!tpu.dma_semaphore, #tpu.memory_space<semaphore_mem>>)
    %mul3A_342 = arith.constant 5 : i32
    %mul3A_343 = arith.muli %arg1, %mul3A_342 : i32
    %add3A_344 = arith.constant 4 : i32
    %add3A_345 = arith.addi %mul3A_343, %add3A_344 : i32
    %mul3A_346 = arith.constant 128 : i32
    %mul3A_347 = arith.muli %add3A_345, %mul3A_346 : i32
    %dma_start3A_348 = arith.constant 0 : i32
    %dma_start3A_349 = tpu.memref_slice %arg5[%arg0, %mul3A_347, %dma_start3A_348] : memref<2x10240x128xf32, #tpu.memory_space<hbm>> -> memref<1x128x128xf32, #tpu.memory_space<hbm>>
    %dma_start3A_350 = tpu.memref_squeeze %dma_start3A_349 : memref<1x128x128xf32, #tpu.memory_space<hbm>> -> memref<128x128xf32, #tpu.memory_space<hbm>>
    %dma_start3A_351 = arith.constant 0 : i32
    %dma_start3A_352 = tpu.memref_slice %arg13[%mul3A_347, %dma_start3A_351] : memref<10240x128xf32, #tpu.memory_space<vmem_shared>> -> memref<128x128xf32, #tpu.memory_space<vmem_shared>>
    tpu.enqueue_dma source(%dma_start3A_352 : memref<128x128xf32, #tpu.memory_space<vmem_shared>>) target(%dma_start3A_350 : memref<128x128xf32, #tpu.memory_space<hbm>>) target_semaphore(%arg18 : memref<!tpu.dma_semaphore, #tpu.memory_space<semaphore_mem>>)
    %dma_wait3A_353 = arith.constant 0 : i32
    %dma_wait3A_354 = tpu.memref_slice %arg5[%arg0, %mul3A_303, %dma_wait3A_353] : memref<2x10240x128xf32, #tpu.memory_space<hbm>> -> memref<1x128x128xf32, #tpu.memory_space<hbm>>
    %dma_wait3A_355 = tpu.memref_squeeze %dma_wait3A_354 : memref<1x128x128xf32, #tpu.memory_space<hbm>> -> memref<128x128xf32, #tpu.memory_space<hbm>>
    %dma_wait3A_356 = arith.constant 0 : i32
    %dma_wait3A_357 = tpu.memref_slice %arg13[%mul3A_303, %dma_wait3A_356] : memref<10240x128xf32, #tpu.memory_space<vmem_shared>> -> memref<128x128xf32, #tpu.memory_space<vmem_shared>>
    tpu.wait_dma2 semaphore(%arg18 : memref<!tpu.dma_semaphore, #tpu.memory_space<semaphore_mem>>) src(%dma_wait3A_357 : memref<128x128xf32, #tpu.memory_space<vmem_shared>>) dst(%dma_wait3A_355 : memref<128x128xf32, #tpu.memory_space<hbm>>)
    %dma_wait3A_358 = arith.constant 0 : i32
    %dma_wait3A_359 = tpu.memref_slice %arg5[%arg0, %mul3A_314, %dma_wait3A_358] : memref<2x10240x128xf32, #tpu.memory_space<hbm>> -> memref<1x128x128xf32, #tpu.memory_space<hbm>>
    %dma_wait3A_360 = tpu.memref_squeeze %dma_wait3A_359 : memref<1x128x128xf32, #tpu.memory_space<hbm>> -> memref<128x128xf32, #tpu.memory_space<hbm>>
    %dma_wait3A_361 = arith.constant 0 : i32
    %dma_wait3A_362 = tpu.memref_slice %arg13[%mul3A_314, %dma_wait3A_361] : memref<10240x128xf32, #tpu.memory_space<vmem_shared>> -> memref<128x128xf32, #tpu.memory_space<vmem_shared>>
    tpu.wait_dma2 semaphore(%arg18 : memref<!tpu.dma_semaphore, #tpu.memory_space<semaphore_mem>>) src(%dma_wait3A_362 : memref<128x128xf32, #tpu.memory_space<vmem_shared>>) dst(%dma_wait3A_360 : memref<128x128xf32, #tpu.memory_space<hbm>>)
    %dma_wait3A_363 = arith.constant 0 : i32
    %dma_wait3A_364 = tpu.memref_slice %arg5[%arg0, %mul3A_325, %dma_wait3A_363] : memref<2x10240x128xf32, #tpu.memory_space<hbm>> -> memref<1x128x128xf32, #tpu.memory_space<hbm>>
    %dma_wait3A_365 = tpu.memref_squeeze %dma_wait3A_364 : memref<1x128x128xf32, #tpu.memory_space<hbm>> -> memref<128x128xf32, #tpu.memory_space<hbm>>
    %dma_wait3A_366 = arith.constant 0 : i32
    %dma_wait3A_367 = tpu.memref_slice %arg13[%mul3A_325, %dma_wait3A_366] : memref<10240x128xf32, #tpu.memory_space<vmem_shared>> -> memref<128x128xf32, #tpu.memory_space<vmem_shared>>
    tpu.wait_dma2 semaphore(%arg18 : memref<!tpu.dma_semaphore, #tpu.memory_space<semaphore_mem>>) src(%dma_wait3A_367 : memref<128x128xf32, #tpu.memory_space<vmem_shared>>) dst(%dma_wait3A_365 : memref<128x128xf32, #tpu.memory_space<hbm>>)
    %dma_wait3A_368 = arith.constant 0 : i32
    %dma_wait3A_369 = tpu.memref_slice %arg5[%arg0, %mul3A_336, %dma_wait3A_368] : memref<2x10240x128xf32, #tpu.memory_space<hbm>> -> memref<1x128x128xf32, #tpu.memory_space<hbm>>
    %dma_wait3A_370 = tpu.memref_squeeze %dma_wait3A_369 : memref<1x128x128xf32, #tpu.memory_space<hbm>> -> memref<128x128xf32, #tpu.memory_space<hbm>>
    %dma_wait3A_371 = arith.constant 0 : i32
    %dma_wait3A_372 = tpu.memref_slice %arg13[%mul3A_336, %dma_wait3A_371] : memref<10240x128xf32, #tpu.memory_space<vmem_shared>> -> memref<128x128xf32, #tpu.memory_space<vmem_shared>>
    tpu.wait_dma2 semaphore(%arg18 : memref<!tpu.dma_semaphore, #tpu.memory_space<semaphore_mem>>) src(%dma_wait3A_372 : memref<128x128xf32, #tpu.memory_space<vmem_shared>>) dst(%dma_wait3A_370 : memref<128x128xf32, #tpu.memory_space<hbm>>)
    %dma_wait3A_373 = arith.constant 0 : i32
    %dma_wait3A_374 = tpu.memref_slice %arg5[%arg0, %mul3A_347, %dma_wait3A_373] : memref<2x10240x128xf32, #tpu.memory_space<hbm>> -> memref<1x128x128xf32, #tpu.memory_space<hbm>>
    %dma_wait3A_375 = tpu.memref_squeeze %dma_wait3A_374 : memref<1x128x128xf32, #tpu.memory_space<hbm>> -> memref<128x128xf32, #tpu.memory_space<hbm>>
    %dma_wait3A_376 = arith.constant 0 : i32
    %dma_wait3A_377 = tpu.memref_slice %arg13[%mul3A_347, %dma_wait3A_376] : memref<10240x128xf32, #tpu.memory_space<vmem_shared>> -> memref<128x128xf32, #tpu.memory_space<vmem_shared>>
    tpu.wait_dma2 semaphore(%arg18 : memref<!tpu.dma_semaphore, #tpu.memory_space<semaphore_mem>>) src(%dma_wait3A_377 : memref<128x128xf32, #tpu.memory_space<vmem_shared>>) dst(%dma_wait3A_375 : memref<128x128xf32, #tpu.memory_space<hbm>>)
    return
  }
}

#map = affine_map<(d0, d1) -> (0, 0)>
#map1 = affine_map<(d0, d1) -> (0, 0, 0, 0)>
#map2 = affine_map<(d0, d1) -> (0, 0, 0)>
module attributes {stable_mosaic.version = 14 : i64} {
  func.func @_sc_agg_body(%arg0: i32, %arg1: i32, %arg2: memref<10000x128xf32, #tpu.memory_space<hbm>>, %arg3: memref<32x79x1x128xi32, #tpu.memory_space<hbm>>, %arg4: memref<32x79x128xi32, #tpu.memory_space<hbm>>, %arg5: memref<2x10240x128xf32, #tpu.memory_space<hbm>>, %arg6: memref<2x10240xf32, #tpu.memory_space<hbm>>, %arg7: memref<2x1x128xi32, #tpu.memory_space<vmem>>, %arg8: memref<79x128xi32, #tpu.memory_space<vmem>>, %arg9: memref<128x128xf32, #tpu.memory_space<vmem>>, %arg10: memref<128x128xf32, #tpu.memory_space<vmem>>, %arg11: memref<128xf32, #tpu.memory_space<vmem>>, %arg12: memref<640xf32, #tpu.memory_space<vmem>>, %arg13: memref<10240x128xf32, #tpu.memory_space<vmem_shared>>, %arg14: memref<10240xf32, #tpu.memory_space<vmem_shared>>, %arg15: memref<!tpu.dma_semaphore, #tpu.memory_space<semaphore_mem>>, %arg16: memref<!tpu.dma_semaphore, #tpu.memory_space<semaphore_mem>>, %arg17: memref<!tpu.dma_semaphore, #tpu.memory_space<semaphore_mem>>, %arg18: memref<!tpu.dma_semaphore, #tpu.memory_space<semaphore_mem>>, %arg19: memref<!tpu.dma_semaphore, #tpu.memory_space<semaphore_mem>>, %arg20: memref<!tpu.dma_semaphore, #tpu.memory_space<semaphore_mem>>, %arg21: memref<!tpu.dma_semaphore, #tpu.memory_space<semaphore_mem>>, %arg22: memref<!tpu.dma_semaphore, #tpu.memory_space<semaphore_mem>>) attributes {dimension_semantics = [#tpu.dimension_semantics<core_parallel>, #tpu.dimension_semantics<subcore_parallel>], iteration_bounds = array<i64: 2, 16>, scalar_prefetch = 0 : i64, scratch_operands = 16 : i64, tpu.core_type = #tpu.core_type<sc_vector_subcore>, window_params = [{transform_indices = #map}, {transform_indices = #map1}, {transform_indices = #map2}, {transform_indices = #map2}, {transform_indices = #map}]} {
    %mul3A = arith.constant 16 : i32
    %mul3A_0 = arith.muli %arg0, %mul3A : i32
    %add3A = arith.addi %mul3A_0, %arg1 : i32
    %dma_start3A = arith.constant 0 : i32
    %dma_start3A_1 = arith.constant 0 : i32
    %dma_start3A_2 = tpu.memref_slice %arg4[%add3A, %dma_start3A, %dma_start3A_1] : memref<32x79x128xi32, #tpu.memory_space<hbm>> -> memref<1x79x128xi32, #tpu.memory_space<hbm>>
    %dma_start3A_3 = tpu.memref_squeeze %dma_start3A_2 : memref<1x79x128xi32, #tpu.memory_space<hbm>> -> memref<79x128xi32, #tpu.memory_space<hbm>>
    %dma_start3A_4 = arith.constant 0 : i32
    %dma_start3A_5 = arith.constant 0 : i32
    %dma_start3A_6 = tpu.memref_slice %arg4[%add3A, %dma_start3A_4, %dma_start3A_5] : memref<32x79x128xi32, #tpu.memory_space<hbm>> -> memref<1x79x128xi32, #tpu.memory_space<hbm>>
    %dma_start3A_7 = tpu.memref_squeeze %dma_start3A_6 : memref<1x79x128xi32, #tpu.memory_space<hbm>> -> memref<79x128xi32, #tpu.memory_space<hbm>>
    tpu.enqueue_dma source(%dma_start3A_7 : memref<79x128xi32, #tpu.memory_space<hbm>>) target(%arg8 : memref<79x128xi32, #tpu.memory_space<vmem>>) target_semaphore(%arg15 : memref<!tpu.dma_semaphore, #tpu.memory_space<semaphore_mem>>)
    %dma_start3A_8 = arith.constant 0 : i32
    %dma_start3A_9 = arith.constant 0 : i32
    %dma_start3A_10 = arith.constant 0 : i32
    %dma_start3A_11 = arith.constant 0 : i32
    %dma_start3A_12 = tpu.memref_slice %arg7[%dma_start3A_9, %dma_start3A_10, %dma_start3A_11] : memref<2x1x128xi32, #tpu.memory_space<vmem>> -> memref<1x1x128xi32, #tpu.memory_space<vmem>>
    %dma_start3A_13 = tpu.memref_squeeze %dma_start3A_12 : memref<1x1x128xi32, #tpu.memory_space<vmem>> -> memref<1x128xi32, #tpu.memory_space<vmem>>
    %dma_start3A_14 = arith.constant 0 : i32
    %dma_start3A_15 = arith.constant 0 : i32
    %dma_start3A_16 = tpu.memref_slice %arg3[%add3A, %dma_start3A_8, %dma_start3A_14, %dma_start3A_15] : memref<32x79x1x128xi32, #tpu.memory_space<hbm>> -> memref<1x1x1x128xi32, #tpu.memory_space<hbm>>
    %dma_start3A_17 = tpu.memref_squeeze %dma_start3A_16 : memref<1x1x1x128xi32, #tpu.memory_space<hbm>> -> memref<1x128xi32, #tpu.memory_space<hbm>>
    %dma_start3A_18 = arith.constant 0 : i32
    %dma_start3A_19 = arith.constant 0 : i32
    %dma_start3A_20 = tpu.memref_slice %arg7[%dma_start3A_9, %dma_start3A_18, %dma_start3A_19] : memref<2x1x128xi32, #tpu.memory_space<vmem>> -> memref<1x1x128xi32, #tpu.memory_space<vmem>>
    %dma_start3A_21 = tpu.memref_squeeze %dma_start3A_20 : memref<1x1x128xi32, #tpu.memory_space<vmem>> -> memref<1x128xi32, #tpu.memory_space<vmem>>
    %dma_start3A_22 = arith.constant 0 : i32
    %dma_start3A_23 = arith.constant 0 : i32
    %dma_start3A_24 = tpu.memref_slice %arg3[%add3A, %dma_start3A_8, %dma_start3A_22, %dma_start3A_23] : memref<32x79x1x128xi32, #tpu.memory_space<hbm>> -> memref<1x1x1x128xi32, #tpu.memory_space<hbm>>
    %dma_start3A_25 = tpu.memref_squeeze %dma_start3A_24 : memref<1x1x1x128xi32, #tpu.memory_space<hbm>> -> memref<1x128xi32, #tpu.memory_space<hbm>>
    tpu.enqueue_dma source(%dma_start3A_25 : memref<1x128xi32, #tpu.memory_space<hbm>>) target(%dma_start3A_21 : memref<1x128xi32, #tpu.memory_space<vmem>>) target_semaphore(%arg16 : memref<!tpu.dma_semaphore, #tpu.memory_space<semaphore_mem>>)
    %dma_start3A_26 = arith.constant 1 : i32
    %dma_start3A_27 = arith.constant 1 : i32
    %dma_start3A_28 = arith.constant 0 : i32
    %dma_start3A_29 = arith.constant 0 : i32
    %dma_start3A_30 = tpu.memref_slice %arg7[%dma_start3A_27, %dma_start3A_28, %dma_start3A_29] : memref<2x1x128xi32, #tpu.memory_space<vmem>> -> memref<1x1x128xi32, #tpu.memory_space<vmem>>
    %dma_start3A_31 = tpu.memref_squeeze %dma_start3A_30 : memref<1x1x128xi32, #tpu.memory_space<vmem>> -> memref<1x128xi32, #tpu.memory_space<vmem>>
    %dma_start3A_32 = arith.constant 0 : i32
    %dma_start3A_33 = arith.constant 0 : i32
    %dma_start3A_34 = tpu.memref_slice %arg3[%add3A, %dma_start3A_26, %dma_start3A_32, %dma_start3A_33] : memref<32x79x1x128xi32, #tpu.memory_space<hbm>> -> memref<1x1x1x128xi32, #tpu.memory_space<hbm>>
    %dma_start3A_35 = tpu.memref_squeeze %dma_start3A_34 : memref<1x1x1x128xi32, #tpu.memory_space<hbm>> -> memref<1x128xi32, #tpu.memory_space<hbm>>
    %dma_start3A_36 = arith.constant 0 : i32
    %dma_start3A_37 = arith.constant 0 : i32
    %dma_start3A_38 = tpu.memref_slice %arg7[%dma_start3A_27, %dma_start3A_36, %dma_start3A_37] : memref<2x1x128xi32, #tpu.memory_space<vmem>> -> memref<1x1x128xi32, #tpu.memory_space<vmem>>
    %dma_start3A_39 = tpu.memref_squeeze %dma_start3A_38 : memref<1x1x128xi32, #tpu.memory_space<vmem>> -> memref<1x128xi32, #tpu.memory_space<vmem>>
    %dma_start3A_40 = arith.constant 0 : i32
    %dma_start3A_41 = arith.constant 0 : i32
    %dma_start3A_42 = tpu.memref_slice %arg3[%add3A, %dma_start3A_26, %dma_start3A_40, %dma_start3A_41] : memref<32x79x1x128xi32, #tpu.memory_space<hbm>> -> memref<1x1x1x128xi32, #tpu.memory_space<hbm>>
    %dma_start3A_43 = tpu.memref_squeeze %dma_start3A_42 : memref<1x1x1x128xi32, #tpu.memory_space<hbm>> -> memref<1x128xi32, #tpu.memory_space<hbm>>
    tpu.enqueue_dma source(%dma_start3A_43 : memref<1x128xi32, #tpu.memory_space<hbm>>) target(%dma_start3A_39 : memref<1x128xi32, #tpu.memory_space<vmem>>) target_semaphore(%arg17 : memref<!tpu.dma_semaphore, #tpu.memory_space<semaphore_mem>>)
    %broadcast_in_dim3A = arith.constant 0.000000e+00 : f32
    %broadcast_in_dim3A_44 = vector.broadcast %broadcast_in_dim3A : f32 to vector<16xf32>
    %scan3A = arith.constant 0 : i32
    %scan3A_45 = arith.constant 0 : i32
    %scan3A_46 = arith.constant 128 : i32
    %scan3A_47 = arith.addi %scan3A_45, %scan3A_46 : i32
    %scan3A_48 = arith.constant 1 : i32
    %scan3A_49 = scf.for %scan3A_473 = %scan3A_45 to %scan3A_47 step %scan3A_48 iter_args(%scan3A_474 = %scan3A) -> (i32)  : i32 {
      %swap3A_475 = arith.index_cast %scan3A_473 : i32 to index
      %swap3A_476 = arith.constant 0 : index
      %swap3A_477 = tpu.vector_load %arg9[%swap3A_475, %swap3A_476] {strides = array<i32>} : memref<128x128xf32, #tpu.memory_space<vmem>>, vector<1x16xf32>,
      %swap3A_478 = vector.shape_cast %swap3A_477 : vector<1x16xf32> to vector<16xf32>
      %swap3A_479 = vector.shape_cast %broadcast_in_dim3A_44 : vector<16xf32> to vector<1x16xf32>
      tpu.vector_store %arg9[%swap3A_475, %swap3A_476], %swap3A_479 {strides = array<i32>} : memref<128x128xf32, #tpu.memory_space<vmem>>, vector<1x16xf32>,
      %swap3A_480 = arith.index_cast %scan3A_473 : i32 to index
      %swap3A_481 = arith.constant 16 : index
      %swap3A_482 = tpu.vector_load %arg9[%swap3A_480, %swap3A_481] {strides = array<i32>} : memref<128x128xf32, #tpu.memory_space<vmem>>, vector<1x16xf32>,
      %swap3A_483 = vector.shape_cast %swap3A_482 : vector<1x16xf32> to vector<16xf32>
      %swap3A_484 = vector.shape_cast %broadcast_in_dim3A_44 : vector<16xf32> to vector<1x16xf32>
      tpu.vector_store %arg9[%swap3A_480, %swap3A_481], %swap3A_484 {strides = array<i32>} : memref<128x128xf32, #tpu.memory_space<vmem>>, vector<1x16xf32>,
      %swap3A_485 = arith.index_cast %scan3A_473 : i32 to index
      %swap3A_486 = arith.constant 32 : index
      %swap3A_487 = tpu.vector_load %arg9[%swap3A_485, %swap3A_486] {strides = array<i32>} : memref<128x128xf32, #tpu.memory_space<vmem>>, vector<1x16xf32>,
      %swap3A_488 = vector.shape_cast %swap3A_487 : vector<1x16xf32> to vector<16xf32>
      %swap3A_489 = vector.shape_cast %broadcast_in_dim3A_44 : vector<16xf32> to vector<1x16xf32>
      tpu.vector_store %arg9[%swap3A_485, %swap3A_486], %swap3A_489 {strides = array<i32>} : memref<128x128xf32, #tpu.memory_space<vmem>>, vector<1x16xf32>,
      %swap3A_490 = arith.index_cast %scan3A_473 : i32 to index
      %swap3A_491 = arith.constant 48 : index
      %swap3A_492 = tpu.vector_load %arg9[%swap3A_490, %swap3A_491] {strides = array<i32>} : memref<128x128xf32, #tpu.memory_space<vmem>>, vector<1x16xf32>,
      %swap3A_493 = vector.shape_cast %swap3A_492 : vector<1x16xf32> to vector<16xf32>
      %swap3A_494 = vector.shape_cast %broadcast_in_dim3A_44 : vector<16xf32> to vector<1x16xf32>
      tpu.vector_store %arg9[%swap3A_490, %swap3A_491], %swap3A_494 {strides = array<i32>} : memref<128x128xf32, #tpu.memory_space<vmem>>, vector<1x16xf32>,
      %swap3A_495 = arith.index_cast %scan3A_473 : i32 to index
      %swap3A_496 = arith.constant 64 : index
      %swap3A_497 = tpu.vector_load %arg9[%swap3A_495, %swap3A_496] {strides = array<i32>} : memref<128x128xf32, #tpu.memory_space<vmem>>, vector<1x16xf32>,
      %swap3A_498 = vector.shape_cast %swap3A_497 : vector<1x16xf32> to vector<16xf32>
      %swap3A_499 = vector.shape_cast %broadcast_in_dim3A_44 : vector<16xf32> to vector<1x16xf32>
      tpu.vector_store %arg9[%swap3A_495, %swap3A_496], %swap3A_499 {strides = array<i32>} : memref<128x128xf32, #tpu.memory_space<vmem>>, vector<1x16xf32>,
      %swap3A_500 = arith.index_cast %scan3A_473 : i32 to index
      %swap3A_501 = arith.constant 80 : index
      %swap3A_502 = tpu.vector_load %arg9[%swap3A_500, %swap3A_501] {strides = array<i32>} : memref<128x128xf32, #tpu.memory_space<vmem>>, vector<1x16xf32>,
      %swap3A_503 = vector.shape_cast %swap3A_502 : vector<1x16xf32> to vector<16xf32>
      %swap3A_504 = vector.shape_cast %broadcast_in_dim3A_44 : vector<16xf32> to vector<1x16xf32>
      tpu.vector_store %arg9[%swap3A_500, %swap3A_501], %swap3A_504 {strides = array<i32>} : memref<128x128xf32, #tpu.memory_space<vmem>>, vector<1x16xf32>,
      %swap3A_505 = arith.index_cast %scan3A_473 : i32 to index
      %swap3A_506 = arith.constant 96 : index
      %swap3A_507 = tpu.vector_load %arg9[%swap3A_505, %swap3A_506] {strides = array<i32>} : memref<128x128xf32, #tpu.memory_space<vmem>>, vector<1x16xf32>,
      %swap3A_508 = vector.shape_cast %swap3A_507 : vector<1x16xf32> to vector<16xf32>
      %swap3A_509 = vector.shape_cast %broadcast_in_dim3A_44 : vector<16xf32> to vector<1x16xf32>
      tpu.vector_store %arg9[%swap3A_505, %swap3A_506], %swap3A_509 {strides = array<i32>} : memref<128x128xf32, #tpu.memory_space<vmem>>, vector<1x16xf32>,
      %swap3A_510 = arith.index_cast %scan3A_473 : i32 to index
      %swap3A_511 = arith.constant 112 : index
      %swap3A_512 = tpu.vector_load %arg9[%swap3A_510, %swap3A_511] {strides = array<i32>} : memref<128x128xf32, #tpu.memory_space<vmem>>, vector<1x16xf32>,
      %swap3A_513 = vector.shape_cast %swap3A_512 : vector<1x16xf32> to vector<16xf32>
      %swap3A_514 = vector.shape_cast %broadcast_in_dim3A_44 : vector<16xf32> to vector<1x16xf32>
      tpu.vector_store %arg9[%swap3A_510, %swap3A_511], %swap3A_514 {strides = array<i32>} : memref<128x128xf32, #tpu.memory_space<vmem>>, vector<1x16xf32>,
      %scan3A_515 = arith.constant 0 : i32
      scf.yield %scan3A_515 : i32
    }
    %scan3A_50 = arith.constant 128 : i32
    %broadcast_in_dim3A_51 = arith.constant 1.000000e+00 : f32
    %broadcast_in_dim3A_52 = vector.broadcast %broadcast_in_dim3A_51 : f32 to vector<16xf32>
    %swap3A = arith.constant 0 : index
    %swap3A_53 = tpu.vector_load %arg11[%swap3A] {strides = array<i32>} : memref<128xf32, #tpu.memory_space<vmem>>, vector<16xf32>,
    %swap3A_54 = vector.shape_cast %swap3A_53 : vector<16xf32> to vector<16xf32>
    %swap3A_55 = vector.shape_cast %broadcast_in_dim3A_52 : vector<16xf32> to vector<16xf32>
    tpu.vector_store %arg11[%swap3A], %swap3A_55 {strides = array<i32>} : memref<128xf32, #tpu.memory_space<vmem>>, vector<16xf32>,
    %broadcast_in_dim3A_56 = arith.constant 1.000000e+00 : f32
    %broadcast_in_dim3A_57 = vector.broadcast %broadcast_in_dim3A_56 : f32 to vector<16xf32>
    %swap3A_58 = arith.constant 16 : index
    %swap3A_59 = tpu.vector_load %arg11[%swap3A_58] {strides = array<i32>} : memref<128xf32, #tpu.memory_space<vmem>>, vector<16xf32>,
    %swap3A_60 = vector.shape_cast %swap3A_59 : vector<16xf32> to vector<16xf32>
    %swap3A_61 = vector.shape_cast %broadcast_in_dim3A_57 : vector<16xf32> to vector<16xf32>
    tpu.vector_store %arg11[%swap3A_58], %swap3A_61 {strides = array<i32>} : memref<128xf32, #tpu.memory_space<vmem>>, vector<16xf32>,
    %broadcast_in_dim3A_62 = arith.constant 1.000000e+00 : f32
    %broadcast_in_dim3A_63 = vector.broadcast %broadcast_in_dim3A_62 : f32 to vector<16xf32>
    %swap3A_64 = arith.constant 32 : index
    %swap3A_65 = tpu.vector_load %arg11[%swap3A_64] {strides = array<i32>} : memref<128xf32, #tpu.memory_space<vmem>>, vector<16xf32>,
    %swap3A_66 = vector.shape_cast %swap3A_65 : vector<16xf32> to vector<16xf32>
    %swap3A_67 = vector.shape_cast %broadcast_in_dim3A_63 : vector<16xf32> to vector<16xf32>
    tpu.vector_store %arg11[%swap3A_64], %swap3A_67 {strides = array<i32>} : memref<128xf32, #tpu.memory_space<vmem>>, vector<16xf32>,
    %broadcast_in_dim3A_68 = arith.constant 1.000000e+00 : f32
    %broadcast_in_dim3A_69 = vector.broadcast %broadcast_in_dim3A_68 : f32 to vector<16xf32>
    %swap3A_70 = arith.constant 48 : index
    %swap3A_71 = tpu.vector_load %arg11[%swap3A_70] {strides = array<i32>} : memref<128xf32, #tpu.memory_space<vmem>>, vector<16xf32>,
    %swap3A_72 = vector.shape_cast %swap3A_71 : vector<16xf32> to vector<16xf32>
    %swap3A_73 = vector.shape_cast %broadcast_in_dim3A_69 : vector<16xf32> to vector<16xf32>
    tpu.vector_store %arg11[%swap3A_70], %swap3A_73 {strides = array<i32>} : memref<128xf32, #tpu.memory_space<vmem>>, vector<16xf32>,
    %broadcast_in_dim3A_74 = arith.constant 1.000000e+00 : f32
    %broadcast_in_dim3A_75 = vector.broadcast %broadcast_in_dim3A_74 : f32 to vector<16xf32>
    %swap3A_76 = arith.constant 64 : index
    %swap3A_77 = tpu.vector_load %arg11[%swap3A_76] {strides = array<i32>} : memref<128xf32, #tpu.memory_space<vmem>>, vector<16xf32>,
    %swap3A_78 = vector.shape_cast %swap3A_77 : vector<16xf32> to vector<16xf32>
    %swap3A_79 = vector.shape_cast %broadcast_in_dim3A_75 : vector<16xf32> to vector<16xf32>
    tpu.vector_store %arg11[%swap3A_76], %swap3A_79 {strides = array<i32>} : memref<128xf32, #tpu.memory_space<vmem>>, vector<16xf32>,
    %broadcast_in_dim3A_80 = arith.constant 1.000000e+00 : f32
    %broadcast_in_dim3A_81 = vector.broadcast %broadcast_in_dim3A_80 : f32 to vector<16xf32>
    %swap3A_82 = arith.constant 80 : index
    %swap3A_83 = tpu.vector_load %arg11[%swap3A_82] {strides = array<i32>} : memref<128xf32, #tpu.memory_space<vmem>>, vector<16xf32>,
    %swap3A_84 = vector.shape_cast %swap3A_83 : vector<16xf32> to vector<16xf32>
    %swap3A_85 = vector.shape_cast %broadcast_in_dim3A_81 : vector<16xf32> to vector<16xf32>
    tpu.vector_store %arg11[%swap3A_82], %swap3A_85 {strides = array<i32>} : memref<128xf32, #tpu.memory_space<vmem>>, vector<16xf32>,
    %broadcast_in_dim3A_86 = arith.constant 1.000000e+00 : f32
    %broadcast_in_dim3A_87 = vector.broadcast %broadcast_in_dim3A_86 : f32 to vector<16xf32>
    %swap3A_88 = arith.constant 96 : index
    %swap3A_89 = tpu.vector_load %arg11[%swap3A_88] {strides = array<i32>} : memref<128xf32, #tpu.memory_space<vmem>>, vector<16xf32>,
    %swap3A_90 = vector.shape_cast %swap3A_89 : vector<16xf32> to vector<16xf32>
    %swap3A_91 = vector.shape_cast %broadcast_in_dim3A_87 : vector<16xf32> to vector<16xf32>
    tpu.vector_store %arg11[%swap3A_88], %swap3A_91 {strides = array<i32>} : memref<128xf32, #tpu.memory_space<vmem>>, vector<16xf32>,
    %broadcast_in_dim3A_92 = arith.constant 1.000000e+00 : f32
    %broadcast_in_dim3A_93 = vector.broadcast %broadcast_in_dim3A_92 : f32 to vector<16xf32>
    %swap3A_94 = arith.constant 112 : index
    %swap3A_95 = tpu.vector_load %arg11[%swap3A_94] {strides = array<i32>} : memref<128xf32, #tpu.memory_space<vmem>>, vector<16xf32>,
    %swap3A_96 = vector.shape_cast %swap3A_95 : vector<16xf32> to vector<16xf32>
    %swap3A_97 = vector.shape_cast %broadcast_in_dim3A_93 : vector<16xf32> to vector<16xf32>
    tpu.vector_store %arg11[%swap3A_94], %swap3A_97 {strides = array<i32>} : memref<128xf32, #tpu.memory_space<vmem>>, vector<16xf32>,
    %scan3A_98 = arith.constant 0 : i32
    %scan3A_99 = arith.constant 0 : i32
    %scan3A_100 = arith.constant 40 : i32
    %scan3A_101 = arith.addi %scan3A_99, %scan3A_100 : i32
    %scan3A_102 = arith.constant 1 : i32
    %scan3A_103 = scf.for %scan3A_473 = %scan3A_99 to %scan3A_101 step %scan3A_102 iter_args(%scan3A_474 = %scan3A_98) -> (i32)  : i32 {
      %mul3A_475 = arith.constant 16 : i32
      %mul3A_476 = arith.muli %scan3A_473, %mul3A_475 : i32
      %swap3A_477 = arith.index_cast %mul3A_476 : i32 to index
      %swap3A_478 = tpu.vector_load %arg12[%swap3A_477] {strides = array<i32>} : memref<640xf32, #tpu.memory_space<vmem>>, vector<16xf32>,
      %swap3A_479 = vector.shape_cast %swap3A_478 : vector<16xf32> to vector<16xf32>
      %swap3A_480 = vector.shape_cast %broadcast_in_dim3A_44 : vector<16xf32> to vector<16xf32>
      tpu.vector_store %arg12[%swap3A_477], %swap3A_480 {strides = array<i32>} : memref<640xf32, #tpu.memory_space<vmem>>, vector<16xf32>,
      %scan3A_481 = arith.constant 0 : i32
      scf.yield %scan3A_481 : i32
    }
    %scan3A_104 = arith.constant 40 : i32
    %mul3A_105 = arith.constant 5 : i32
    %mul3A_106 = arith.muli %arg1, %mul3A_105 : i32
    %add3A_107 = arith.constant 0 : i32
    %add3A_108 = arith.addi %mul3A_106, %add3A_107 : i32
    %mul3A_109 = arith.constant 128 : i32
    %mul3A_110 = arith.muli %add3A_108, %mul3A_109 : i32
    %dma_start3A_111 = arith.constant 0 : i32
    %dma_start3A_112 = tpu.memref_slice %arg13[%mul3A_110, %dma_start3A_111] : memref<10240x128xf32, #tpu.memory_space<vmem_shared>> -> memref<128x128xf32, #tpu.memory_space<vmem_shared>>
    %dma_start3A_113 = arith.constant 0 : i32
    %dma_start3A_114 = tpu.memref_slice %arg13[%mul3A_110, %dma_start3A_113] : memref<10240x128xf32, #tpu.memory_space<vmem_shared>> -> memref<128x128xf32, #tpu.memory_space<vmem_shared>>
    tpu.enqueue_dma source(%arg9 : memref<128x128xf32, #tpu.memory_space<vmem>>) target(%dma_start3A_114 : memref<128x128xf32, #tpu.memory_space<vmem_shared>>) target_semaphore(%arg18 : memref<!tpu.dma_semaphore, #tpu.memory_space<semaphore_mem>>)
    %mul3A_115 = arith.constant 5 : i32
    %mul3A_116 = arith.muli %arg1, %mul3A_115 : i32
    %add3A_117 = arith.constant 1 : i32
    %add3A_118 = arith.addi %mul3A_116, %add3A_117 : i32
    %mul3A_119 = arith.constant 128 : i32
    %mul3A_120 = arith.muli %add3A_118, %mul3A_119 : i32
    %dma_start3A_121 = arith.constant 0 : i32
    %dma_start3A_122 = tpu.memref_slice %arg13[%mul3A_120, %dma_start3A_121] : memref<10240x128xf32, #tpu.memory_space<vmem_shared>> -> memref<128x128xf32, #tpu.memory_space<vmem_shared>>
    %dma_start3A_123 = arith.constant 0 : i32
    %dma_start3A_124 = tpu.memref_slice %arg13[%mul3A_120, %dma_start3A_123] : memref<10240x128xf32, #tpu.memory_space<vmem_shared>> -> memref<128x128xf32, #tpu.memory_space<vmem_shared>>
    tpu.enqueue_dma source(%arg9 : memref<128x128xf32, #tpu.memory_space<vmem>>) target(%dma_start3A_124 : memref<128x128xf32, #tpu.memory_space<vmem_shared>>) target_semaphore(%arg18 : memref<!tpu.dma_semaphore, #tpu.memory_space<semaphore_mem>>)
    %mul3A_125 = arith.constant 5 : i32
    %mul3A_126 = arith.muli %arg1, %mul3A_125 : i32
    %add3A_127 = arith.constant 2 : i32
    %add3A_128 = arith.addi %mul3A_126, %add3A_127 : i32
    %mul3A_129 = arith.constant 128 : i32
    %mul3A_130 = arith.muli %add3A_128, %mul3A_129 : i32
    %dma_start3A_131 = arith.constant 0 : i32
    %dma_start3A_132 = tpu.memref_slice %arg13[%mul3A_130, %dma_start3A_131] : memref<10240x128xf32, #tpu.memory_space<vmem_shared>> -> memref<128x128xf32, #tpu.memory_space<vmem_shared>>
    %dma_start3A_133 = arith.constant 0 : i32
    %dma_start3A_134 = tpu.memref_slice %arg13[%mul3A_130, %dma_start3A_133] : memref<10240x128xf32, #tpu.memory_space<vmem_shared>> -> memref<128x128xf32, #tpu.memory_space<vmem_shared>>
    tpu.enqueue_dma source(%arg9 : memref<128x128xf32, #tpu.memory_space<vmem>>) target(%dma_start3A_134 : memref<128x128xf32, #tpu.memory_space<vmem_shared>>) target_semaphore(%arg18 : memref<!tpu.dma_semaphore, #tpu.memory_space<semaphore_mem>>)
    %mul3A_135 = arith.constant 5 : i32
    %mul3A_136 = arith.muli %arg1, %mul3A_135 : i32
    %add3A_137 = arith.constant 3 : i32
    %add3A_138 = arith.addi %mul3A_136, %add3A_137 : i32
    %mul3A_139 = arith.constant 128 : i32
    %mul3A_140 = arith.muli %add3A_138, %mul3A_139 : i32
    %dma_start3A_141 = arith.constant 0 : i32
    %dma_start3A_142 = tpu.memref_slice %arg13[%mul3A_140, %dma_start3A_141] : memref<10240x128xf32, #tpu.memory_space<vmem_shared>> -> memref<128x128xf32, #tpu.memory_space<vmem_shared>>
    %dma_start3A_143 = arith.constant 0 : i32
    %dma_start3A_144 = tpu.memref_slice %arg13[%mul3A_140, %dma_start3A_143] : memref<10240x128xf32, #tpu.memory_space<vmem_shared>> -> memref<128x128xf32, #tpu.memory_space<vmem_shared>>
    tpu.enqueue_dma source(%arg9 : memref<128x128xf32, #tpu.memory_space<vmem>>) target(%dma_start3A_144 : memref<128x128xf32, #tpu.memory_space<vmem_shared>>) target_semaphore(%arg18 : memref<!tpu.dma_semaphore, #tpu.memory_space<semaphore_mem>>)
    %mul3A_145 = arith.constant 5 : i32
    %mul3A_146 = arith.muli %arg1, %mul3A_145 : i32
    %add3A_147 = arith.constant 4 : i32
    %add3A_148 = arith.addi %mul3A_146, %add3A_147 : i32
    %mul3A_149 = arith.constant 128 : i32
    %mul3A_150 = arith.muli %add3A_148, %mul3A_149 : i32
    %dma_start3A_151 = arith.constant 0 : i32
    %dma_start3A_152 = tpu.memref_slice %arg13[%mul3A_150, %dma_start3A_151] : memref<10240x128xf32, #tpu.memory_space<vmem_shared>> -> memref<128x128xf32, #tpu.memory_space<vmem_shared>>
    %dma_start3A_153 = arith.constant 0 : i32
    %dma_start3A_154 = tpu.memref_slice %arg13[%mul3A_150, %dma_start3A_153] : memref<10240x128xf32, #tpu.memory_space<vmem_shared>> -> memref<128x128xf32, #tpu.memory_space<vmem_shared>>
    tpu.enqueue_dma source(%arg9 : memref<128x128xf32, #tpu.memory_space<vmem>>) target(%dma_start3A_154 : memref<128x128xf32, #tpu.memory_space<vmem_shared>>) target_semaphore(%arg18 : memref<!tpu.dma_semaphore, #tpu.memory_space<semaphore_mem>>)
    %mul3A_155 = arith.constant 640 : i32
    %mul3A_156 = arith.muli %arg1, %mul3A_155 : i32
    %dma_start3A_157 = tpu.memref_slice %arg14[%mul3A_156] : memref<10240xf32, #tpu.memory_space<vmem_shared>> -> memref<640xf32, #tpu.memory_space<vmem_shared>>
    %dma_start3A_158 = tpu.memref_slice %arg14[%mul3A_156] : memref<10240xf32, #tpu.memory_space<vmem_shared>> -> memref<640xf32, #tpu.memory_space<vmem_shared>>
    tpu.enqueue_dma source(%arg12 : memref<640xf32, #tpu.memory_space<vmem>>) target(%dma_start3A_158 : memref<640xf32, #tpu.memory_space<vmem_shared>>) target_semaphore(%arg18 : memref<!tpu.dma_semaphore, #tpu.memory_space<semaphore_mem>>)
    %dma_wait3A = arith.constant 0 : i32
    %dma_wait3A_159 = tpu.memref_slice %arg13[%mul3A_110, %dma_wait3A] : memref<10240x128xf32, #tpu.memory_space<vmem_shared>> -> memref<128x128xf32, #tpu.memory_space<vmem_shared>>
    %dma_wait3A_160 = arith.constant 0 : i32
    %dma_wait3A_161 = tpu.memref_slice %arg13[%mul3A_110, %dma_wait3A_160] : memref<10240x128xf32, #tpu.memory_space<vmem_shared>> -> memref<128x128xf32, #tpu.memory_space<vmem_shared>>
    tpu.wait_dma2 semaphore(%arg18 : memref<!tpu.dma_semaphore, #tpu.memory_space<semaphore_mem>>) src(%arg9 : memref<128x128xf32, #tpu.memory_space<vmem>>) dst(%dma_wait3A_161 : memref<128x128xf32, #tpu.memory_space<vmem_shared>>)
    %dma_wait3A_162 = arith.constant 0 : i32
    %dma_wait3A_163 = tpu.memref_slice %arg13[%mul3A_120, %dma_wait3A_162] : memref<10240x128xf32, #tpu.memory_space<vmem_shared>> -> memref<128x128xf32, #tpu.memory_space<vmem_shared>>
    %dma_wait3A_164 = arith.constant 0 : i32
    %dma_wait3A_165 = tpu.memref_slice %arg13[%mul3A_120, %dma_wait3A_164] : memref<10240x128xf32, #tpu.memory_space<vmem_shared>> -> memref<128x128xf32, #tpu.memory_space<vmem_shared>>
    tpu.wait_dma2 semaphore(%arg18 : memref<!tpu.dma_semaphore, #tpu.memory_space<semaphore_mem>>) src(%arg9 : memref<128x128xf32, #tpu.memory_space<vmem>>) dst(%dma_wait3A_165 : memref<128x128xf32, #tpu.memory_space<vmem_shared>>)
    %dma_wait3A_166 = arith.constant 0 : i32
    %dma_wait3A_167 = tpu.memref_slice %arg13[%mul3A_130, %dma_wait3A_166] : memref<10240x128xf32, #tpu.memory_space<vmem_shared>> -> memref<128x128xf32, #tpu.memory_space<vmem_shared>>
    %dma_wait3A_168 = arith.constant 0 : i32
    %dma_wait3A_169 = tpu.memref_slice %arg13[%mul3A_130, %dma_wait3A_168] : memref<10240x128xf32, #tpu.memory_space<vmem_shared>> -> memref<128x128xf32, #tpu.memory_space<vmem_shared>>
    tpu.wait_dma2 semaphore(%arg18 : memref<!tpu.dma_semaphore, #tpu.memory_space<semaphore_mem>>) src(%arg9 : memref<128x128xf32, #tpu.memory_space<vmem>>) dst(%dma_wait3A_169 : memref<128x128xf32, #tpu.memory_space<vmem_shared>>)
    %dma_wait3A_170 = arith.constant 0 : i32
    %dma_wait3A_171 = tpu.memref_slice %arg13[%mul3A_140, %dma_wait3A_170] : memref<10240x128xf32, #tpu.memory_space<vmem_shared>> -> memref<128x128xf32, #tpu.memory_space<vmem_shared>>
    %dma_wait3A_172 = arith.constant 0 : i32
    %dma_wait3A_173 = tpu.memref_slice %arg13[%mul3A_140, %dma_wait3A_172] : memref<10240x128xf32, #tpu.memory_space<vmem_shared>> -> memref<128x128xf32, #tpu.memory_space<vmem_shared>>
    tpu.wait_dma2 semaphore(%arg18 : memref<!tpu.dma_semaphore, #tpu.memory_space<semaphore_mem>>) src(%arg9 : memref<128x128xf32, #tpu.memory_space<vmem>>) dst(%dma_wait3A_173 : memref<128x128xf32, #tpu.memory_space<vmem_shared>>)
    %dma_wait3A_174 = arith.constant 0 : i32
    %dma_wait3A_175 = tpu.memref_slice %arg13[%mul3A_150, %dma_wait3A_174] : memref<10240x128xf32, #tpu.memory_space<vmem_shared>> -> memref<128x128xf32, #tpu.memory_space<vmem_shared>>
    %dma_wait3A_176 = arith.constant 0 : i32
    %dma_wait3A_177 = tpu.memref_slice %arg13[%mul3A_150, %dma_wait3A_176] : memref<10240x128xf32, #tpu.memory_space<vmem_shared>> -> memref<128x128xf32, #tpu.memory_space<vmem_shared>>
    tpu.wait_dma2 semaphore(%arg18 : memref<!tpu.dma_semaphore, #tpu.memory_space<semaphore_mem>>) src(%arg9 : memref<128x128xf32, #tpu.memory_space<vmem>>) dst(%dma_wait3A_177 : memref<128x128xf32, #tpu.memory_space<vmem_shared>>)
    %dma_wait3A_178 = tpu.memref_slice %arg14[%mul3A_156] : memref<10240xf32, #tpu.memory_space<vmem_shared>> -> memref<640xf32, #tpu.memory_space<vmem_shared>>
    %dma_wait3A_179 = tpu.memref_slice %arg14[%mul3A_156] : memref<10240xf32, #tpu.memory_space<vmem_shared>> -> memref<640xf32, #tpu.memory_space<vmem_shared>>
    tpu.wait_dma2 semaphore(%arg18 : memref<!tpu.dma_semaphore, #tpu.memory_space<semaphore_mem>>) src(%arg12 : memref<640xf32, #tpu.memory_space<vmem>>) dst(%dma_wait3A_179 : memref<640xf32, #tpu.memory_space<vmem_shared>>)
    %barrier3A = arith.constant 0 : index
    tpu.barrier barrier_id(%barrier3A)
    %dma_wait3A_180 = arith.constant 0 : i32
    %dma_wait3A_181 = arith.constant 0 : i32
    %dma_wait3A_182 = tpu.memref_slice %arg4[%add3A, %dma_wait3A_180, %dma_wait3A_181] : memref<32x79x128xi32, #tpu.memory_space<hbm>> -> memref<1x79x128xi32, #tpu.memory_space<hbm>>
    %dma_wait3A_183 = tpu.memref_squeeze %dma_wait3A_182 : memref<1x79x128xi32, #tpu.memory_space<hbm>> -> memref<79x128xi32, #tpu.memory_space<hbm>>
    %dma_wait3A_184 = arith.constant 0 : i32
    %dma_wait3A_185 = arith.constant 0 : i32
    %dma_wait3A_186 = tpu.memref_slice %arg4[%add3A, %dma_wait3A_184, %dma_wait3A_185] : memref<32x79x128xi32, #tpu.memory_space<hbm>> -> memref<1x79x128xi32, #tpu.memory_space<hbm>>
    %dma_wait3A_187 = tpu.memref_squeeze %dma_wait3A_186 : memref<1x79x128xi32, #tpu.memory_space<hbm>> -> memref<79x128xi32, #tpu.memory_space<hbm>>
    tpu.wait_dma2 semaphore(%arg15 : memref<!tpu.dma_semaphore, #tpu.memory_space<semaphore_mem>>) src(%dma_wait3A_187 : memref<79x128xi32, #tpu.memory_space<hbm>>) dst(%arg8 : memref<79x128xi32, #tpu.memory_space<vmem>>)
    %dma_wait3A_188 = arith.constant 0 : i32
    %dma_wait3A_189 = arith.constant 0 : i32
    %dma_wait3A_190 = arith.constant 0 : i32
    %dma_wait3A_191 = arith.constant 0 : i32
    %dma_wait3A_192 = tpu.memref_slice %arg7[%dma_wait3A_189, %dma_wait3A_190, %dma_wait3A_191] : memref<2x1x128xi32, #tpu.memory_space<vmem>> -> memref<1x1x128xi32, #tpu.memory_space<vmem>>
    %dma_wait3A_193 = tpu.memref_squeeze %dma_wait3A_192 : memref<1x1x128xi32, #tpu.memory_space<vmem>> -> memref<1x128xi32, #tpu.memory_space<vmem>>
    %dma_wait3A_194 = arith.constant 0 : i32
    %dma_wait3A_195 = arith.constant 0 : i32
    %dma_wait3A_196 = tpu.memref_slice %arg3[%add3A, %dma_wait3A_188, %dma_wait3A_194, %dma_wait3A_195] : memref<32x79x1x128xi32, #tpu.memory_space<hbm>> -> memref<1x1x1x128xi32, #tpu.memory_space<hbm>>
    %dma_wait3A_197 = tpu.memref_squeeze %dma_wait3A_196 : memref<1x1x1x128xi32, #tpu.memory_space<hbm>> -> memref<1x128xi32, #tpu.memory_space<hbm>>
    %dma_wait3A_198 = arith.constant 0 : i32
    %dma_wait3A_199 = arith.constant 0 : i32
    %dma_wait3A_200 = tpu.memref_slice %arg7[%dma_wait3A_189, %dma_wait3A_198, %dma_wait3A_199] : memref<2x1x128xi32, #tpu.memory_space<vmem>> -> memref<1x1x128xi32, #tpu.memory_space<vmem>>
    %dma_wait3A_201 = tpu.memref_squeeze %dma_wait3A_200 : memref<1x1x128xi32, #tpu.memory_space<vmem>> -> memref<1x128xi32, #tpu.memory_space<vmem>>
    %dma_wait3A_202 = arith.constant 0 : i32
    %dma_wait3A_203 = arith.constant 0 : i32
    %dma_wait3A_204 = tpu.memref_slice %arg3[%add3A, %dma_wait3A_188, %dma_wait3A_202, %dma_wait3A_203] : memref<32x79x1x128xi32, #tpu.memory_space<hbm>> -> memref<1x1x1x128xi32, #tpu.memory_space<hbm>>
    %dma_wait3A_205 = tpu.memref_squeeze %dma_wait3A_204 : memref<1x1x1x128xi32, #tpu.memory_space<hbm>> -> memref<1x128xi32, #tpu.memory_space<hbm>>
    tpu.wait_dma2 semaphore(%arg16 : memref<!tpu.dma_semaphore, #tpu.memory_space<semaphore_mem>>) src(%dma_wait3A_205 : memref<1x128xi32, #tpu.memory_space<hbm>>) dst(%dma_wait3A_201 : memref<1x128xi32, #tpu.memory_space<vmem>>)
    %dma_start3A_206 = arith.constant 0 : i32
    %dma_start3A_207 = arith.constant 0 : i32
    %dma_start3A_208 = arith.constant 0 : i32
    %dma_start3A_209 = tpu.memref_slice %arg7[%dma_start3A_206, %dma_start3A_207, %dma_start3A_208] : memref<2x1x128xi32, #tpu.memory_space<vmem>> -> memref<1x1x128xi32, #tpu.memory_space<vmem>>
    %dma_start3A_210 = tpu.memref_squeeze %dma_start3A_209 : memref<1x1x128xi32, #tpu.memory_space<vmem>> -> memref<128xi32, #tpu.memory_space<vmem>>
    %dma_start3A_211 = arith.constant 0 : i32
    %dma_start3A_212 = arith.constant 0 : i32
    %dma_start3A_213 = tpu.memref_slice %arg2[%dma_start3A_211, %dma_start3A_212] : memref<10000x128xf32, #tpu.memory_space<hbm>> -> memref<10000x128xf32, #tpu.memory_space<hbm>>
    tpu.enqueue_indirect_dma source(%dma_start3A_213 : memref<10000x128xf32, #tpu.memory_space<hbm>>) target(%arg9 : memref<128x128xf32, #tpu.memory_space<vmem>>) offsets(%dma_start3A_210 : memref<128xi32, #tpu.memory_space<vmem>>) semaphore(%arg18 : memref<!tpu.dma_semaphore, #tpu.memory_space<semaphore_mem>>)
    %dma_wait3A_214 = arith.constant 1 : i32
    %dma_wait3A_215 = arith.constant 1 : i32
    %dma_wait3A_216 = arith.constant 0 : i32
    %dma_wait3A_217 = arith.constant 0 : i32
    %dma_wait3A_218 = tpu.memref_slice %arg7[%dma_wait3A_215, %dma_wait3A_216, %dma_wait3A_217] : memref<2x1x128xi32, #tpu.memory_space<vmem>> -> memref<1x1x128xi32, #tpu.memory_space<vmem>>
    %dma_wait3A_219 = tpu.memref_squeeze %dma_wait3A_218 : memref<1x1x128xi32, #tpu.memory_space<vmem>> -> memref<1x128xi32, #tpu.memory_space<vmem>>
    %dma_wait3A_220 = arith.constant 0 : i32
    %dma_wait3A_221 = arith.constant 0 : i32
    %dma_wait3A_222 = tpu.memref_slice %arg3[%add3A, %dma_wait3A_214, %dma_wait3A_220, %dma_wait3A_221] : memref<32x79x1x128xi32, #tpu.memory_space<hbm>> -> memref<1x1x1x128xi32, #tpu.memory_space<hbm>>
    %dma_wait3A_223 = tpu.memref_squeeze %dma_wait3A_222 : memref<1x1x1x128xi32, #tpu.memory_space<hbm>> -> memref<1x128xi32, #tpu.memory_space<hbm>>
    %dma_wait3A_224 = arith.constant 0 : i32
    %dma_wait3A_225 = arith.constant 0 : i32
    %dma_wait3A_226 = tpu.memref_slice %arg7[%dma_wait3A_215, %dma_wait3A_224, %dma_wait3A_225] : memref<2x1x128xi32, #tpu.memory_space<vmem>> -> memref<1x1x128xi32, #tpu.memory_space<vmem>>
    %dma_wait3A_227 = tpu.memref_squeeze %dma_wait3A_226 : memref<1x1x128xi32, #tpu.memory_space<vmem>> -> memref<1x128xi32, #tpu.memory_space<vmem>>
    %dma_wait3A_228 = arith.constant 0 : i32
    %dma_wait3A_229 = arith.constant 0 : i32
    %dma_wait3A_230 = tpu.memref_slice %arg3[%add3A, %dma_wait3A_214, %dma_wait3A_228, %dma_wait3A_229] : memref<32x79x1x128xi32, #tpu.memory_space<hbm>> -> memref<1x1x1x128xi32, #tpu.memory_space<hbm>>
    %dma_wait3A_231 = tpu.memref_squeeze %dma_wait3A_230 : memref<1x1x1x128xi32, #tpu.memory_space<hbm>> -> memref<1x128xi32, #tpu.memory_space<hbm>>
    tpu.wait_dma2 semaphore(%arg17 : memref<!tpu.dma_semaphore, #tpu.memory_space<semaphore_mem>>) src(%dma_wait3A_231 : memref<1x128xi32, #tpu.memory_space<hbm>>) dst(%dma_wait3A_227 : memref<1x128xi32, #tpu.memory_space<vmem>>)
    %dma_wait3A_232 = arith.constant 0 : i32
    %dma_wait3A_233 = arith.constant 0 : i32
    %dma_wait3A_234 = arith.constant 0 : i32
    %dma_wait3A_235 = tpu.memref_slice %arg7[%dma_wait3A_232, %dma_wait3A_233, %dma_wait3A_234] : memref<2x1x128xi32, #tpu.memory_space<vmem>> -> memref<1x1x128xi32, #tpu.memory_space<vmem>>
    %dma_wait3A_236 = tpu.memref_squeeze %dma_wait3A_235 : memref<1x1x128xi32, #tpu.memory_space<vmem>> -> memref<128xi32, #tpu.memory_space<vmem>>
    %dma_wait3A_237 = arith.constant 0 : i32
    %dma_wait3A_238 = arith.constant 0 : i32
    %dma_wait3A_239 = tpu.memref_slice %arg2[%dma_wait3A_237, %dma_wait3A_238] : memref<10000x128xf32, #tpu.memory_space<hbm>> -> memref<10000x128xf32, #tpu.memory_space<hbm>>
    tpu.wait_indirect_dma semaphore(%arg18 : memref<!tpu.dma_semaphore, #tpu.memory_space<semaphore_mem>>) src(%dma_wait3A_239 : memref<10000x128xf32, #tpu.memory_space<hbm>>) dst(%arg9 : memref<128x128xf32, #tpu.memory_space<vmem>>)
    %dma_start3A_240 = arith.constant 2 : i32
    %dma_start3A_241 = arith.constant 0 : i32
    %dma_start3A_242 = arith.constant 0 : i32
    %dma_start3A_243 = arith.constant 0 : i32
    %dma_start3A_244 = tpu.memref_slice %arg7[%dma_start3A_241, %dma_start3A_242, %dma_start3A_243] : memref<2x1x128xi32, #tpu.memory_space<vmem>> -> memref<1x1x128xi32, #tpu.memory_space<vmem>>
    %dma_start3A_245 = tpu.memref_squeeze %dma_start3A_244 : memref<1x1x128xi32, #tpu.memory_space<vmem>> -> memref<1x128xi32, #tpu.memory_space<vmem>>
    %dma_start3A_246 = arith.constant 0 : i32
    %dma_start3A_247 = arith.constant 0 : i32
    %dma_start3A_248 = tpu.memref_slice %arg3[%add3A, %dma_start3A_240, %dma_start3A_246, %dma_start3A_247] : memref<32x79x1x128xi32, #tpu.memory_space<hbm>> -> memref<1x1x1x128xi32, #tpu.memory_space<hbm>>
    %dma_start3A_249 = tpu.memref_squeeze %dma_start3A_248 : memref<1x1x1x128xi32, #tpu.memory_space<hbm>> -> memref<1x128xi32, #tpu.memory_space<hbm>>
    %dma_start3A_250 = arith.constant 0 : i32
    %dma_start3A_251 = arith.constant 0 : i32
    %dma_start3A_252 = tpu.memref_slice %arg7[%dma_start3A_241, %dma_start3A_250, %dma_start3A_251] : memref<2x1x128xi32, #tpu.memory_space<vmem>> -> memref<1x1x128xi32, #tpu.memory_space<vmem>>
    %dma_start3A_253 = tpu.memref_squeeze %dma_start3A_252 : memref<1x1x128xi32, #tpu.memory_space<vmem>> -> memref<1x128xi32, #tpu.memory_space<vmem>>
    %dma_start3A_254 = arith.constant 0 : i32
    %dma_start3A_255 = arith.constant 0 : i32
    %dma_start3A_256 = tpu.memref_slice %arg3[%add3A, %dma_start3A_240, %dma_start3A_254, %dma_start3A_255] : memref<32x79x1x128xi32, #tpu.memory_space<hbm>> -> memref<1x1x1x128xi32, #tpu.memory_space<hbm>>
    %dma_start3A_257 = tpu.memref_squeeze %dma_start3A_256 : memref<1x1x1x128xi32, #tpu.memory_space<hbm>> -> memref<1x128xi32, #tpu.memory_space<hbm>>
    tpu.enqueue_dma source(%dma_start3A_257 : memref<1x128xi32, #tpu.memory_space<hbm>>) target(%dma_start3A_253 : memref<1x128xi32, #tpu.memory_space<vmem>>) target_semaphore(%arg16 : memref<!tpu.dma_semaphore, #tpu.memory_space<semaphore_mem>>)
    %dma_start3A_258 = arith.constant 1 : i32
    %dma_start3A_259 = arith.constant 0 : i32
    %dma_start3A_260 = arith.constant 0 : i32
    %dma_start3A_261 = tpu.memref_slice %arg7[%dma_start3A_258, %dma_start3A_259, %dma_start3A_260] : memref<2x1x128xi32, #tpu.memory_space<vmem>> -> memref<1x1x128xi32, #tpu.memory_space<vmem>>
    %dma_start3A_262 = tpu.memref_squeeze %dma_start3A_261 : memref<1x1x128xi32, #tpu.memory_space<vmem>> -> memref<128xi32, #tpu.memory_space<vmem>>
    %dma_start3A_263 = arith.constant 0 : i32
    %dma_start3A_264 = arith.constant 0 : i32
    %dma_start3A_265 = tpu.memref_slice %arg2[%dma_start3A_263, %dma_start3A_264] : memref<10000x128xf32, #tpu.memory_space<hbm>> -> memref<10000x128xf32, #tpu.memory_space<hbm>>
    tpu.enqueue_indirect_dma source(%dma_start3A_265 : memref<10000x128xf32, #tpu.memory_space<hbm>>) target(%arg10 : memref<128x128xf32, #tpu.memory_space<vmem>>) offsets(%dma_start3A_262 : memref<128xi32, #tpu.memory_space<vmem>>) semaphore(%arg19 : memref<!tpu.dma_semaphore, #tpu.memory_space<semaphore_mem>>)
    %dma_start3A_266 = arith.constant 0 : i32
    %dma_start3A_267 = arith.constant 0 : i32
    %dma_start3A_268 = tpu.memref_slice %arg8[%dma_start3A_266, %dma_start3A_267] : memref<79x128xi32, #tpu.memory_space<vmem>> -> memref<1x128xi32, #tpu.memory_space<vmem>>
    %dma_start3A_269 = tpu.memref_squeeze %dma_start3A_268 : memref<1x128xi32, #tpu.memory_space<vmem>> -> memref<128xi32, #tpu.memory_space<vmem>>
    %dma_start3A_270 = arith.constant 0 : i32
    %dma_start3A_271 = arith.constant 0 : i32
    %dma_start3A_272 = tpu.memref_slice %arg13[%dma_start3A_270, %dma_start3A_271] : memref<10240x128xf32, #tpu.memory_space<vmem_shared>> -> memref<10240x128xf32, #tpu.memory_space<vmem_shared>>
    tpu.enqueue_indirect_dma source(%arg9 : memref<128x128xf32, #tpu.memory_space<vmem>>) target(%dma_start3A_272 : memref<10240x128xf32, #tpu.memory_space<vmem_shared>>) offsets(%dma_start3A_269 : memref<128xi32, #tpu.memory_space<vmem>>) semaphore(%arg20 : memref<!tpu.dma_semaphore, #tpu.memory_space<semaphore_mem>>) {add = true}
    %dma_start3A_273 = arith.constant 0 : i32
    %dma_start3A_274 = arith.constant 0 : i32
    %dma_start3A_275 = tpu.memref_slice %arg8[%dma_start3A_273, %dma_start3A_274] : memref<79x128xi32, #tpu.memory_space<vmem>> -> memref<1x128xi32, #tpu.memory_space<vmem>>
    %dma_start3A_276 = tpu.memref_squeeze %dma_start3A_275 : memref<1x128xi32, #tpu.memory_space<vmem>> -> memref<128xi32, #tpu.memory_space<vmem>>
    %dma_start3A_277 = arith.constant 0 : i32
    %dma_start3A_278 = tpu.memref_slice %arg14[%dma_start3A_277] : memref<10240xf32, #tpu.memory_space<vmem_shared>> -> memref<10240xf32, #tpu.memory_space<vmem_shared>>
    tpu.enqueue_indirect_dma source(%arg11 : memref<128xf32, #tpu.memory_space<vmem>>) target(%dma_start3A_278 : memref<10240xf32, #tpu.memory_space<vmem_shared>>) offsets(%dma_start3A_276 : memref<128xi32, #tpu.memory_space<vmem>>) semaphore(%arg22 : memref<!tpu.dma_semaphore, #tpu.memory_space<semaphore_mem>>) {add = true}
    %scan3A_279 = arith.constant 0 : i32
    %scan3A_280 = arith.constant 0 : i32
    %scan3A_281 = arith.constant 38 : i32
    %scan3A_282 = arith.addi %scan3A_280, %scan3A_281 : i32
    %scan3A_283 = arith.constant 1 : i32
    %scan3A_284 = scf.for %scan3A_473 = %scan3A_280 to %scan3A_282 step %scan3A_283 iter_args(%scan3A_474 = %scan3A_279) -> (i32)  : i32 {
      %mul3A_475 = arith.constant 2 : i32
      %mul3A_476 = arith.muli %mul3A_475, %scan3A_473 : i32
      %add3A_477 = arith.constant 1 : i32
      %add3A_478 = arith.addi %mul3A_476, %add3A_477 : i32
      %jit3A = arith.constant 2 : i32
      %eq3A = arith.constant 0 : i32
      %eq3A_479 = arith.cmpi eq, %jit3A, %eq3A : i32
      %jit3A_480 = arith.constant 1 : i32
      %select_n3A = arith.select %eq3A_479, %jit3A_480, %jit3A : i32
      %rem3A = arith.remsi %add3A_478, %select_n3A : i32
      %ne3A = arith.constant 0 : i32
      %ne3A_481 = arith.cmpi ne, %rem3A, %ne3A : i32
      %lt3A = arith.constant 0 : i32
      %lt3A_482 = arith.cmpi slt, %rem3A, %lt3A : i32
      %lt3A_483 = arith.constant 0 : i32
      %lt3A_484 = arith.cmpi slt, %select_n3A, %lt3A_483 : i32
      %ne3A_485 = arith.xori %lt3A_482, %lt3A_484 : i1
      %and3A = arith.andi %ne3A_485, %ne3A_481 : i1
      %add3A_486 = arith.addi %rem3A, %select_n3A : i32
      %select_n3A_487 = arith.select %and3A, %add3A_486, %rem3A : i32
      %dma_wait3A_488 = arith.constant 0 : i32
      %dma_wait3A_489 = arith.constant 0 : i32
      %dma_wait3A_490 = tpu.memref_slice %arg7[%select_n3A_487, %dma_wait3A_488, %dma_wait3A_489] : memref<2x1x128xi32, #tpu.memory_space<vmem>> -> memref<1x1x128xi32, #tpu.memory_space<vmem>>
      %dma_wait3A_491 = tpu.memref_squeeze %dma_wait3A_490 : memref<1x1x128xi32, #tpu.memory_space<vmem>> -> memref<128xi32, #tpu.memory_space<vmem>>
      %dma_wait3A_492 = arith.constant 0 : i32
      %dma_wait3A_493 = arith.constant 0 : i32
      %dma_wait3A_494 = tpu.memref_slice %arg2[%dma_wait3A_492, %dma_wait3A_493] : memref<10000x128xf32, #tpu.memory_space<hbm>> -> memref<10000x128xf32, #tpu.memory_space<hbm>>
      tpu.wait_indirect_dma semaphore(%arg19 : memref<!tpu.dma_semaphore, #tpu.memory_space<semaphore_mem>>) src(%dma_wait3A_494 : memref<10000x128xf32, #tpu.memory_space<hbm>>) dst(%arg10 : memref<128x128xf32, #tpu.memory_space<vmem>>)
      %add3A_495 = arith.constant 2 : i32
      %add3A_496 = arith.addi %add3A_478, %add3A_495 : i32
      %jit3A_497 = arith.constant 2 : i32
      %eq3A_498 = arith.constant 0 : i32
      %eq3A_499 = arith.cmpi eq, %jit3A_497, %eq3A_498 : i32
      %jit3A_500 = arith.constant 1 : i32
      %select_n3A_501 = arith.select %eq3A_499, %jit3A_500, %jit3A_497 : i32
      %rem3A_502 = arith.remsi %add3A_496, %select_n3A_501 : i32
      %ne3A_503 = arith.constant 0 : i32
      %ne3A_504 = arith.cmpi ne, %rem3A_502, %ne3A_503 : i32
      %lt3A_505 = arith.constant 0 : i32
      %lt3A_506 = arith.cmpi slt, %rem3A_502, %lt3A_505 : i32
      %lt3A_507 = arith.constant 0 : i32
      %lt3A_508 = arith.cmpi slt, %select_n3A_501, %lt3A_507 : i32
      %ne3A_509 = arith.xori %lt3A_506, %lt3A_508 : i1
      %and3A_510 = arith.andi %ne3A_509, %ne3A_504 : i1
      %add3A_511 = arith.addi %rem3A_502, %select_n3A_501 : i32
      %select_n3A_512 = arith.select %and3A_510, %add3A_511, %rem3A_502 : i32
      %dma_start3A_513 = arith.constant 0 : i32
      %dma_start3A_514 = arith.constant 0 : i32
      %dma_start3A_515 = tpu.memref_slice %arg7[%select_n3A_512, %dma_start3A_513, %dma_start3A_514] : memref<2x1x128xi32, #tpu.memory_space<vmem>> -> memref<1x1x128xi32, #tpu.memory_space<vmem>>
      %dma_start3A_516 = tpu.memref_squeeze %dma_start3A_515 : memref<1x1x128xi32, #tpu.memory_space<vmem>> -> memref<1x128xi32, #tpu.memory_space<vmem>>
      %dma_start3A_517 = arith.constant 0 : i32
      %dma_start3A_518 = arith.constant 0 : i32
      %dma_start3A_519 = tpu.memref_slice %arg3[%add3A, %add3A_496, %dma_start3A_517, %dma_start3A_518] : memref<32x79x1x128xi32, #tpu.memory_space<hbm>> -> memref<1x1x1x128xi32, #tpu.memory_space<hbm>>
      %dma_start3A_520 = tpu.memref_squeeze %dma_start3A_519 : memref<1x1x1x128xi32, #tpu.memory_space<hbm>> -> memref<1x128xi32, #tpu.memory_space<hbm>>
      %dma_start3A_521 = arith.constant 0 : i32
      %dma_start3A_522 = arith.constant 0 : i32
      %dma_start3A_523 = tpu.memref_slice %arg7[%select_n3A_512, %dma_start3A_521, %dma_start3A_522] : memref<2x1x128xi32, #tpu.memory_space<vmem>> -> memref<1x1x128xi32, #tpu.memory_space<vmem>>
      %dma_start3A_524 = tpu.memref_squeeze %dma_start3A_523 : memref<1x1x128xi32, #tpu.memory_space<vmem>> -> memref<1x128xi32, #tpu.memory_space<vmem>>
      %dma_start3A_525 = arith.constant 0 : i32
      %dma_start3A_526 = arith.constant 0 : i32
      %dma_start3A_527 = tpu.memref_slice %arg3[%add3A, %add3A_496, %dma_start3A_525, %dma_start3A_526] : memref<32x79x1x128xi32, #tpu.memory_space<hbm>> -> memref<1x1x1x128xi32, #tpu.memory_space<hbm>>
      %dma_start3A_528 = tpu.memref_squeeze %dma_start3A_527 : memref<1x1x1x128xi32, #tpu.memory_space<hbm>> -> memref<1x128xi32, #tpu.memory_space<hbm>>
      tpu.enqueue_dma source(%dma_start3A_528 : memref<1x128xi32, #tpu.memory_space<hbm>>) target(%dma_start3A_524 : memref<1x128xi32, #tpu.memory_space<vmem>>) target_semaphore(%arg17 : memref<!tpu.dma_semaphore, #tpu.memory_space<semaphore_mem>>)
      %sub3A = arith.constant 1 : i32
      %sub3A_529 = arith.subi %add3A_478, %sub3A : i32
      %dma_wait3A_530 = arith.constant 0 : i32
      %dma_wait3A_531 = tpu.memref_slice %arg8[%sub3A_529, %dma_wait3A_530] : memref<79x128xi32, #tpu.memory_space<vmem>> -> memref<1x128xi32, #tpu.memory_space<vmem>>
      %dma_wait3A_532 = tpu.memref_squeeze %dma_wait3A_531 : memref<1x128xi32, #tpu.memory_space<vmem>> -> memref<128xi32, #tpu.memory_space<vmem>>
      %dma_wait3A_533 = arith.constant 0 : i32
      %dma_wait3A_534 = arith.constant 0 : i32
      %dma_wait3A_535 = tpu.memref_slice %arg13[%dma_wait3A_533, %dma_wait3A_534] : memref<10240x128xf32, #tpu.memory_space<vmem_shared>> -> memref<10240x128xf32, #tpu.memory_space<vmem_shared>>
      tpu.wait_indirect_dma semaphore(%arg20 : memref<!tpu.dma_semaphore, #tpu.memory_space<semaphore_mem>>) src(%arg9 : memref<128x128xf32, #tpu.memory_space<vmem>>) dst(%dma_wait3A_535 : memref<10240x128xf32, #tpu.memory_space<vmem_shared>>)
      %add3A_536 = arith.constant 1 : i32
      %add3A_537 = arith.addi %add3A_478, %add3A_536 : i32
      %jit3A_538 = arith.constant 2 : i32
      %eq3A_539 = arith.constant 0 : i32
      %eq3A_540 = arith.cmpi eq, %jit3A_538, %eq3A_539 : i32
      %jit3A_541 = arith.constant 1 : i32
      %select_n3A_542 = arith.select %eq3A_540, %jit3A_541, %jit3A_538 : i32
      %rem3A_543 = arith.remsi %add3A_537, %select_n3A_542 : i32
      %ne3A_544 = arith.constant 0 : i32
      %ne3A_545 = arith.cmpi ne, %rem3A_543, %ne3A_544 : i32
      %lt3A_546 = arith.constant 0 : i32
      %lt3A_547 = arith.cmpi slt, %rem3A_543, %lt3A_546 : i32
      %lt3A_548 = arith.constant 0 : i32
      %lt3A_549 = arith.cmpi slt, %select_n3A_542, %lt3A_548 : i32
      %ne3A_550 = arith.xori %lt3A_547, %lt3A_549 : i1
      %and3A_551 = arith.andi %ne3A_550, %ne3A_545 : i1
      %add3A_552 = arith.addi %rem3A_543, %select_n3A_542 : i32
      %select_n3A_553 = arith.select %and3A_551, %add3A_552, %rem3A_543 : i32
      %dma_wait3A_554 = arith.constant 0 : i32
      %dma_wait3A_555 = arith.constant 0 : i32
      %dma_wait3A_556 = tpu.memref_slice %arg7[%select_n3A_553, %dma_wait3A_554, %dma_wait3A_555] : memref<2x1x128xi32, #tpu.memory_space<vmem>> -> memref<1x1x128xi32, #tpu.memory_space<vmem>>
      %dma_wait3A_557 = tpu.memref_squeeze %dma_wait3A_556 : memref<1x1x128xi32, #tpu.memory_space<vmem>> -> memref<1x128xi32, #tpu.memory_space<vmem>>
      %dma_wait3A_558 = arith.constant 0 : i32
      %dma_wait3A_559 = arith.constant 0 : i32
      %dma_wait3A_560 = tpu.memref_slice %arg3[%add3A, %add3A_537, %dma_wait3A_558, %dma_wait3A_559] : memref<32x79x1x128xi32, #tpu.memory_space<hbm>> -> memref<1x1x1x128xi32, #tpu.memory_space<hbm>>
      %dma_wait3A_561 = tpu.memref_squeeze %dma_wait3A_560 : memref<1x1x1x128xi32, #tpu.memory_space<hbm>> -> memref<1x128xi32, #tpu.memory_space<hbm>>
      %dma_wait3A_562 = arith.constant 0 : i32
      %dma_wait3A_563 = arith.constant 0 : i32
      %dma_wait3A_564 = tpu.memref_slice %arg7[%select_n3A_553, %dma_wait3A_562, %dma_wait3A_563] : memref<2x1x128xi32, #tpu.memory_space<vmem>> -> memref<1x1x128xi32, #tpu.memory_space<vmem>>
      %dma_wait3A_565 = tpu.memref_squeeze %dma_wait3A_564 : memref<1x1x128xi32, #tpu.memory_space<vmem>> -> memref<1x128xi32, #tpu.memory_space<vmem>>
      %dma_wait3A_566 = arith.constant 0 : i32
      %dma_wait3A_567 = arith.constant 0 : i32
      %dma_wait3A_568 = tpu.memref_slice %arg3[%add3A, %add3A_537, %dma_wait3A_566, %dma_wait3A_567] : memref<32x79x1x128xi32, #tpu.memory_space<hbm>> -> memref<1x1x1x128xi32, #tpu.memory_space<hbm>>
      %dma_wait3A_569 = tpu.memref_squeeze %dma_wait3A_568 : memref<1x1x1x128xi32, #tpu.memory_space<hbm>> -> memref<1x128xi32, #tpu.memory_space<hbm>>
      tpu.wait_dma2 semaphore(%arg16 : memref<!tpu.dma_semaphore, #tpu.memory_space<semaphore_mem>>) src(%dma_wait3A_569 : memref<1x128xi32, #tpu.memory_space<hbm>>) dst(%dma_wait3A_565 : memref<1x128xi32, #tpu.memory_space<vmem>>)
      %add3A_570 = arith.constant 1 : i32
      %add3A_571 = arith.addi %add3A_478, %add3A_570 : i32
      %jit3A_572 = arith.constant 2 : i32
      %eq3A_573 = arith.constant 0 : i32
      %eq3A_574 = arith.cmpi eq, %jit3A_572, %eq3A_573 : i32
      %jit3A_575 = arith.constant 1 : i32
      %select_n3A_576 = arith.select %eq3A_574, %jit3A_575, %jit3A_572 : i32
      %rem3A_577 = arith.remsi %add3A_571, %select_n3A_576 : i32
      %ne3A_578 = arith.constant 0 : i32
      %ne3A_579 = arith.cmpi ne, %rem3A_577, %ne3A_578 : i32
      %lt3A_580 = arith.constant 0 : i32
      %lt3A_581 = arith.cmpi slt, %rem3A_577, %lt3A_580 : i32
      %lt3A_582 = arith.constant 0 : i32
      %lt3A_583 = arith.cmpi slt, %select_n3A_576, %lt3A_582 : i32
      %ne3A_584 = arith.xori %lt3A_581, %lt3A_583 : i1
      %and3A_585 = arith.andi %ne3A_584, %ne3A_579 : i1
      %add3A_586 = arith.addi %rem3A_577, %select_n3A_576 : i32
      %select_n3A_587 = arith.select %and3A_585, %add3A_586, %rem3A_577 : i32
      %dma_start3A_588 = arith.constant 0 : i32
      %dma_start3A_589 = arith.constant 0 : i32
      %dma_start3A_590 = tpu.memref_slice %arg7[%select_n3A_587, %dma_start3A_588, %dma_start3A_589] : memref<2x1x128xi32, #tpu.memory_space<vmem>> -> memref<1x1x128xi32, #tpu.memory_space<vmem>>
      %dma_start3A_591 = tpu.memref_squeeze %dma_start3A_590 : memref<1x1x128xi32, #tpu.memory_space<vmem>> -> memref<128xi32, #tpu.memory_space<vmem>>
      %dma_start3A_592 = arith.constant 0 : i32
      %dma_start3A_593 = arith.constant 0 : i32
      %dma_start3A_594 = tpu.memref_slice %arg2[%dma_start3A_592, %dma_start3A_593] : memref<10000x128xf32, #tpu.memory_space<hbm>> -> memref<10000x128xf32, #tpu.memory_space<hbm>>
      tpu.enqueue_indirect_dma source(%dma_start3A_594 : memref<10000x128xf32, #tpu.memory_space<hbm>>) target(%arg9 : memref<128x128xf32, #tpu.memory_space<vmem>>) offsets(%dma_start3A_591 : memref<128xi32, #tpu.memory_space<vmem>>) semaphore(%arg18 : memref<!tpu.dma_semaphore, #tpu.memory_space<semaphore_mem>>)
      %dma_start3A_595 = arith.constant 0 : i32
      %dma_start3A_596 = tpu.memref_slice %arg8[%add3A_478, %dma_start3A_595] : memref<79x128xi32, #tpu.memory_space<vmem>> -> memref<1x128xi32, #tpu.memory_space<vmem>>
      %dma_start3A_597 = tpu.memref_squeeze %dma_start3A_596 : memref<1x128xi32, #tpu.memory_space<vmem>> -> memref<128xi32, #tpu.memory_space<vmem>>
      %dma_start3A_598 = arith.constant 0 : i32
      %dma_start3A_599 = arith.constant 0 : i32
      %dma_start3A_600 = tpu.memref_slice %arg13[%dma_start3A_598, %dma_start3A_599] : memref<10240x128xf32, #tpu.memory_space<vmem_shared>> -> memref<10240x128xf32, #tpu.memory_space<vmem_shared>>
      tpu.enqueue_indirect_dma source(%arg10 : memref<128x128xf32, #tpu.memory_space<vmem>>) target(%dma_start3A_600 : memref<10240x128xf32, #tpu.memory_space<vmem_shared>>) offsets(%dma_start3A_597 : memref<128xi32, #tpu.memory_space<vmem>>) semaphore(%arg21 : memref<!tpu.dma_semaphore, #tpu.memory_space<semaphore_mem>>) {add = true}
      %dma_start3A_601 = arith.constant 0 : i32
      %dma_start3A_602 = tpu.memref_slice %arg8[%add3A_478, %dma_start3A_601] : memref<79x128xi32, #tpu.memory_space<vmem>> -> memref<1x128xi32, #tpu.memory_space<vmem>>
      %dma_start3A_603 = tpu.memref_squeeze %dma_start3A_602 : memref<1x128xi32, #tpu.memory_space<vmem>> -> memref<128xi32, #tpu.memory_space<vmem>>
      %dma_start3A_604 = arith.constant 0 : i32
      %dma_start3A_605 = tpu.memref_slice %arg14[%dma_start3A_604] : memref<10240xf32, #tpu.memory_space<vmem_shared>> -> memref<10240xf32, #tpu.memory_space<vmem_shared>>
      tpu.enqueue_indirect_dma source(%arg11 : memref<128xf32, #tpu.memory_space<vmem>>) target(%dma_start3A_605 : memref<10240xf32, #tpu.memory_space<vmem_shared>>) offsets(%dma_start3A_603 : memref<128xi32, #tpu.memory_space<vmem>>) semaphore(%arg22 : memref<!tpu.dma_semaphore, #tpu.memory_space<semaphore_mem>>) {add = true}
      %add3A_606 = arith.constant 1 : i32
      %add3A_607 = arith.addi %add3A_478, %add3A_606 : i32
      %jit3A_608 = arith.constant 2 : i32
      %eq3A_609 = arith.constant 0 : i32
      %eq3A_610 = arith.cmpi eq, %jit3A_608, %eq3A_609 : i32
      %jit3A_611 = arith.constant 1 : i32
      %select_n3A_612 = arith.select %eq3A_610, %jit3A_611, %jit3A_608 : i32
      %rem3A_613 = arith.remsi %add3A_607, %select_n3A_612 : i32
      %ne3A_614 = arith.constant 0 : i32
      %ne3A_615 = arith.cmpi ne, %rem3A_613, %ne3A_614 : i32
      %lt3A_616 = arith.constant 0 : i32
      %lt3A_617 = arith.cmpi slt, %rem3A_613, %lt3A_616 : i32
      %lt3A_618 = arith.constant 0 : i32
      %lt3A_619 = arith.cmpi slt, %select_n3A_612, %lt3A_618 : i32
      %ne3A_620 = arith.xori %lt3A_617, %lt3A_619 : i1
      %and3A_621 = arith.andi %ne3A_620, %ne3A_615 : i1
      %add3A_622 = arith.addi %rem3A_613, %select_n3A_612 : i32
      %select_n3A_623 = arith.select %and3A_621, %add3A_622, %rem3A_613 : i32
      %dma_wait3A_624 = arith.constant 0 : i32
      %dma_wait3A_625 = arith.constant 0 : i32
      %dma_wait3A_626 = tpu.memref_slice %arg7[%select_n3A_623, %dma_wait3A_624, %dma_wait3A_625] : memref<2x1x128xi32, #tpu.memory_space<vmem>> -> memref<1x1x128xi32, #tpu.memory_space<vmem>>
      %dma_wait3A_627 = tpu.memref_squeeze %dma_wait3A_626 : memref<1x1x128xi32, #tpu.memory_space<vmem>> -> memref<128xi32, #tpu.memory_space<vmem>>
      %dma_wait3A_628 = arith.constant 0 : i32
      %dma_wait3A_629 = arith.constant 0 : i32
      %dma_wait3A_630 = tpu.memref_slice %arg2[%dma_wait3A_628, %dma_wait3A_629] : memref<10000x128xf32, #tpu.memory_space<hbm>> -> memref<10000x128xf32, #tpu.memory_space<hbm>>
      tpu.wait_indirect_dma semaphore(%arg18 : memref<!tpu.dma_semaphore, #tpu.memory_space<semaphore_mem>>) src(%dma_wait3A_630 : memref<10000x128xf32, #tpu.memory_space<hbm>>) dst(%arg9 : memref<128x128xf32, #tpu.memory_space<vmem>>)
      %add3A_631 = arith.constant 3 : i32
      %add3A_632 = arith.addi %add3A_478, %add3A_631 : i32
      %jit3A_633 = arith.constant 2 : i32
      %eq3A_634 = arith.constant 0 : i32
      %eq3A_635 = arith.cmpi eq, %jit3A_633, %eq3A_634 : i32
      %jit3A_636 = arith.constant 1 : i32
      %select_n3A_637 = arith.select %eq3A_635, %jit3A_636, %jit3A_633 : i32
      %rem3A_638 = arith.remsi %add3A_632, %select_n3A_637 : i32
      %ne3A_639 = arith.constant 0 : i32
      %ne3A_640 = arith.cmpi ne, %rem3A_638, %ne3A_639 : i32
      %lt3A_641 = arith.constant 0 : i32
      %lt3A_642 = arith.cmpi slt, %rem3A_638, %lt3A_641 : i32
      %lt3A_643 = arith.constant 0 : i32
      %lt3A_644 = arith.cmpi slt, %select_n3A_637, %lt3A_643 : i32
      %ne3A_645 = arith.xori %lt3A_642, %lt3A_644 : i1
      %and3A_646 = arith.andi %ne3A_645, %ne3A_640 : i1
      %add3A_647 = arith.addi %rem3A_638, %select_n3A_637 : i32
      %select_n3A_648 = arith.select %and3A_646, %add3A_647, %rem3A_638 : i32
      %dma_start3A_649 = arith.constant 0 : i32
      %dma_start3A_650 = arith.constant 0 : i32
      %dma_start3A_651 = tpu.memref_slice %arg7[%select_n3A_648, %dma_start3A_649, %dma_start3A_650] : memref<2x1x128xi32, #tpu.memory_space<vmem>> -> memref<1x1x128xi32, #tpu.memory_space<vmem>>
      %dma_start3A_652 = tpu.memref_squeeze %dma_start3A_651 : memref<1x1x128xi32, #tpu.memory_space<vmem>> -> memref<1x128xi32, #tpu.memory_space<vmem>>
      %dma_start3A_653 = arith.constant 0 : i32
      %dma_start3A_654 = arith.constant 0 : i32
      %dma_start3A_655 = tpu.memref_slice %arg3[%add3A, %add3A_632, %dma_start3A_653, %dma_start3A_654] : memref<32x79x1x128xi32, #tpu.memory_space<hbm>> -> memref<1x1x1x128xi32, #tpu.memory_space<hbm>>
      %dma_start3A_656 = tpu.memref_squeeze %dma_start3A_655 : memref<1x1x1x128xi32, #tpu.memory_space<hbm>> -> memref<1x128xi32, #tpu.memory_space<hbm>>
      %dma_start3A_657 = arith.constant 0 : i32
      %dma_start3A_658 = arith.constant 0 : i32
      %dma_start3A_659 = tpu.memref_slice %arg7[%select_n3A_648, %dma_start3A_657, %dma_start3A_658] : memref<2x1x128xi32, #tpu.memory_space<vmem>> -> memref<1x1x128xi32, #tpu.memory_space<vmem>>
      %dma_start3A_660 = tpu.memref_squeeze %dma_start3A_659 : memref<1x1x128xi32, #tpu.memory_space<vmem>> -> memref<1x128xi32, #tpu.memory_space<vmem>>
      %dma_start3A_661 = arith.constant 0 : i32
      %dma_start3A_662 = arith.constant 0 : i32
      %dma_start3A_663 = tpu.memref_slice %arg3[%add3A, %add3A_632, %dma_start3A_661, %dma_start3A_662] : memref<32x79x1x128xi32, #tpu.memory_space<hbm>> -> memref<1x1x1x128xi32, #tpu.memory_space<hbm>>
      %dma_start3A_664 = tpu.memref_squeeze %dma_start3A_663 : memref<1x1x1x128xi32, #tpu.memory_space<hbm>> -> memref<1x128xi32, #tpu.memory_space<hbm>>
      tpu.enqueue_dma source(%dma_start3A_664 : memref<1x128xi32, #tpu.memory_space<hbm>>) target(%dma_start3A_660 : memref<1x128xi32, #tpu.memory_space<vmem>>) target_semaphore(%arg16 : memref<!tpu.dma_semaphore, #tpu.memory_space<semaphore_mem>>)
      %dma_wait3A_665 = arith.constant 0 : i32
      %dma_wait3A_666 = tpu.memref_slice %arg8[%add3A_478, %dma_wait3A_665] : memref<79x128xi32, #tpu.memory_space<vmem>> -> memref<1x128xi32, #tpu.memory_space<vmem>>
      %dma_wait3A_667 = tpu.memref_squeeze %dma_wait3A_666 : memref<1x128xi32, #tpu.memory_space<vmem>> -> memref<128xi32, #tpu.memory_space<vmem>>
      %dma_wait3A_668 = arith.constant 0 : i32
      %dma_wait3A_669 = arith.constant 0 : i32
      %dma_wait3A_670 = tpu.memref_slice %arg13[%dma_wait3A_668, %dma_wait3A_669] : memref<10240x128xf32, #tpu.memory_space<vmem_shared>> -> memref<10240x128xf32, #tpu.memory_space<vmem_shared>>
      tpu.wait_indirect_dma semaphore(%arg21 : memref<!tpu.dma_semaphore, #tpu.memory_space<semaphore_mem>>) src(%arg10 : memref<128x128xf32, #tpu.memory_space<vmem>>) dst(%dma_wait3A_670 : memref<10240x128xf32, #tpu.memory_space<vmem_shared>>)
      %add3A_671 = arith.constant 2 : i32
      %add3A_672 = arith.addi %add3A_478, %add3A_671 : i32
      %jit3A_673 = arith.constant 2 : i32
      %eq3A_674 = arith.constant 0 : i32
      %eq3A_675 = arith.cmpi eq, %jit3A_673, %eq3A_674 : i32
      %jit3A_676 = arith.constant 1 : i32
      %select_n3A_677 = arith.select %eq3A_675, %jit3A_676, %jit3A_673 : i32
      %rem3A_678 = arith.remsi %add3A_672, %select_n3A_677 : i32
      %ne3A_679 = arith.constant 0 : i32
      %ne3A_680 = arith.cmpi ne, %rem3A_678, %ne3A_679 : i32
      %lt3A_681 = arith.constant 0 : i32
      %lt3A_682 = arith.cmpi slt, %rem3A_678, %lt3A_681 : i32
      %lt3A_683 = arith.constant 0 : i32
      %lt3A_684 = arith.cmpi slt, %select_n3A_677, %lt3A_683 : i32
      %ne3A_685 = arith.xori %lt3A_682, %lt3A_684 : i1
      %and3A_686 = arith.andi %ne3A_685, %ne3A_680 : i1
      %add3A_687 = arith.addi %rem3A_678, %select_n3A_677 : i32
      %select_n3A_688 = arith.select %and3A_686, %add3A_687, %rem3A_678 : i32
      %dma_wait3A_689 = arith.constant 0 : i32
      %dma_wait3A_690 = arith.constant 0 : i32
      %dma_wait3A_691 = tpu.memref_slice %arg7[%select_n3A_688, %dma_wait3A_689, %dma_wait3A_690] : memref<2x1x128xi32, #tpu.memory_space<vmem>> -> memref<1x1x128xi32, #tpu.memory_space<vmem>>
      %dma_wait3A_692 = tpu.memref_squeeze %dma_wait3A_691 : memref<1x1x128xi32, #tpu.memory_space<vmem>> -> memref<1x128xi32, #tpu.memory_space<vmem>>
      %dma_wait3A_693 = arith.constant 0 : i32
      %dma_wait3A_694 = arith.constant 0 : i32
      %dma_wait3A_695 = tpu.memref_slice %arg3[%add3A, %add3A_672, %dma_wait3A_693, %dma_wait3A_694] : memref<32x79x1x128xi32, #tpu.memory_space<hbm>> -> memref<1x1x1x128xi32, #tpu.memory_space<hbm>>
      %dma_wait3A_696 = tpu.memref_squeeze %dma_wait3A_695 : memref<1x1x1x128xi32, #tpu.memory_space<hbm>> -> memref<1x128xi32, #tpu.memory_space<hbm>>
      %dma_wait3A_697 = arith.constant 0 : i32
      %dma_wait3A_698 = arith.constant 0 : i32
      %dma_wait3A_699 = tpu.memref_slice %arg7[%select_n3A_688, %dma_wait3A_697, %dma_wait3A_698] : memref<2x1x128xi32, #tpu.memory_space<vmem>> -> memref<1x1x128xi32, #tpu.memory_space<vmem>>
      %dma_wait3A_700 = tpu.memref_squeeze %dma_wait3A_699 : memref<1x1x128xi32, #tpu.memory_space<vmem>> -> memref<1x128xi32, #tpu.memory_space<vmem>>
      %dma_wait3A_701 = arith.constant 0 : i32
      %dma_wait3A_702 = arith.constant 0 : i32
      %dma_wait3A_703 = tpu.memref_slice %arg3[%add3A, %add3A_672, %dma_wait3A_701, %dma_wait3A_702] : memref<32x79x1x128xi32, #tpu.memory_space<hbm>> -> memref<1x1x1x128xi32, #tpu.memory_space<hbm>>
      %dma_wait3A_704 = tpu.memref_squeeze %dma_wait3A_703 : memref<1x1x1x128xi32, #tpu.memory_space<hbm>> -> memref<1x128xi32, #tpu.memory_space<hbm>>
      tpu.wait_dma2 semaphore(%arg17 : memref<!tpu.dma_semaphore, #tpu.memory_space<semaphore_mem>>) src(%dma_wait3A_704 : memref<1x128xi32, #tpu.memory_space<hbm>>) dst(%dma_wait3A_700 : memref<1x128xi32, #tpu.memory_space<vmem>>)
      %add3A_705 = arith.constant 2 : i32
      %add3A_706 = arith.addi %add3A_478, %add3A_705 : i32
      %jit3A_707 = arith.constant 2 : i32
      %eq3A_708 = arith.constant 0 : i32
      %eq3A_709 = arith.cmpi eq, %jit3A_707, %eq3A_708 : i32
      %jit3A_710 = arith.constant 1 : i32
      %select_n3A_711 = arith.select %eq3A_709, %jit3A_710, %jit3A_707 : i32
      %rem3A_712 = arith.remsi %add3A_706, %select_n3A_711 : i32
      %ne3A_713 = arith.constant 0 : i32
      %ne3A_714 = arith.cmpi ne, %rem3A_712, %ne3A_713 : i32
      %lt3A_715 = arith.constant 0 : i32
      %lt3A_716 = arith.cmpi slt, %rem3A_712, %lt3A_715 : i32
      %lt3A_717 = arith.constant 0 : i32
      %lt3A_718 = arith.cmpi slt, %select_n3A_711, %lt3A_717 : i32
      %ne3A_719 = arith.xori %lt3A_716, %lt3A_718 : i1
      %and3A_720 = arith.andi %ne3A_719, %ne3A_714 : i1
      %add3A_721 = arith.addi %rem3A_712, %select_n3A_711 : i32
      %select_n3A_722 = arith.select %and3A_720, %add3A_721, %rem3A_712 : i32
      %dma_start3A_723 = arith.constant 0 : i32
      %dma_start3A_724 = arith.constant 0 : i32
      %dma_start3A_725 = tpu.memref_slice %arg7[%select_n3A_722, %dma_start3A_723, %dma_start3A_724] : memref<2x1x128xi32, #tpu.memory_space<vmem>> -> memref<1x1x128xi32, #tpu.memory_space<vmem>>
      %dma_start3A_726 = tpu.memref_squeeze %dma_start3A_725 : memref<1x1x128xi32, #tpu.memory_space<vmem>> -> memref<128xi32, #tpu.memory_space<vmem>>
      %dma_start3A_727 = arith.constant 0 : i32
      %dma_start3A_728 = arith.constant 0 : i32
      %dma_start3A_729 = tpu.memref_slice %arg2[%dma_start3A_727, %dma_start3A_728] : memref<10000x128xf32, #tpu.memory_space<hbm>> -> memref<10000x128xf32, #tpu.memory_space<hbm>>
      tpu.enqueue_indirect_dma source(%dma_start3A_729 : memref<10000x128xf32, #tpu.memory_space<hbm>>) target(%arg10 : memref<128x128xf32, #tpu.memory_space<vmem>>) offsets(%dma_start3A_726 : memref<128xi32, #tpu.memory_space<vmem>>) semaphore(%arg19 : memref<!tpu.dma_semaphore, #tpu.memory_space<semaphore_mem>>)
      %add3A_730 = arith.constant 1 : i32
      %add3A_731 = arith.addi %add3A_478, %add3A_730 : i32
      %dma_start3A_732 = arith.constant 0 : i32
      %dma_start3A_733 = tpu.memref_slice %arg8[%add3A_731, %dma_start3A_732] : memref<79x128xi32, #tpu.memory_space<vmem>> -> memref<1x128xi32, #tpu.memory_space<vmem>>
      %dma_start3A_734 = tpu.memref_squeeze %dma_start3A_733 : memref<1x128xi32, #tpu.memory_space<vmem>> -> memref<128xi32, #tpu.memory_space<vmem>>
      %dma_start3A_735 = arith.constant 0 : i32
      %dma_start3A_736 = arith.constant 0 : i32
      %dma_start3A_737 = tpu.memref_slice %arg13[%dma_start3A_735, %dma_start3A_736] : memref<10240x128xf32, #tpu.memory_space<vmem_shared>> -> memref<10240x128xf32, #tpu.memory_space<vmem_shared>>
      tpu.enqueue_indirect_dma source(%arg9 : memref<128x128xf32, #tpu.memory_space<vmem>>) target(%dma_start3A_737 : memref<10240x128xf32, #tpu.memory_space<vmem_shared>>) offsets(%dma_start3A_734 : memref<128xi32, #tpu.memory_space<vmem>>) semaphore(%arg20 : memref<!tpu.dma_semaphore, #tpu.memory_space<semaphore_mem>>) {add = true}
      %add3A_738 = arith.constant 1 : i32
      %add3A_739 = arith.addi %add3A_478, %add3A_738 : i32
      %dma_start3A_740 = arith.constant 0 : i32
      %dma_start3A_741 = tpu.memref_slice %arg8[%add3A_739, %dma_start3A_740] : memref<79x128xi32, #tpu.memory_space<vmem>> -> memref<1x128xi32, #tpu.memory_space<vmem>>
      %dma_start3A_742 = tpu.memref_squeeze %dma_start3A_741 : memref<1x128xi32, #tpu.memory_space<vmem>> -> memref<128xi32, #tpu.memory_space<vmem>>
      %dma_start3A_743 = arith.constant 0 : i32
      %dma_start3A_744 = tpu.memref_slice %arg14[%dma_start3A_743] : memref<10240xf32, #tpu.memory_space<vmem_shared>> -> memref<10240xf32, #tpu.memory_space<vmem_shared>>
      tpu.enqueue_indirect_dma source(%arg11 : memref<128xf32, #tpu.memory_space<vmem>>) target(%dma_start3A_744 : memref<10240xf32, #tpu.memory_space<vmem_shared>>) offsets(%dma_start3A_742 : memref<128xi32, #tpu.memory_space<vmem>>) semaphore(%arg22 : memref<!tpu.dma_semaphore, #tpu.memory_space<semaphore_mem>>) {add = true}
      %scan3A_745 = arith.constant 0 : i32
      scf.yield %scan3A_745 : i32
    }
    %scan3A_285 = arith.constant 38 : i32
    %dma_wait3A_286 = arith.constant 1 : i32
    %dma_wait3A_287 = arith.constant 0 : i32
    %dma_wait3A_288 = arith.constant 0 : i32
    %dma_wait3A_289 = tpu.memref_slice %arg7[%dma_wait3A_286, %dma_wait3A_287, %dma_wait3A_288] : memref<2x1x128xi32, #tpu.memory_space<vmem>> -> memref<1x1x128xi32, #tpu.memory_space<vmem>>
    %dma_wait3A_290 = tpu.memref_squeeze %dma_wait3A_289 : memref<1x1x128xi32, #tpu.memory_space<vmem>> -> memref<128xi32, #tpu.memory_space<vmem>>
    %dma_wait3A_291 = arith.constant 0 : i32
    %dma_wait3A_292 = arith.constant 0 : i32
    %dma_wait3A_293 = tpu.memref_slice %arg2[%dma_wait3A_291, %dma_wait3A_292] : memref<10000x128xf32, #tpu.memory_space<hbm>> -> memref<10000x128xf32, #tpu.memory_space<hbm>>
    tpu.wait_indirect_dma semaphore(%arg19 : memref<!tpu.dma_semaphore, #tpu.memory_space<semaphore_mem>>) src(%dma_wait3A_293 : memref<10000x128xf32, #tpu.memory_space<hbm>>) dst(%arg10 : memref<128x128xf32, #tpu.memory_space<vmem>>)
    %dma_wait3A_294 = arith.constant 76 : i32
    %dma_wait3A_295 = arith.constant 0 : i32
    %dma_wait3A_296 = tpu.memref_slice %arg8[%dma_wait3A_294, %dma_wait3A_295] : memref<79x128xi32, #tpu.memory_space<vmem>> -> memref<1x128xi32, #tpu.memory_space<vmem>>
    %dma_wait3A_297 = tpu.memref_squeeze %dma_wait3A_296 : memref<1x128xi32, #tpu.memory_space<vmem>> -> memref<128xi32, #tpu.memory_space<vmem>>
    %dma_wait3A_298 = arith.constant 0 : i32
    %dma_wait3A_299 = arith.constant 0 : i32
    %dma_wait3A_300 = tpu.memref_slice %arg13[%dma_wait3A_298, %dma_wait3A_299] : memref<10240x128xf32, #tpu.memory_space<vmem_shared>> -> memref<10240x128xf32, #tpu.memory_space<vmem_shared>>
    tpu.wait_indirect_dma semaphore(%arg20 : memref<!tpu.dma_semaphore, #tpu.memory_space<semaphore_mem>>) src(%arg9 : memref<128x128xf32, #tpu.memory_space<vmem>>) dst(%dma_wait3A_300 : memref<10240x128xf32, #tpu.memory_space<vmem_shared>>)
    %dma_wait3A_301 = arith.constant 78 : i32
    %dma_wait3A_302 = arith.constant 0 : i32
    %dma_wait3A_303 = arith.constant 0 : i32
    %dma_wait3A_304 = arith.constant 0 : i32
    %dma_wait3A_305 = tpu.memref_slice %arg7[%dma_wait3A_302, %dma_wait3A_303, %dma_wait3A_304] : memref<2x1x128xi32, #tpu.memory_space<vmem>> -> memref<1x1x128xi32, #tpu.memory_space<vmem>>
    %dma_wait3A_306 = tpu.memref_squeeze %dma_wait3A_305 : memref<1x1x128xi32, #tpu.memory_space<vmem>> -> memref<1x128xi32, #tpu.memory_space<vmem>>
    %dma_wait3A_307 = arith.constant 0 : i32
    %dma_wait3A_308 = arith.constant 0 : i32
    %dma_wait3A_309 = tpu.memref_slice %arg3[%add3A, %dma_wait3A_301, %dma_wait3A_307, %dma_wait3A_308] : memref<32x79x1x128xi32, #tpu.memory_space<hbm>> -> memref<1x1x1x128xi32, #tpu.memory_space<hbm>>
    %dma_wait3A_310 = tpu.memref_squeeze %dma_wait3A_309 : memref<1x1x1x128xi32, #tpu.memory_space<hbm>> -> memref<1x128xi32, #tpu.memory_space<hbm>>
    %dma_wait3A_311 = arith.constant 0 : i32
    %dma_wait3A_312 = arith.constant 0 : i32
    %dma_wait3A_313 = tpu.memref_slice %arg7[%dma_wait3A_302, %dma_wait3A_311, %dma_wait3A_312] : memref<2x1x128xi32, #tpu.memory_space<vmem>> -> memref<1x1x128xi32, #tpu.memory_space<vmem>>
    %dma_wait3A_314 = tpu.memref_squeeze %dma_wait3A_313 : memref<1x1x128xi32, #tpu.memory_space<vmem>> -> memref<1x128xi32, #tpu.memory_space<vmem>>
    %dma_wait3A_315 = arith.constant 0 : i32
    %dma_wait3A_316 = arith.constant 0 : i32
    %dma_wait3A_317 = tpu.memref_slice %arg3[%add3A, %dma_wait3A_301, %dma_wait3A_315, %dma_wait3A_316] : memref<32x79x1x128xi32, #tpu.memory_space<hbm>> -> memref<1x1x1x128xi32, #tpu.memory_space<hbm>>
    %dma_wait3A_318 = tpu.memref_squeeze %dma_wait3A_317 : memref<1x1x1x128xi32, #tpu.memory_space<hbm>> -> memref<1x128xi32, #tpu.memory_space<hbm>>
    tpu.wait_dma2 semaphore(%arg16 : memref<!tpu.dma_semaphore, #tpu.memory_space<semaphore_mem>>) src(%dma_wait3A_318 : memref<1x128xi32, #tpu.memory_space<hbm>>) dst(%dma_wait3A_314 : memref<1x128xi32, #tpu.memory_space<vmem>>)
    %dma_start3A_319 = arith.constant 0 : i32
    %dma_start3A_320 = arith.constant 0 : i32
    %dma_start3A_321 = arith.constant 0 : i32
    %dma_start3A_322 = tpu.memref_slice %arg7[%dma_start3A_319, %dma_start3A_320, %dma_start3A_321] : memref<2x1x128xi32, #tpu.memory_space<vmem>> -> memref<1x1x128xi32, #tpu.memory_space<vmem>>
    %dma_start3A_323 = tpu.memref_squeeze %dma_start3A_322 : memref<1x1x128xi32, #tpu.memory_space<vmem>> -> memref<128xi32, #tpu.memory_space<vmem>>
    %dma_start3A_324 = arith.constant 0 : i32
    %dma_start3A_325 = arith.constant 0 : i32
    %dma_start3A_326 = tpu.memref_slice %arg2[%dma_start3A_324, %dma_start3A_325] : memref<10000x128xf32, #tpu.memory_space<hbm>> -> memref<10000x128xf32, #tpu.memory_space<hbm>>
    tpu.enqueue_indirect_dma source(%dma_start3A_326 : memref<10000x128xf32, #tpu.memory_space<hbm>>) target(%arg9 : memref<128x128xf32, #tpu.memory_space<vmem>>) offsets(%dma_start3A_323 : memref<128xi32, #tpu.memory_space<vmem>>) semaphore(%arg18 : memref<!tpu.dma_semaphore, #tpu.memory_space<semaphore_mem>>)
    %dma_start3A_327 = arith.constant 77 : i32
    %dma_start3A_328 = arith.constant 0 : i32
    %dma_start3A_329 = tpu.memref_slice %arg8[%dma_start3A_327, %dma_start3A_328] : memref<79x128xi32, #tpu.memory_space<vmem>> -> memref<1x128xi32, #tpu.memory_space<vmem>>
    %dma_start3A_330 = tpu.memref_squeeze %dma_start3A_329 : memref<1x128xi32, #tpu.memory_space<vmem>> -> memref<128xi32, #tpu.memory_space<vmem>>
    %dma_start3A_331 = arith.constant 0 : i32
    %dma_start3A_332 = arith.constant 0 : i32
    %dma_start3A_333 = tpu.memref_slice %arg13[%dma_start3A_331, %dma_start3A_332] : memref<10240x128xf32, #tpu.memory_space<vmem_shared>> -> memref<10240x128xf32, #tpu.memory_space<vmem_shared>>
    tpu.enqueue_indirect_dma source(%arg10 : memref<128x128xf32, #tpu.memory_space<vmem>>) target(%dma_start3A_333 : memref<10240x128xf32, #tpu.memory_space<vmem_shared>>) offsets(%dma_start3A_330 : memref<128xi32, #tpu.memory_space<vmem>>) semaphore(%arg21 : memref<!tpu.dma_semaphore, #tpu.memory_space<semaphore_mem>>) {add = true}
    %dma_start3A_334 = arith.constant 77 : i32
    %dma_start3A_335 = arith.constant 0 : i32
    %dma_start3A_336 = tpu.memref_slice %arg8[%dma_start3A_334, %dma_start3A_335] : memref<79x128xi32, #tpu.memory_space<vmem>> -> memref<1x128xi32, #tpu.memory_space<vmem>>
    %dma_start3A_337 = tpu.memref_squeeze %dma_start3A_336 : memref<1x128xi32, #tpu.memory_space<vmem>> -> memref<128xi32, #tpu.memory_space<vmem>>
    %dma_start3A_338 = arith.constant 0 : i32
    %dma_start3A_339 = tpu.memref_slice %arg14[%dma_start3A_338] : memref<10240xf32, #tpu.memory_space<vmem_shared>> -> memref<10240xf32, #tpu.memory_space<vmem_shared>>
    tpu.enqueue_indirect_dma source(%arg11 : memref<128xf32, #tpu.memory_space<vmem>>) target(%dma_start3A_339 : memref<10240xf32, #tpu.memory_space<vmem_shared>>) offsets(%dma_start3A_337 : memref<128xi32, #tpu.memory_space<vmem>>) semaphore(%arg22 : memref<!tpu.dma_semaphore, #tpu.memory_space<semaphore_mem>>) {add = true}
    %dma_wait3A_340 = arith.constant 0 : i32
    %dma_wait3A_341 = arith.constant 0 : i32
    %dma_wait3A_342 = arith.constant 0 : i32
    %dma_wait3A_343 = tpu.memref_slice %arg7[%dma_wait3A_340, %dma_wait3A_341, %dma_wait3A_342] : memref<2x1x128xi32, #tpu.memory_space<vmem>> -> memref<1x1x128xi32, #tpu.memory_space<vmem>>
    %dma_wait3A_344 = tpu.memref_squeeze %dma_wait3A_343 : memref<1x1x128xi32, #tpu.memory_space<vmem>> -> memref<128xi32, #tpu.memory_space<vmem>>
    %dma_wait3A_345 = arith.constant 0 : i32
    %dma_wait3A_346 = arith.constant 0 : i32
    %dma_wait3A_347 = tpu.memref_slice %arg2[%dma_wait3A_345, %dma_wait3A_346] : memref<10000x128xf32, #tpu.memory_space<hbm>> -> memref<10000x128xf32, #tpu.memory_space<hbm>>
    tpu.wait_indirect_dma semaphore(%arg18 : memref<!tpu.dma_semaphore, #tpu.memory_space<semaphore_mem>>) src(%dma_wait3A_347 : memref<10000x128xf32, #tpu.memory_space<hbm>>) dst(%arg9 : memref<128x128xf32, #tpu.memory_space<vmem>>)
    %dma_wait3A_348 = arith.constant 77 : i32
    %dma_wait3A_349 = arith.constant 0 : i32
    %dma_wait3A_350 = tpu.memref_slice %arg8[%dma_wait3A_348, %dma_wait3A_349] : memref<79x128xi32, #tpu.memory_space<vmem>> -> memref<1x128xi32, #tpu.memory_space<vmem>>
    %dma_wait3A_351 = tpu.memref_squeeze %dma_wait3A_350 : memref<1x128xi32, #tpu.memory_space<vmem>> -> memref<128xi32, #tpu.memory_space<vmem>>
    %dma_wait3A_352 = arith.constant 0 : i32
    %dma_wait3A_353 = arith.constant 0 : i32
    %dma_wait3A_354 = tpu.memref_slice %arg13[%dma_wait3A_352, %dma_wait3A_353] : memref<10240x128xf32, #tpu.memory_space<vmem_shared>> -> memref<10240x128xf32, #tpu.memory_space<vmem_shared>>
    tpu.wait_indirect_dma semaphore(%arg21 : memref<!tpu.dma_semaphore, #tpu.memory_space<semaphore_mem>>) src(%arg10 : memref<128x128xf32, #tpu.memory_space<vmem>>) dst(%dma_wait3A_354 : memref<10240x128xf32, #tpu.memory_space<vmem_shared>>)
    %dma_start3A_355 = arith.constant 78 : i32
    %dma_start3A_356 = arith.constant 0 : i32
    %dma_start3A_357 = tpu.memref_slice %arg8[%dma_start3A_355, %dma_start3A_356] : memref<79x128xi32, #tpu.memory_space<vmem>> -> memref<1x128xi32, #tpu.memory_space<vmem>>
    %dma_start3A_358 = tpu.memref_squeeze %dma_start3A_357 : memref<1x128xi32, #tpu.memory_space<vmem>> -> memref<128xi32, #tpu.memory_space<vmem>>
    %dma_start3A_359 = arith.constant 0 : i32
    %dma_start3A_360 = arith.constant 0 : i32
    %dma_start3A_361 = tpu.memref_slice %arg13[%dma_start3A_359, %dma_start3A_360] : memref<10240x128xf32, #tpu.memory_space<vmem_shared>> -> memref<10240x128xf32, #tpu.memory_space<vmem_shared>>
    tpu.enqueue_indirect_dma source(%arg9 : memref<128x128xf32, #tpu.memory_space<vmem>>) target(%dma_start3A_361 : memref<10240x128xf32, #tpu.memory_space<vmem_shared>>) offsets(%dma_start3A_358 : memref<128xi32, #tpu.memory_space<vmem>>) semaphore(%arg20 : memref<!tpu.dma_semaphore, #tpu.memory_space<semaphore_mem>>) {add = true}
    %dma_start3A_362 = arith.constant 78 : i32
    %dma_start3A_363 = arith.constant 0 : i32
    %dma_start3A_364 = tpu.memref_slice %arg8[%dma_start3A_362, %dma_start3A_363] : memref<79x128xi32, #tpu.memory_space<vmem>> -> memref<1x128xi32, #tpu.memory_space<vmem>>
    %dma_start3A_365 = tpu.memref_squeeze %dma_start3A_364 : memref<1x128xi32, #tpu.memory_space<vmem>> -> memref<128xi32, #tpu.memory_space<vmem>>
    %dma_start3A_366 = arith.constant 0 : i32
    %dma_start3A_367 = tpu.memref_slice %arg14[%dma_start3A_366] : memref<10240xf32, #tpu.memory_space<vmem_shared>> -> memref<10240xf32, #tpu.memory_space<vmem_shared>>
    tpu.enqueue_indirect_dma source(%arg11 : memref<128xf32, #tpu.memory_space<vmem>>) target(%dma_start3A_367 : memref<10240xf32, #tpu.memory_space<vmem_shared>>) offsets(%dma_start3A_365 : memref<128xi32, #tpu.memory_space<vmem>>) semaphore(%arg22 : memref<!tpu.dma_semaphore, #tpu.memory_space<semaphore_mem>>) {add = true}
    %dma_wait3A_368 = arith.constant 78 : i32
    %dma_wait3A_369 = arith.constant 0 : i32
    %dma_wait3A_370 = tpu.memref_slice %arg8[%dma_wait3A_368, %dma_wait3A_369] : memref<79x128xi32, #tpu.memory_space<vmem>> -> memref<1x128xi32, #tpu.memory_space<vmem>>
    %dma_wait3A_371 = tpu.memref_squeeze %dma_wait3A_370 : memref<1x128xi32, #tpu.memory_space<vmem>> -> memref<128xi32, #tpu.memory_space<vmem>>
    %dma_wait3A_372 = arith.constant 0 : i32
    %dma_wait3A_373 = arith.constant 0 : i32
    %dma_wait3A_374 = tpu.memref_slice %arg13[%dma_wait3A_372, %dma_wait3A_373] : memref<10240x128xf32, #tpu.memory_space<vmem_shared>> -> memref<10240x128xf32, #tpu.memory_space<vmem_shared>>
    tpu.wait_indirect_dma semaphore(%arg20 : memref<!tpu.dma_semaphore, #tpu.memory_space<semaphore_mem>>) src(%arg9 : memref<128x128xf32, #tpu.memory_space<vmem>>) dst(%dma_wait3A_374 : memref<10240x128xf32, #tpu.memory_space<vmem_shared>>)
    %scan3A_375 = arith.constant 0 : i32
    %scan3A_376 = arith.constant 0 : i32
    %scan3A_377 = arith.constant 79 : i32
    %scan3A_378 = arith.addi %scan3A_376, %scan3A_377 : i32
    %scan3A_379 = arith.constant 1 : i32
    %scan3A_380 = scf.for %scan3A_473 = %scan3A_376 to %scan3A_378 step %scan3A_379 iter_args(%scan3A_474 = %scan3A_375) -> (i32)  : i32 {
      %dma_wait3A_475 = arith.constant 0 : i32
      %dma_wait3A_476 = tpu.memref_slice %arg8[%scan3A_473, %dma_wait3A_475] : memref<79x128xi32, #tpu.memory_space<vmem>> -> memref<1x128xi32, #tpu.memory_space<vmem>>
      %dma_wait3A_477 = tpu.memref_squeeze %dma_wait3A_476 : memref<1x128xi32, #tpu.memory_space<vmem>> -> memref<128xi32, #tpu.memory_space<vmem>>
      %dma_wait3A_478 = arith.constant 0 : i32
      %dma_wait3A_479 = tpu.memref_slice %arg14[%dma_wait3A_478] : memref<10240xf32, #tpu.memory_space<vmem_shared>> -> memref<10240xf32, #tpu.memory_space<vmem_shared>>
      tpu.wait_indirect_dma semaphore(%arg22 : memref<!tpu.dma_semaphore, #tpu.memory_space<semaphore_mem>>) src(%arg11 : memref<128xf32, #tpu.memory_space<vmem>>) dst(%dma_wait3A_479 : memref<10240xf32, #tpu.memory_space<vmem_shared>>)
      %scan3A_480 = arith.constant 0 : i32
      scf.yield %scan3A_480 : i32
    }
    %scan3A_381 = arith.constant 79 : i32
    %barrier3A_382 = arith.constant 0 : index
    tpu.barrier barrier_id(%barrier3A_382)
    %mul3A_383 = arith.constant 5 : i32
    %mul3A_384 = arith.muli %arg1, %mul3A_383 : i32
    %add3A_385 = arith.constant 0 : i32
    %add3A_386 = arith.addi %mul3A_384, %add3A_385 : i32
    %mul3A_387 = arith.constant 128 : i32
    %mul3A_388 = arith.muli %add3A_386, %mul3A_387 : i32
    %dma_start3A_389 = arith.constant 0 : i32
    %dma_start3A_390 = tpu.memref_slice %arg5[%arg0, %mul3A_388, %dma_start3A_389] : memref<2x10240x128xf32, #tpu.memory_space<hbm>> -> memref<1x128x128xf32, #tpu.memory_space<hbm>>
    %dma_start3A_391 = tpu.memref_squeeze %dma_start3A_390 : memref<1x128x128xf32, #tpu.memory_space<hbm>> -> memref<128x128xf32, #tpu.memory_space<hbm>>
    %dma_start3A_392 = arith.constant 0 : i32
    %dma_start3A_393 = tpu.memref_slice %arg13[%mul3A_388, %dma_start3A_392] : memref<10240x128xf32, #tpu.memory_space<vmem_shared>> -> memref<128x128xf32, #tpu.memory_space<vmem_shared>>
    tpu.enqueue_dma source(%dma_start3A_393 : memref<128x128xf32, #tpu.memory_space<vmem_shared>>) target(%dma_start3A_391 : memref<128x128xf32, #tpu.memory_space<hbm>>) target_semaphore(%arg18 : memref<!tpu.dma_semaphore, #tpu.memory_space<semaphore_mem>>)
    %mul3A_394 = arith.constant 5 : i32
    %mul3A_395 = arith.muli %arg1, %mul3A_394 : i32
    %add3A_396 = arith.constant 1 : i32
    %add3A_397 = arith.addi %mul3A_395, %add3A_396 : i32
    %mul3A_398 = arith.constant 128 : i32
    %mul3A_399 = arith.muli %add3A_397, %mul3A_398 : i32
    %dma_start3A_400 = arith.constant 0 : i32
    %dma_start3A_401 = tpu.memref_slice %arg5[%arg0, %mul3A_399, %dma_start3A_400] : memref<2x10240x128xf32, #tpu.memory_space<hbm>> -> memref<1x128x128xf32, #tpu.memory_space<hbm>>
    %dma_start3A_402 = tpu.memref_squeeze %dma_start3A_401 : memref<1x128x128xf32, #tpu.memory_space<hbm>> -> memref<128x128xf32, #tpu.memory_space<hbm>>
    %dma_start3A_403 = arith.constant 0 : i32
    %dma_start3A_404 = tpu.memref_slice %arg13[%mul3A_399, %dma_start3A_403] : memref<10240x128xf32, #tpu.memory_space<vmem_shared>> -> memref<128x128xf32, #tpu.memory_space<vmem_shared>>
    tpu.enqueue_dma source(%dma_start3A_404 : memref<128x128xf32, #tpu.memory_space<vmem_shared>>) target(%dma_start3A_402 : memref<128x128xf32, #tpu.memory_space<hbm>>) target_semaphore(%arg18 : memref<!tpu.dma_semaphore, #tpu.memory_space<semaphore_mem>>)
    %mul3A_405 = arith.constant 5 : i32
    %mul3A_406 = arith.muli %arg1, %mul3A_405 : i32
    %add3A_407 = arith.constant 2 : i32
    %add3A_408 = arith.addi %mul3A_406, %add3A_407 : i32
    %mul3A_409 = arith.constant 128 : i32
    %mul3A_410 = arith.muli %add3A_408, %mul3A_409 : i32
    %dma_start3A_411 = arith.constant 0 : i32
    %dma_start3A_412 = tpu.memref_slice %arg5[%arg0, %mul3A_410, %dma_start3A_411] : memref<2x10240x128xf32, #tpu.memory_space<hbm>> -> memref<1x128x128xf32, #tpu.memory_space<hbm>>
    %dma_start3A_413 = tpu.memref_squeeze %dma_start3A_412 : memref<1x128x128xf32, #tpu.memory_space<hbm>> -> memref<128x128xf32, #tpu.memory_space<hbm>>
    %dma_start3A_414 = arith.constant 0 : i32
    %dma_start3A_415 = tpu.memref_slice %arg13[%mul3A_410, %dma_start3A_414] : memref<10240x128xf32, #tpu.memory_space<vmem_shared>> -> memref<128x128xf32, #tpu.memory_space<vmem_shared>>
    tpu.enqueue_dma source(%dma_start3A_415 : memref<128x128xf32, #tpu.memory_space<vmem_shared>>) target(%dma_start3A_413 : memref<128x128xf32, #tpu.memory_space<hbm>>) target_semaphore(%arg18 : memref<!tpu.dma_semaphore, #tpu.memory_space<semaphore_mem>>)
    %mul3A_416 = arith.constant 5 : i32
    %mul3A_417 = arith.muli %arg1, %mul3A_416 : i32
    %add3A_418 = arith.constant 3 : i32
    %add3A_419 = arith.addi %mul3A_417, %add3A_418 : i32
    %mul3A_420 = arith.constant 128 : i32
    %mul3A_421 = arith.muli %add3A_419, %mul3A_420 : i32
    %dma_start3A_422 = arith.constant 0 : i32
    %dma_start3A_423 = tpu.memref_slice %arg5[%arg0, %mul3A_421, %dma_start3A_422] : memref<2x10240x128xf32, #tpu.memory_space<hbm>> -> memref<1x128x128xf32, #tpu.memory_space<hbm>>
    %dma_start3A_424 = tpu.memref_squeeze %dma_start3A_423 : memref<1x128x128xf32, #tpu.memory_space<hbm>> -> memref<128x128xf32, #tpu.memory_space<hbm>>
    %dma_start3A_425 = arith.constant 0 : i32
    %dma_start3A_426 = tpu.memref_slice %arg13[%mul3A_421, %dma_start3A_425] : memref<10240x128xf32, #tpu.memory_space<vmem_shared>> -> memref<128x128xf32, #tpu.memory_space<vmem_shared>>
    tpu.enqueue_dma source(%dma_start3A_426 : memref<128x128xf32, #tpu.memory_space<vmem_shared>>) target(%dma_start3A_424 : memref<128x128xf32, #tpu.memory_space<hbm>>) target_semaphore(%arg18 : memref<!tpu.dma_semaphore, #tpu.memory_space<semaphore_mem>>)
    %mul3A_427 = arith.constant 5 : i32
    %mul3A_428 = arith.muli %arg1, %mul3A_427 : i32
    %add3A_429 = arith.constant 4 : i32
    %add3A_430 = arith.addi %mul3A_428, %add3A_429 : i32
    %mul3A_431 = arith.constant 128 : i32
    %mul3A_432 = arith.muli %add3A_430, %mul3A_431 : i32
    %dma_start3A_433 = arith.constant 0 : i32
    %dma_start3A_434 = tpu.memref_slice %arg5[%arg0, %mul3A_432, %dma_start3A_433] : memref<2x10240x128xf32, #tpu.memory_space<hbm>> -> memref<1x128x128xf32, #tpu.memory_space<hbm>>
    %dma_start3A_435 = tpu.memref_squeeze %dma_start3A_434 : memref<1x128x128xf32, #tpu.memory_space<hbm>> -> memref<128x128xf32, #tpu.memory_space<hbm>>
    %dma_start3A_436 = arith.constant 0 : i32
    %dma_start3A_437 = tpu.memref_slice %arg13[%mul3A_432, %dma_start3A_436] : memref<10240x128xf32, #tpu.memory_space<vmem_shared>> -> memref<128x128xf32, #tpu.memory_space<vmem_shared>>
    tpu.enqueue_dma source(%dma_start3A_437 : memref<128x128xf32, #tpu.memory_space<vmem_shared>>) target(%dma_start3A_435 : memref<128x128xf32, #tpu.memory_space<hbm>>) target_semaphore(%arg18 : memref<!tpu.dma_semaphore, #tpu.memory_space<semaphore_mem>>)
    %mul3A_438 = arith.constant 640 : i32
    %mul3A_439 = arith.muli %arg1, %mul3A_438 : i32
    %mul3A_440 = arith.constant 640 : i32
    %mul3A_441 = arith.muli %arg1, %mul3A_440 : i32
    %dma_start3A_442 = tpu.memref_slice %arg6[%arg0, %mul3A_441] : memref<2x10240xf32, #tpu.memory_space<hbm>> -> memref<1x640xf32, #tpu.memory_space<hbm>>
    %dma_start3A_443 = tpu.memref_squeeze %dma_start3A_442 : memref<1x640xf32, #tpu.memory_space<hbm>> -> memref<640xf32, #tpu.memory_space<hbm>>
    %dma_start3A_444 = tpu.memref_slice %arg14[%mul3A_439] : memref<10240xf32, #tpu.memory_space<vmem_shared>> -> memref<640xf32, #tpu.memory_space<vmem_shared>>
    tpu.enqueue_dma source(%dma_start3A_444 : memref<640xf32, #tpu.memory_space<vmem_shared>>) target(%dma_start3A_443 : memref<640xf32, #tpu.memory_space<hbm>>) target_semaphore(%arg18 : memref<!tpu.dma_semaphore, #tpu.memory_space<semaphore_mem>>)
    %dma_wait3A_445 = arith.constant 0 : i32
    %dma_wait3A_446 = tpu.memref_slice %arg5[%arg0, %mul3A_388, %dma_wait3A_445] : memref<2x10240x128xf32, #tpu.memory_space<hbm>> -> memref<1x128x128xf32, #tpu.memory_space<hbm>>
    %dma_wait3A_447 = tpu.memref_squeeze %dma_wait3A_446 : memref<1x128x128xf32, #tpu.memory_space<hbm>> -> memref<128x128xf32, #tpu.memory_space<hbm>>
    %dma_wait3A_448 = arith.constant 0 : i32
    %dma_wait3A_449 = tpu.memref_slice %arg13[%mul3A_388, %dma_wait3A_448] : memref<10240x128xf32, #tpu.memory_space<vmem_shared>> -> memref<128x128xf32, #tpu.memory_space<vmem_shared>>
    tpu.wait_dma2 semaphore(%arg18 : memref<!tpu.dma_semaphore, #tpu.memory_space<semaphore_mem>>) src(%dma_wait3A_449 : memref<128x128xf32, #tpu.memory_space<vmem_shared>>) dst(%dma_wait3A_447 : memref<128x128xf32, #tpu.memory_space<hbm>>)
    %dma_wait3A_450 = arith.constant 0 : i32
    %dma_wait3A_451 = tpu.memref_slice %arg5[%arg0, %mul3A_399, %dma_wait3A_450] : memref<2x10240x128xf32, #tpu.memory_space<hbm>> -> memref<1x128x128xf32, #tpu.memory_space<hbm>>
    %dma_wait3A_452 = tpu.memref_squeeze %dma_wait3A_451 : memref<1x128x128xf32, #tpu.memory_space<hbm>> -> memref<128x128xf32, #tpu.memory_space<hbm>>
    %dma_wait3A_453 = arith.constant 0 : i32
    %dma_wait3A_454 = tpu.memref_slice %arg13[%mul3A_399, %dma_wait3A_453] : memref<10240x128xf32, #tpu.memory_space<vmem_shared>> -> memref<128x128xf32, #tpu.memory_space<vmem_shared>>
    tpu.wait_dma2 semaphore(%arg18 : memref<!tpu.dma_semaphore, #tpu.memory_space<semaphore_mem>>) src(%dma_wait3A_454 : memref<128x128xf32, #tpu.memory_space<vmem_shared>>) dst(%dma_wait3A_452 : memref<128x128xf32, #tpu.memory_space<hbm>>)
    %dma_wait3A_455 = arith.constant 0 : i32
    %dma_wait3A_456 = tpu.memref_slice %arg5[%arg0, %mul3A_410, %dma_wait3A_455] : memref<2x10240x128xf32, #tpu.memory_space<hbm>> -> memref<1x128x128xf32, #tpu.memory_space<hbm>>
    %dma_wait3A_457 = tpu.memref_squeeze %dma_wait3A_456 : memref<1x128x128xf32, #tpu.memory_space<hbm>> -> memref<128x128xf32, #tpu.memory_space<hbm>>
    %dma_wait3A_458 = arith.constant 0 : i32
    %dma_wait3A_459 = tpu.memref_slice %arg13[%mul3A_410, %dma_wait3A_458] : memref<10240x128xf32, #tpu.memory_space<vmem_shared>> -> memref<128x128xf32, #tpu.memory_space<vmem_shared>>
    tpu.wait_dma2 semaphore(%arg18 : memref<!tpu.dma_semaphore, #tpu.memory_space<semaphore_mem>>) src(%dma_wait3A_459 : memref<128x128xf32, #tpu.memory_space<vmem_shared>>) dst(%dma_wait3A_457 : memref<128x128xf32, #tpu.memory_space<hbm>>)
    %dma_wait3A_460 = arith.constant 0 : i32
    %dma_wait3A_461 = tpu.memref_slice %arg5[%arg0, %mul3A_421, %dma_wait3A_460] : memref<2x10240x128xf32, #tpu.memory_space<hbm>> -> memref<1x128x128xf32, #tpu.memory_space<hbm>>
    %dma_wait3A_462 = tpu.memref_squeeze %dma_wait3A_461 : memref<1x128x128xf32, #tpu.memory_space<hbm>> -> memref<128x128xf32, #tpu.memory_space<hbm>>
    %dma_wait3A_463 = arith.constant 0 : i32
    %dma_wait3A_464 = tpu.memref_slice %arg13[%mul3A_421, %dma_wait3A_463] : memref<10240x128xf32, #tpu.memory_space<vmem_shared>> -> memref<128x128xf32, #tpu.memory_space<vmem_shared>>
    tpu.wait_dma2 semaphore(%arg18 : memref<!tpu.dma_semaphore, #tpu.memory_space<semaphore_mem>>) src(%dma_wait3A_464 : memref<128x128xf32, #tpu.memory_space<vmem_shared>>) dst(%dma_wait3A_462 : memref<128x128xf32, #tpu.memory_space<hbm>>)
    %dma_wait3A_465 = arith.constant 0 : i32
    %dma_wait3A_466 = tpu.memref_slice %arg5[%arg0, %mul3A_432, %dma_wait3A_465] : memref<2x10240x128xf32, #tpu.memory_space<hbm>> -> memref<1x128x128xf32, #tpu.memory_space<hbm>>
    %dma_wait3A_467 = tpu.memref_squeeze %dma_wait3A_466 : memref<1x128x128xf32, #tpu.memory_space<hbm>> -> memref<128x128xf32, #tpu.memory_space<hbm>>
    %dma_wait3A_468 = arith.constant 0 : i32
    %dma_wait3A_469 = tpu.memref_slice %arg13[%mul3A_432, %dma_wait3A_468] : memref<10240x128xf32, #tpu.memory_space<vmem_shared>> -> memref<128x128xf32, #tpu.memory_space<vmem_shared>>
    tpu.wait_dma2 semaphore(%arg18 : memref<!tpu.dma_semaphore, #tpu.memory_space<semaphore_mem>>) src(%dma_wait3A_469 : memref<128x128xf32, #tpu.memory_space<vmem_shared>>) dst(%dma_wait3A_467 : memref<128x128xf32, #tpu.memory_space<hbm>>)
    %dma_wait3A_470 = tpu.memref_slice %arg6[%arg0, %mul3A_441] : memref<2x10240xf32, #tpu.memory_space<hbm>> -> memref<1x640xf32, #tpu.memory_space<hbm>>
    %dma_wait3A_471 = tpu.memref_squeeze %dma_wait3A_470 : memref<1x640xf32, #tpu.memory_space<hbm>> -> memref<640xf32, #tpu.memory_space<hbm>>
    %dma_wait3A_472 = tpu.memref_slice %arg14[%mul3A_439] : memref<10240xf32, #tpu.memory_space<vmem_shared>> -> memref<640xf32, #tpu.memory_space<vmem_shared>>
    tpu.wait_dma2 semaphore(%arg18 : memref<!tpu.dma_semaphore, #tpu.memory_space<semaphore_mem>>) src(%dma_wait3A_472 : memref<640xf32, #tpu.memory_space<vmem_shared>>) dst(%dma_wait3A_471 : memref<640xf32, #tpu.memory_space<hbm>>)
    return
  }
}

module attributes {stable_mosaic.version = 14 : i64} {
  func.func @_tc_layer_body(%arg0: i32, %arg1: memref<2048x128xf32, #tpu.memory_space<vmem>>, %arg2: memref<2x2048x128xf32, #tpu.memory_space<vmem>>, %arg3: memref<2x2048xf32, #tpu.memory_space<vmem>>, %arg4: memref<128x128xf32, #tpu.memory_space<vmem>>, %arg5: memref<128x128xf32, #tpu.memory_space<vmem>>, %arg6: memref<1x128xf32, #tpu.memory_space<vmem>>, %arg7: memref<2048x128xf32, #tpu.memory_space<vmem>>) attributes {dimension_semantics = [#tpu.dimension_semantics<arbitrary>], iteration_bounds = array<i64: 5>, scalar_prefetch = 0 : i64, scratch_operands = 0 : i64, tpu.core_type = #tpu.core_type<tc>, window_params = [{transform_indices = @transform_0, window_bounds = array<i64: 2048, 128>}, {transform_indices = @transform_1, window_bounds = array<i64: 2, 2048, 128>}, {transform_indices = @transform_2, window_bounds = array<i64: 2, 2048>}, {pipeline_mode = #tpu.pipeline_mode<synchronous>, transform_indices = @transform_3, window_bounds = array<i64: 128, 128>}, {pipeline_mode = #tpu.pipeline_mode<synchronous>, transform_indices = @transform_4, window_bounds = array<i64: 128, 128>}, {pipeline_mode = #tpu.pipeline_mode<synchronous>, transform_indices = @transform_5, window_bounds = array<i64: 1, 128>}, {transform_indices = @transform_6, window_bounds = array<i64: 2048, 128>}]} {
    %get3A = arith.constant 0 : index
    %get3A_0 = arith.constant 0 : index
    %get3A_1 = arith.constant 0 : index
    %get3A_2 = vector.load %arg2[%get3A, %get3A_0, %get3A_1] : memref<2x2048x128xf32, #tpu.memory_space<vmem>>, vector<1x2048x128xf32>
    %get3A_3 = vector.shape_cast %get3A_2 : vector<1x2048x128xf32> to vector<2048x128xf32>
    %get3A_4 = arith.constant 1 : index
    %get3A_5 = arith.constant 0 : index
    %get3A_6 = arith.constant 0 : index
    %get3A_7 = vector.load %arg2[%get3A_4, %get3A_5, %get3A_6] : memref<2x2048x128xf32, #tpu.memory_space<vmem>>, vector<1x2048x128xf32>
    %get3A_8 = vector.shape_cast %get3A_7 : vector<1x2048x128xf32> to vector<2048x128xf32>
    %add3A = arith.addf %get3A_3, %get3A_8 : vector<2048x128xf32>
    %get3A_9 = arith.constant 0 : index
    %get3A_10 = arith.constant 0 : index
    %get3A_11 = vector.load %arg3[%get3A_9, %get3A_10] : memref<2x2048xf32, #tpu.memory_space<vmem>>, vector<1x2048xf32>
    %get3A_12 = vector.shape_cast %get3A_11 : vector<1x2048xf32> to vector<2048xf32>
    %get3A_13 = arith.constant 1 : index
    %get3A_14 = arith.constant 0 : index
    %get3A_15 = vector.load %arg3[%get3A_13, %get3A_14] : memref<2x2048xf32, #tpu.memory_space<vmem>>, vector<1x2048xf32>
    %get3A_16 = vector.shape_cast %get3A_15 : vector<1x2048xf32> to vector<2048xf32>
    %add3A_17 = arith.addf %get3A_12, %get3A_16 : vector<2048xf32>
    %max3A = arith.constant 1.000000e+00 : f32
    %max3A_18 = vector.broadcast %max3A : f32 to vector<2048xf32>
    %max3A_19 = arith.maximumf %add3A_17, %max3A_18 : vector<2048xf32>
    %div3A = arith.constant 1.000000e+00 : f32
    %div3A_20 = vector.broadcast %div3A : f32 to vector<2048xf32>
    %div3A_21 = arith.divf %div3A_20, %max3A_19 : vector<2048xf32>
    %reshape3A = vector.shape_cast %div3A_21 : vector<2048xf32> to vector<2048x1xf32>
    %mul3A = vector.broadcast %reshape3A : vector<2048x1xf32> to vector<2048x128xf32>
    %mul3A_22 = arith.mulf %add3A, %mul3A : vector<2048x128xf32>
    %get3A_23 = arith.constant 0 : index
    %get3A_24 = arith.constant 0 : index
    %get3A_25 = vector.load %arg4[%get3A_23, %get3A_24] : memref<128x128xf32, #tpu.memory_space<vmem>>, vector<128x128xf32>
    %dot_general3A = arith.constant dense<0.000000e+00> : vector<2048x128xf32>
    %dot_general3A_26 = tpu.matmul %mul3A_22, %get3A_25, %dot_general3A {dimension_numbers = #tpu.dot_dimension_numbers<[1], [0], [0], [1], [0, 0, 1, 1], [], []>, transpose_lhs_hint = false} : vector<2048x128xf32>, vector<128x128xf32>, vector<2048x128xf32> -> vector<2048x128xf32>
    %get3A_27 = arith.constant 0 : index
    %get3A_28 = arith.constant 0 : index
    %get3A_29 = vector.load %arg6[%get3A_27, %get3A_28] : memref<1x128xf32, #tpu.memory_space<vmem>>, vector<1x128xf32>
    %add3A_30 = vector.broadcast %get3A_29 : vector<1x128xf32> to vector<2048x128xf32>
    %add3A_31 = arith.addf %dot_general3A_26, %add3A_30 : vector<2048x128xf32>
    %get3A_32 = arith.constant 0 : index
    %get3A_33 = arith.constant 0 : index
    %get3A_34 = vector.load %arg1[%get3A_32, %get3A_33] : memref<2048x128xf32, #tpu.memory_space<vmem>>, vector<2048x128xf32>
    %get3A_35 = arith.constant 0 : index
    %get3A_36 = arith.constant 0 : index
    %get3A_37 = vector.load %arg5[%get3A_35, %get3A_36] : memref<128x128xf32, #tpu.memory_space<vmem>>, vector<128x128xf32>
    %dot_general3A_38 = arith.constant dense<0.000000e+00> : vector<2048x128xf32>
    %dot_general3A_39 = tpu.matmul %get3A_34, %get3A_37, %dot_general3A_38 {dimension_numbers = #tpu.dot_dimension_numbers<[1], [0], [0], [1], [0, 0, 1, 1], [], []>, transpose_lhs_hint = false} : vector<2048x128xf32>, vector<128x128xf32>, vector<2048x128xf32> -> vector<2048x128xf32>
    %add3A_40 = arith.addf %add3A_31, %dot_general3A_39 : vector<2048x128xf32>
    %mul3A_41 = arith.constant 5.000000e-01 : f32
    %mul3A_42 = vector.broadcast %mul3A_41 : f32 to vector<2048x128xf32>
    %mul3A_43 = arith.mulf %mul3A_42, %add3A_40 : vector<2048x128xf32>
    %mul3A_44 = arith.constant 0.707106769 : f32
    %mul3A_45 = vector.broadcast %mul3A_44 : f32 to vector<2048x128xf32>
    %mul3A_46 = arith.mulf %add3A_40, %mul3A_45 : vector<2048x128xf32>
    %erf3A = math.erf %mul3A_46 : vector<2048x128xf32>
    %add3A_47 = arith.constant 1.000000e+00 : f32
    %add3A_48 = vector.broadcast %add3A_47 : f32 to vector<2048x128xf32>
    %add3A_49 = arith.addf %add3A_48, %erf3A : vector<2048x128xf32>
    %mul3A_50 = arith.mulf %mul3A_43, %add3A_49 : vector<2048x128xf32>
    %swap3A = arith.constant 0 : index
    %swap3A_51 = arith.constant 0 : index
    %swap3A_52 = vector.load %arg7[%swap3A, %swap3A_51] : memref<2048x128xf32, #tpu.memory_space<vmem>>, vector<2048x128xf32>
    tpu.vector_store %arg7[%swap3A, %swap3A_51], %mul3A_50 {strides = array<i32>} : memref<2048x128xf32, #tpu.memory_space<vmem>>, vector<2048x128xf32>,
    return
  }
  func.func @transform_0(%arg0: i32) -> (i32, i32) {
    %c0_i32 = arith.constant 0 : i32
    %c0_i32_0 = arith.constant 0 : i32
    return %arg0, %c0_i32 : i32, i32
  }
  func.func @transform_1(%arg0: i32) -> (i32, i32, i32) {
    %c0_i32 = arith.constant 0 : i32
    %c0_i32_0 = arith.constant 0 : i32
    %c0_i32_1 = arith.constant 0 : i32
    return %c0_i32, %arg0, %c0_i32_0 : i32, i32, i32
  }
  func.func @transform_2(%arg0: i32) -> (i32, i32) {
    %c0_i32 = arith.constant 0 : i32
    %c0_i32_0 = arith.constant 0 : i32
    return %c0_i32, %arg0 : i32, i32
  }
  func.func @transform_3(%arg0: i32) -> (i32, i32) {
    %c0_i32 = arith.constant 0 : i32
    %c0_i32_0 = arith.constant 0 : i32
    %c0_i32_1 = arith.constant 0 : i32
    return %c0_i32, %c0_i32_0 : i32, i32
  }
  func.func @transform_4(%arg0: i32) -> (i32, i32) {
    %c0_i32 = arith.constant 0 : i32
    %c0_i32_0 = arith.constant 0 : i32
    %c0_i32_1 = arith.constant 0 : i32
    return %c0_i32, %c0_i32_0 : i32, i32
  }
  func.func @transform_5(%arg0: i32) -> (i32, i32) {
    %c0_i32 = arith.constant 0 : i32
    %c0_i32_0 = arith.constant 0 : i32
    %c0_i32_1 = arith.constant 0 : i32
    return %c0_i32, %c0_i32_0 : i32, i32
  }
  func.func @transform_6(%arg0: i32) -> (i32, i32) {
    %c0_i32 = arith.constant 0 : i32
    %c0_i32_0 = arith.constant 0 : i32
    return %arg0, %c0_i32 : i32, i32
  }
}

module attributes {stable_mosaic.version = 14 : i64} {
  func.func @_tc_layer_body(%arg0: i32, %arg1: memref<2048x128xf32, #tpu.memory_space<vmem>>, %arg2: memref<2x2048x128xf32, #tpu.memory_space<vmem>>, %arg3: memref<2x2048xf32, #tpu.memory_space<vmem>>, %arg4: memref<128x128xf32, #tpu.memory_space<vmem>>, %arg5: memref<128x128xf32, #tpu.memory_space<vmem>>, %arg6: memref<1x128xf32, #tpu.memory_space<vmem>>, %arg7: memref<2048x128xf32, #tpu.memory_space<vmem>>) attributes {dimension_semantics = [#tpu.dimension_semantics<arbitrary>], iteration_bounds = array<i64: 5>, scalar_prefetch = 0 : i64, scratch_operands = 0 : i64, tpu.core_type = #tpu.core_type<tc>, window_params = [{transform_indices = @transform_0, window_bounds = array<i64: 2048, 128>}, {transform_indices = @transform_1, window_bounds = array<i64: 2, 2048, 128>}, {transform_indices = @transform_2, window_bounds = array<i64: 2, 2048>}, {pipeline_mode = #tpu.pipeline_mode<synchronous>, transform_indices = @transform_3, window_bounds = array<i64: 128, 128>}, {pipeline_mode = #tpu.pipeline_mode<synchronous>, transform_indices = @transform_4, window_bounds = array<i64: 128, 128>}, {pipeline_mode = #tpu.pipeline_mode<synchronous>, transform_indices = @transform_5, window_bounds = array<i64: 1, 128>}, {transform_indices = @transform_6, window_bounds = array<i64: 2048, 128>}]} {
    %get3A = arith.constant 0 : index
    %get3A_0 = arith.constant 0 : index
    %get3A_1 = arith.constant 0 : index
    %get3A_2 = vector.load %arg2[%get3A, %get3A_0, %get3A_1] : memref<2x2048x128xf32, #tpu.memory_space<vmem>>, vector<1x2048x128xf32>
    %get3A_3 = vector.shape_cast %get3A_2 : vector<1x2048x128xf32> to vector<2048x128xf32>
    %get3A_4 = arith.constant 1 : index
    %get3A_5 = arith.constant 0 : index
    %get3A_6 = arith.constant 0 : index
    %get3A_7 = vector.load %arg2[%get3A_4, %get3A_5, %get3A_6] : memref<2x2048x128xf32, #tpu.memory_space<vmem>>, vector<1x2048x128xf32>
    %get3A_8 = vector.shape_cast %get3A_7 : vector<1x2048x128xf32> to vector<2048x128xf32>
    %add3A = arith.addf %get3A_3, %get3A_8 : vector<2048x128xf32>
    %get3A_9 = arith.constant 0 : index
    %get3A_10 = arith.constant 0 : index
    %get3A_11 = vector.load %arg3[%get3A_9, %get3A_10] : memref<2x2048xf32, #tpu.memory_space<vmem>>, vector<1x2048xf32>
    %get3A_12 = vector.shape_cast %get3A_11 : vector<1x2048xf32> to vector<2048xf32>
    %get3A_13 = arith.constant 1 : index
    %get3A_14 = arith.constant 0 : index
    %get3A_15 = vector.load %arg3[%get3A_13, %get3A_14] : memref<2x2048xf32, #tpu.memory_space<vmem>>, vector<1x2048xf32>
    %get3A_16 = vector.shape_cast %get3A_15 : vector<1x2048xf32> to vector<2048xf32>
    %add3A_17 = arith.addf %get3A_12, %get3A_16 : vector<2048xf32>
    %max3A = arith.constant 1.000000e+00 : f32
    %max3A_18 = vector.broadcast %max3A : f32 to vector<2048xf32>
    %max3A_19 = arith.maximumf %add3A_17, %max3A_18 : vector<2048xf32>
    %div3A = arith.constant 1.000000e+00 : f32
    %div3A_20 = vector.broadcast %div3A : f32 to vector<2048xf32>
    %div3A_21 = arith.divf %div3A_20, %max3A_19 : vector<2048xf32>
    %reshape3A = vector.shape_cast %div3A_21 : vector<2048xf32> to vector<2048x1xf32>
    %mul3A = vector.broadcast %reshape3A : vector<2048x1xf32> to vector<2048x128xf32>
    %mul3A_22 = arith.mulf %add3A, %mul3A : vector<2048x128xf32>
    %get3A_23 = arith.constant 0 : index
    %get3A_24 = arith.constant 0 : index
    %get3A_25 = vector.load %arg4[%get3A_23, %get3A_24] : memref<128x128xf32, #tpu.memory_space<vmem>>, vector<128x128xf32>
    %dot_general3A = arith.constant dense<0.000000e+00> : vector<2048x128xf32>
    %dot_general3A_26 = tpu.matmul %mul3A_22, %get3A_25, %dot_general3A {dimension_numbers = #tpu.dot_dimension_numbers<[1], [0], [0], [1], [0, 0, 1, 1], [], []>, transpose_lhs_hint = false} : vector<2048x128xf32>, vector<128x128xf32>, vector<2048x128xf32> -> vector<2048x128xf32>
    %get3A_27 = arith.constant 0 : index
    %get3A_28 = arith.constant 0 : index
    %get3A_29 = vector.load %arg6[%get3A_27, %get3A_28] : memref<1x128xf32, #tpu.memory_space<vmem>>, vector<1x128xf32>
    %add3A_30 = vector.broadcast %get3A_29 : vector<1x128xf32> to vector<2048x128xf32>
    %add3A_31 = arith.addf %dot_general3A_26, %add3A_30 : vector<2048x128xf32>
    %get3A_32 = arith.constant 0 : index
    %get3A_33 = arith.constant 0 : index
    %get3A_34 = vector.load %arg1[%get3A_32, %get3A_33] : memref<2048x128xf32, #tpu.memory_space<vmem>>, vector<2048x128xf32>
    %get3A_35 = arith.constant 0 : index
    %get3A_36 = arith.constant 0 : index
    %get3A_37 = vector.load %arg5[%get3A_35, %get3A_36] : memref<128x128xf32, #tpu.memory_space<vmem>>, vector<128x128xf32>
    %dot_general3A_38 = arith.constant dense<0.000000e+00> : vector<2048x128xf32>
    %dot_general3A_39 = tpu.matmul %get3A_34, %get3A_37, %dot_general3A_38 {dimension_numbers = #tpu.dot_dimension_numbers<[1], [0], [0], [1], [0, 0, 1, 1], [], []>, transpose_lhs_hint = false} : vector<2048x128xf32>, vector<128x128xf32>, vector<2048x128xf32> -> vector<2048x128xf32>
    %add3A_40 = arith.addf %add3A_31, %dot_general3A_39 : vector<2048x128xf32>
    %mul3A_41 = arith.constant 5.000000e-01 : f32
    %mul3A_42 = vector.broadcast %mul3A_41 : f32 to vector<2048x128xf32>
    %mul3A_43 = arith.mulf %mul3A_42, %add3A_40 : vector<2048x128xf32>
    %mul3A_44 = arith.constant 0.707106769 : f32
    %mul3A_45 = vector.broadcast %mul3A_44 : f32 to vector<2048x128xf32>
    %mul3A_46 = arith.mulf %add3A_40, %mul3A_45 : vector<2048x128xf32>
    %erf3A = math.erf %mul3A_46 : vector<2048x128xf32>
    %add3A_47 = arith.constant 1.000000e+00 : f32
    %add3A_48 = vector.broadcast %add3A_47 : f32 to vector<2048x128xf32>
    %add3A_49 = arith.addf %add3A_48, %erf3A : vector<2048x128xf32>
    %mul3A_50 = arith.mulf %mul3A_43, %add3A_49 : vector<2048x128xf32>
    %swap3A = arith.constant 0 : index
    %swap3A_51 = arith.constant 0 : index
    %swap3A_52 = vector.load %arg7[%swap3A, %swap3A_51] : memref<2048x128xf32, #tpu.memory_space<vmem>>, vector<2048x128xf32>
    tpu.vector_store %arg7[%swap3A, %swap3A_51], %mul3A_50 {strides = array<i32>} : memref<2048x128xf32, #tpu.memory_space<vmem>>, vector<2048x128xf32>,
    return
  }
  func.func @transform_0(%arg0: i32) -> (i32, i32) {
    %c0_i32 = arith.constant 0 : i32
    %c0_i32_0 = arith.constant 0 : i32
    return %arg0, %c0_i32 : i32, i32
  }
  func.func @transform_1(%arg0: i32) -> (i32, i32, i32) {
    %c0_i32 = arith.constant 0 : i32
    %c0_i32_0 = arith.constant 0 : i32
    %c0_i32_1 = arith.constant 0 : i32
    return %c0_i32, %arg0, %c0_i32_0 : i32, i32, i32
  }
  func.func @transform_2(%arg0: i32) -> (i32, i32) {
    %c0_i32 = arith.constant 0 : i32
    %c0_i32_0 = arith.constant 0 : i32
    return %c0_i32, %arg0 : i32, i32
  }
  func.func @transform_3(%arg0: i32) -> (i32, i32) {
    %c0_i32 = arith.constant 0 : i32
    %c0_i32_0 = arith.constant 0 : i32
    %c0_i32_1 = arith.constant 0 : i32
    return %c0_i32, %c0_i32_0 : i32, i32
  }
  func.func @transform_4(%arg0: i32) -> (i32, i32) {
    %c0_i32 = arith.constant 0 : i32
    %c0_i32_0 = arith.constant 0 : i32
    %c0_i32_1 = arith.constant 0 : i32
    return %c0_i32, %c0_i32_0 : i32, i32
  }
  func.func @transform_5(%arg0: i32) -> (i32, i32) {
    %c0_i32 = arith.constant 0 : i32
    %c0_i32_0 = arith.constant 0 : i32
    %c0_i32_1 = arith.constant 0 : i32
    return %c0_i32, %c0_i32_0 : i32, i32
  }
  func.func @transform_6(%arg0: i32) -> (i32, i32) {
    %c0_i32 = arith.constant 0 : i32
    %c0_i32_0 = arith.constant 0 : i32
    return %arg0, %c0_i32 : i32, i32
  }
}

</mosaic_0001>

<sc_bundles>
// kernel: kernel.6.cloned.1.call-start
scs
__scs_entry_jumppad:
0x0: {  	(pc) =	sbr.rel $0x88, $3  }
0x1: {  	(tag) =	ssettag $0x0;
	lr =	simm.s32 $0x1  }
0x2: {  	[smem:$0x3F99] =	sst lr;
	_ =	strace $0xD0000000  }
0x3: {  	_ = 	snop  }
0x4: {  	_ = 	snop  }
0x5: {  	_ = 	snop  }
0x6: {  	_ = 	snop  }
0x7: {  	_ = 	snop  }
__scs_overlays_trampoline_lowered:
0x8: {  	[smem:$0x3FA8] =	sst s0  }
0x9: {  	[smem:$0x3FA9] =	sst s1  }
0xa: {  	[smem:$0x3FAA] =	sst s2  }
0xb: {  	[smem:$0x3FAB] =	sst s3  }
0xc: {  	[smem:$0x3FAC] =	sst s4  }
0xd: {  	[smem:$0x3FAD] =	sst s5  }
0xe: {  	[smem:$0x3FAE] =	sst s6  }
0xf: {  	[smem:$0x3FAF] =	sst s7  }
0x10: {  	[smem:$0x3FB0] =	sst s8  }
0x11: {  	[smem:$0x3FB1] =	sst s9;
	s0 =	simm.s32 @!p0 $0x0  }
0x12: {  	s1 =	sld [smem:$0x3F97];
	s0 =	simm.s32 @p0 $0x1  }
0x13: {  	[smem:$0x3FB2] =	sst s0;
	s0 =	simm.s32 @!p1 $0x0  }
0x14: {  	s2 =	sld [smem:$0x3F96];
	s0 =	simm.s32 @p1 $0x1  }
0x15: {  	[smem:$0x3FB3] =	sst s0;
	s0 =	simm.s32 @!p2 $0x0  }
0x16: {  	s3 =	sld [smem:$0x3FDB];
	s0 =	simm.s32 @p2 $0x1  }
0x17: {  	s4 =	simm.s32 $0x1BF5;
	[smem:$0x3FB5] =	sst s0  }
0x18: {  	s0 =	sld [smem:$0x3F98];
	_ =	swait.ge [sflag:s4], $0x0  }
0x19: {  	s7 =	sld [smem:$0x3F99]  }
0x1a: {  	s8 =	sadd.s32 $0xFFFFE003, lr  }
0x1b: {  	s9 =	sadd.s32 $0xFFFFFEF7, lr;
	s5 =	simm.s32 $0xFFFFFFFF;
	p2 =	slt.u32 s8, $0xFFFFF086  }
0x1c: {  	p1 =	slt.u32 s9, $0xF7A;
	s5 =	simm.s32 @!p2 $0x0  }
0x1d: {  	s5 =	simm.s32 @p1 $0x1;
	p0 =	seq.s32 s7, s2  }
0x1e: {  	s7 =	smul.u32 @!p0 $0xF7A, s2;
	p2 =	seq.s32 @!p0 s5, $0x0  }
0x1f: {  	s9 =	smul.u32 $0xF7A, s1;
	s8 =	simm.s32 @!p0 $0x1BF5;
	p2 =	por !p2, p0  }
0x20: {  	[sflag:s8] =	ssyncset.s32 @!p0 $0xFFFFF086;
	s6 =	sadd.s32 @!p0 s3, s7;
	s7 =	simm.s32 @!p0 $0x108  }
0x21: {  	s3 =	sadd.s32 s3, s9;
	s6 =	sadd.s32 @!p0 $0x88, s6;
	s7 =	simm.s32 @p2 $0x1082  }
0x22: {  	[simem:s7], [sflag:s8] =	dma.local @!p0 [hbm:s6], $0xF7A  }
0x23: {  	s9 =	sor.u32 $0xD0000000, s2;
	s6 =	simm.s32 $0x108;
	_ =	swait.ge @!p0 [sflag:s8], $0x0  }
0x24: {  	s3 =	sadd.s32 $0x88, s3;
	s6 =	simm.s32 @!p1 $0x1082;
	[sflag:s4] =	ssyncset.s32 $0xFFFFF086  }
0x25: {  	[simem:s6], [sflag:s4] =	dma.local [hbm:s3], $0xF7A  }
0x26: {  	[smem:$0x3F99] =	sst s1;
	(tag) =	ssettag s2;
	_ =	strace s9  }
0x27: {  	s1 =	sld [smem:$0x3FA9]  }
0x28: {  	s2 =	sld [smem:$0x3FAA]  }
0x29: {  	s4 =	sld [smem:$0x3FAC]  }
0x2a: {  	p0 =	seq.s32 s5, $0x0;
	s5 =	sld [smem:$0x3FAD]  }
0x2b: {  	s6 =	sld [smem:$0x3FAE]  }
0x2c: {  	s7 =	sld [smem:$0x3FAF]  }
0x2d: {  	s3 =	simm.s32 $0x108;
	s8 =	sld [smem:$0x3FB0]  }
0x2e: {  	s3 =	simm.s32 @!p0 $0x1082;
	s9 =	sld [smem:$0x3FB1]  }
0x2f: {  	lr =	sadd.s32 s0, s3;
	s0 =	sld [smem:$0x3FA8]  }
0x30: {  	s3 =	sld [smem:$0x3FAB]  }
0x31: {  	[smem:$0x3FB4] =	sst s10  }
0x32: {  	s10 =	sld [smem:$0x3FB2];
	_ =	sdelay $0x3  }
0x33: {  	p0 =	seq.s32 s10, $0x1;
	s10 =	sld [smem:$0x3FB4];
	_ =	sdelay $0x3  }
0x34: {  	[smem:$0x3FB4] =	sst s10  }
0x35: {  	s10 =	sld [smem:$0x3FB3];
	_ =	sdelay $0x3  }
0x36: {  	p1 =	seq.s32 s10, $0x1;
	s10 =	sld [smem:$0x3FB4];
	_ =	sdelay $0x3  }
0x37: {  	[smem:$0x3FB4] =	sst s10  }
0x38: {  	s10 =	sld [smem:$0x3FB5]  }
0x39: {  	_ = 	snop;
	(pc) =	sbr.ind lr, $3  }
0x3a: {  	_ = 	snop  }
0x3b: {  	_ = 	snop  }
0x3c: {  	p2 =	seq.s32 s10, $0x1;
	s10 =	sld [smem:$0x3FB4]  }
0x3d: {  	_ =	shalt  }
0x3e: {  	_ =	shalt  }
0x3f: {  	_ =	shalt  }
0x40: {  	_ =	shalt  }
0x41: {  	_ =	shalt  }
0x42: {  	_ =	shalt  }
0x43: {  	_ =	shalt  }
0x44: {  	_ =	shalt  }
0x45: {  	_ =	shalt  }
0x46: {  	_ =	shalt  }
0x47: {  	_ =	shalt  }
0x48: {  	_ =	shalt  }
0x49: {  	_ =	shalt  }
0x4a: {  	_ =	shalt  }
0x4b: {  	_ =	shalt  }
0x4c: {  	_ =	shalt  }
0x4d: {  	_ =	shalt  }
0x4e: {  	_ =	shalt  }
0x4f: {  	_ =	shalt  }
0x50: {  	_ =	shalt  }
0x51: {  	_ =	shalt  }
0x52: {  	_ =	shalt  }
0x53: {  	_ =	shalt  }
0x54: {  	_ =	shalt  }
0x55: {  	_ =	shalt  }
0x56: {  	_ =	shalt  }
0x57: {  	_ =	shalt  }
0x58: {  	_ =	shalt  }
0x59: {  	_ =	shalt  }
0x5a: {  	_ =	shalt  }
0x5b: {  	_ =	shalt  }
0x5c: {  	_ =	shalt  }
0x5d: {  	_ =	shalt  }
0x5e: {  	_ =	shalt  }
0x5f: {  	_ =	shalt  }
0x60: {  	_ =	shalt  }
0x61: {  	_ =	shalt  }
0x62: {  	_ =	shalt  }
0x63: {  	_ =	shalt  }
0x64: {  	_ =	shalt  }
0x65: {  	_ =	shalt  }
0x66: {  	_ =	shalt  }
0x67: {  	_ =	shalt  }
0x68: {  	_ =	shalt  }
0x69: {  	_ =	shalt  }
0x6a: {  	_ =	shalt  }
0x6b: {  	_ =	shalt  }
0x6c: {  	_ =	shalt  }
0x6d: {  	_ =	shalt  }
0x6e: {  	_ =	shalt  }
0x6f: {  	_ =	shalt  }
0x70: {  	_ =	shalt  }
0x71: {  	_ =	shalt  }
0x72: {  	_ =	shalt  }
0x73: {  	_ =	shalt  }
0x74: {  	_ =	shalt  }
0x75: {  	_ =	shalt  }
0x76: {  	_ =	shalt  }
0x77: {  	_ =	shalt  }
0x78: {  	_ =	shalt  }
0x79: {  	_ =	shalt  }
0x7a: {  	_ =	shalt  }
0x7b: {  	_ =	shalt  }
0x7c: {  	_ =	shalt  }
0x7d: {  	_ =	shalt  }
0x7e: {  	_ =	shalt  }
0x7f: {  	_ =	shalt  }
0x80: {  	_ =	shalt  }
0x81: {  	_ =	shalt  }
0x82: {  	_ =	shalt  }
0x83: {  	_ =	shalt  }
0x84: {  	_ =	shalt  }
0x85: {  	_ =	shalt  }
0x86: {  	_ =	shalt  }
0x87: {  	_ =	shalt  }
.Lfunc_end0:
.L_simem_size_0:
called_computation_lowered:
.L_overlay_start_0:
0x88: {  	s2 =	sld [smem:$0x3FD9]  }
0x89: {  	s3 =	sld [smem:$0x3FFE];
	_ =	sdelay $0x1  }
0x8a: {  	s1 =	srdreg.scid  }
0x8b: {  	s0 =	sand.u32 $0x1, s1  }
0x8c: {  	s17 =	sshll.u32 s0, $0xA;
	s2 =	sadd.s32 s3, s2  }
0x8d: {  	s2 =	sadd.s32 s2, s17  }
0x8e: {  	[smem:$0x3FC0] =	sst s2  }
0x8f: {  	_ = 	snop  }
0x90: {  	s2 =	sld [smem:$0x3FC9];
	(tm) =	ssettm $0x1  }
0x91: {  	s18 =	sld [smem:$0x3FFB];
	_ =	sdelay $0x3  }
0x92: {  	_ =	strace s18  }
0x93: {  	s3 =	sld [smem:$0x3FFC];
	_ =	sdelay $0x3  }
0x94: {  	_ =	strace s3  }
0x95: {  	s3 =	sld [smem:$0x3FFD];
	_ =	sdelay $0x3  }
0x96: {  	_ =	strace s3  }
0x97: {  	_ =	strace $0x8FFFFFFF  }
0x98: {  	s19 =	sld [smem:$0x3FDB];
	_ =	sdelay $0x1  }
0x99: {  	s4 =	simm.s32 $_scs_section_size  }
0x9a: {  	s5 =	simm.s32 $_size__tile_overlayer_lowered;
	s6 =	simm.s32 $_tile_overlayer_lowered  }
0x9b: {  	s22 =	simm.s32 $0x1BFF;
	s21 =	sshll.u32 s6, $0x1;
	s3 =	sadd.s32 s4, s19  }
0x9c: {  	s7 =	simm.s32 $0x0;
	s20 =	sshll.u32 s5, $0x1;
	s5 =	sadd.s32 s21, s3  }
0x9d: {  	[timem:s7], [sflag:s22] =	dma.local [hbm:s5], s20  }
0x9e: {  	_ =	swait.ge [sflag:s22], s20  }
0x9f: {  	s4 =	ssub.s32 $0x0, s20;
	[sflag:s22] =	ssyncset.done $0x0  }
0xa0: {  	[sflag:s22] =	ssyncadd.s32 s4;
	_ =	sdelay $0x1  }
0xa1: {  	s23 =	simm.s32 $0x1B8B  }
0xa2: {  	_ =	swait.ge [sflag:s23], $0x1  }
0xa3: {  	[sflag:s23] =	ssyncset.done $0x0  }
0xa4: {  	s25 =	simm.s32 $0x1B8E;
	s24 =	sld [smem:$0x3FFE];
	[sflag:s23] =	ssyncadd.s32 $0xFFFFFFFF  }
0xa5: {  	s26 =	simm.s32 $execute0_lowered;
	[smem:$0x3FD2] =	sst s25  }
0xa6: {  	s5 =	sshll.u32 s26, $0x1;
	_ =	strace $0x80000046;
	[dreg:$0x1] =	wrdreg $0xFFFFFFFF  }
0xa7: {  	s28 =	simm.s32 $_size_execute0_lowered;
	s3 =	sadd.s32 s3, s5;
	[dreg:$0x0] =	wrdreg $0x0  }
0xa8: {  	s5 =	sshll.u32 s28, $0x1;
	[dreg:$0x2] =	wrdreg s3  }
0xa9: {  	[dreg:$0x3] =	wrdreg s5  }
0xaa: {  	[dreg:$0x4] =	wrdreg $0xC0  }
0xab: {  	_ =	task [dreg:s7], $0x5FFFF  }
0xac: {  	[dreg:$0x1] =	wrdreg $0xFFFFFFFF  }
0xad: {  	[dreg:$0x0] =	wrdreg $0x60  }
0xae: {  	[dreg:$0x2] =	wrdreg s2  }
0xaf: {  	[dreg:$0x3] =	wrdreg s24  }
0xb0: {  	[dreg:$0x4] =	wrdreg $0xAC000  }
0xb1: {  	[dreg:$0x5] =	wrdreg $0x1EC000  }
0xb2: {  	[dreg:$0x6] =	wrdreg $0x9  }
0xb3: {  	_ =	task.clear_ibuf [dreg:s7], $0x7FFFF;
	_ =	strace $0x90000046  }
0xb4: {  	s29 =	simm.s32 $0x9;
	_ =	strace $0x80000048  }
0xb5: {  	_ =	swait.ge [sflag:s29], $0x1  }
0xb6: {  	[sflag:s29] =	ssyncadd.s32 $0xFFFFFFFF  }
0xb7: {  	_ =	strace $0x90000048  }
0xb8: {  	_ =	sfence  }
0xb9: {  	s30 =	sld [smem:$0x0];
	_ =	sdelay $0x2  }
0xba: {  	s31 =	sshll.u32 s1, $0xD;
	s1 =	sshrl.u32 s1, $0x2  }
0xbb: {  	s3 =	sand.u32 $0x4000, s31;
	s1 =	sadd.s32 s1, s30  }
0xbc: {  	s0 =	sor.u32 s3, s0;
	s1 =	sshll.u32 s1, $0x11  }
0xbd: {  	s0 =	sor.u32 s1, s0  }
0xbe: {  	s0 =	sadd.s32 $0x8F2B, s0  }
0xbf: {  	[sflag:s0] =	ssyncadd.remote.s32 $0x1  }
0xc0: {  	_ =	sfence.sel $0xFFFF  }
0xc1: {  	[dreg:$0x0] =	wrdreg $0xFFFFFFFF;
	(pc) =	sbr.abs _section_cstart, $3  }
0xc2: {  	[dreg:$0x1] =	wrdreg $0xFFFFFFFF  }
0xc3: {  	_ =	task.clear_ibuf [dreg:s7], $0x2FFFF;
	_ =	strace $0x9FFFFFFF  }
0xc4: {  	(tm) =	ssettm $0x7FFFFFFF  }
0xc5: {  	_ =	shalt  }
tec
execute0_lowered:
.L_overlay_start_1:
0x0: {  	(tag) =	ssettag $0x1  }
0x1: {  	s0 =	rddreg [dreg:$0x0]  }
0x2: {  	s2 =	rddreg [dreg:$0x1]  }
0x3: {  	s1 =	srdreg.scid;
	s3 =	rddreg [dreg:$0x2]  }
0x4: {  	s22 =	stileid.u32;
	s4 =	rddreg [dreg:$0x3];
	s28 =	simm.s32 $0x2900  }
0x5: {  	s30 =	simm.s32 $0x4;
	s31 =	simm.s32 $0x1;
	s8 =	smul.u32 $0x500, s22  }
0x6: {  	s29 =	simm.s32 $0x6900;
	s1 =	sand.u32 $0x1, s1;
	s10 =	smul.u32 $0x50000, s22  }
0x7: {  	s15 =	sadd.s32 $0xCE00, s2;
	s16 =	sadd.s32 $0x16C00, s2;
	s14 =	smul.u32 $0x14000, s22  }
0x8: {  	s17 =	smul.u32 $0xA00, s22;
	s5 =	sshll.u32 s1, $0x4;
	s9 =	sshll.u32 s1, $0x7  }
0x9: {  	s18 =	ssub.s32 $0x2, s1;
	s6 =	sor.u32 s22, s5;
	s5 =	simm.s32 $0x0  }
0xa: {  	s8 =	sor.u32 s9, s8;
	s19 =	sshrl.u32 s18, $0x1;
	s20 =	sshrl.u32 s10, $0x2  }
0xb: {  	s24 =	sadd.s32 $0x4000, s14;
	s25 =	sadd.s32 $0x8000, s14;
	s7 =	smul.u32 $0x500, s6  }
0xc: {  	s17 =	sshrl.u32 s17, $0x2;
	[smem:$0x7FF] =	sst s5;
	s6 =	smul.u32 $0x2780, s6  }
0xd: {  	s8 =	sshrl.u32 s8, $0x3;
	s9 =	sadd.s32 s20, s3;
	s20 =	smul.u32 $0x140000, s1  }
0xe: {  	s10 =	sadd.s32 s24, s3;
	s11 =	sadd.s32 s25, s3;
	s1 =	smul.u32 $0x27800, s1  }
0xf: {  	_ =	strace $0x80000047;
	s7 =	sadd.s32 s7, s2;
	s2 =	sadd.s32 s8, s2  }
0x10: {  	s8 =	ssub.s32 s18, s19;
	s6 =	sshrl.u32 s6, $0x3;
	s18 =	sadd.s32 $0xC000, s14  }
0x11: {  	s19 =	sadd.s32 $0x10000, s14;
	s7 =	sadd.s32 $0x2E00, s7;
	s23 =	sadd.s32 s15, s6  }
0x12: {  	s12 =	sadd.s32 s18, s3;
	s13 =	sadd.s32 s19, s3;
	s6 =	sadd.s32 s20, s24  }
0x13: {  	s18 =	sadd.s32 s20, s18;
	s19 =	sadd.s32 s20, s19;
	[dreg:$0x5] =	wrdreg s7  }
0x14: {  	s2 =	sadd.s32 $0x66C00, s2;
	s21 =	sadd.s32 $0x10, s23;
	[dreg:$0x6] =	wrdreg s23  }
0x15: {  	s6 =	sshrl.u32 s6, $0x3;
	s7 =	sshrl.u32 s18, $0x3;
	[dreg:$0xe] =	wrdreg s2  }
0x16: {  	s24 =	sadd.s32 $0x20, s23;
	s18 =	simm.s32 $0x8;
	[dreg:$0x7] =	wrdreg s21  }
0x17: {  	s21 =	sadd.s32 s14, s20;
	s6 =	sadd.s32 s16, s6;
	[dreg:$0xd] =	wrdreg s24  }
0x18: {  	s26 =	sshrl.u32 s21, $0x3;
	[dreg:$0x9] =	wrdreg s6;
	s21 =	sadd.s32 s16, s7  }
0x19: {  	s14 =	sadd.s32 s17, s4;
	s17 =	sadd.s32 s16, s26;
	[dreg:$0xb] =	wrdreg s21  }
0x1a: {  	s26 =	smax.u32 s8, $0x1;
	s8 =	simm.s32 $0x5;
	[dreg:$0x8] =	wrdreg s17  }
0x1b: {  	s17 =	sadd.s32 s20, s25;
	s20 =	smul.u32 $0x2780, s22;
	s22 =	sshrl.u32 s19, $0x3  }
0x1c: {  	[dreg:$0xf] =	wrdreg s26;
	s26 =	simm.s32 $0x80;
	s6 =	sshrl.u32 s17, $0x3  }
0x1d: {  	s19 =	simm.s32 $0x0;
	s6 =	sadd.s32 s16, s6;
	s1 =	sadd.s32 s20, s1  }
0x1e: {  	[dreg:$0xa] =	wrdreg s6;
	s6 =	sadd.s32 s16, s22;
	s25 =	sadd.s32 $0x200, s1  }
0x1f: {  	s1 =	sadd.s32 $0x180, s1;
	s16 =	simm.s32 $0x7;
	[dreg:$0xc] =	wrdreg s6  }
0x20: {  	s2 =	sshrl.u32 s25, $0x3;
	s1 =	sshrl.u32 s1, $0x3;
	s25 =	simm.s32 $0x100  }
0x21: {  	s6 =	simm.s32 $0xA900;
	s23 =	sadd.s32 s2, s15;
	s24 =	sadd.s32 s1, s15  }
0x22: {  	v0 =	vimm.f32 $0.0e+00;
	v1 =	vimm.f32 $1.000000000e+00;
	s2 =	simm.s32 $0x2;
	s1 =	simm.s32 $0x3;
	s15 =	simm.s32 $0x6  }
.LBB2_1:
0x23: {  	s7 =	rddreg [dreg:$0x5]  }
0x24: {  	[tilespmem:s25], [sflag:$0x1] =	stream.linear.gather [hbm4b:s7+s5], $0x2780, $0x38;
	[tilespmem:$0x1EE80] =	vst v63  }
0x25: {  	s21 =	rddreg [dreg:$0x6]  }
0x26: {  	[tilespmem:s5], [sflag:$0x2] =	stream.linear.gather [hbm4b:s21+s5], $0x80, $0x38;
	[tilespmem:$0x1EE80] =	vst v63  }
0x27: {  	s22 =	rddreg [dreg:$0x7];
	s20 =	simm.s32 $0x0;
	s21 =	simm.s32 $0x200  }
0x28: {  	[tilespmem:s26], [sflag:$0x3] =	stream.linear.gather [hbm4b:s22+s5], $0x80, $0x38;
	[tilespmem:$0x1EE80] =	vst v63  }
.LBB2_2:
0x29: {  	p0 =	sne.s32 s21, $0xFE00;
	[tilespmem:s20+$0x2970] =	vst v0  }
0x2a: {  	[tilespmem:s20+$0x2900] =	vst v0  }
0x2b: {  	[tilespmem:s20+$0x2910] =	vst v0  }
.Ltmp0:
0x2c: {  	[tilespmem:s20+$0x2920] =	vst v0;
	(pc) =	sbr.rel @p0 .LBB2_2-.Ltmp0, $4  }
0x2d: {  	[tilespmem:s20+$0x2930] =	vst v0  }
0x2e: {  	[tilespmem:s20+$0x2940] =	vst v0  }
0x2f: {  	[tilespmem:s20+$0x2950] =	vst v0  }
0x30: {  	[tilespmem:s20+$0x2960] =	vst v0;
	s20 =	sshra.s32 s21, $0x2;
	s21 =	sadd.s32 $0x200, s21  }
0x31: {  	[tilespmem:s20+$0x2970] =	vst v0  }
0x32: {  	[tilespmem:s20+$0x2900] =	vst v0  }
0x33: {  	[tilespmem:s20+$0x2910] =	vst v0  }
0x34: {  	[tilespmem:s20+$0x2920] =	vst v0  }
0x35: {  	[tilespmem:s20+$0x2930] =	vst v0  }
0x36: {  	[tilespmem:s20+$0x2940] =	vst v0  }
0x37: {  	[tilespmem:s20+$0x2950] =	vst v0  }
0x38: {  	[tilespmem:s20+$0x2960] =	vst v0  }
0x39: {  	[tilespmem:$0xA900] =	vst v1  }
0x3a: {  	[tilespmem:$0xA910] =	vst v1  }
0x3b: {  	[tilespmem:$0xA920] =	vst v1  }
0x3c: {  	[tilespmem:$0xA930] =	vst v1  }
0x3d: {  	[tilespmem:$0xA940] =	vst v1  }
0x3e: {  	[tilespmem:$0xA950] =	vst v1  }
0x3f: {  	[tilespmem:$0xA960] =	vst v1  }
0x40: {  	[tilespmem:$0xA970] =	vst v1  }
0x41: {  	[tilespmem:$0xA980] =	vst v0  }
0x42: {  	[tilespmem:$0xA990] =	vst v0  }
0x43: {  	[tilespmem:$0xA9A0] =	vst v0  }
0x44: {  	[tilespmem:$0xA9B0] =	vst v0  }
0x45: {  	[tilespmem:$0xA9C0] =	vst v0  }
0x46: {  	[tilespmem:$0xA9D0] =	vst v0  }
0x47: {  	[tilespmem:$0xA9E0] =	vst v0  }
0x48: {  	[tilespmem:$0xA9F0] =	vst v0  }
0x49: {  	[tilespmem:$0xAA00] =	vst v0  }
0x4a: {  	[tilespmem:$0xAA10] =	vst v0  }
0x4b: {  	[tilespmem:$0xAA20] =	vst v0  }
0x4c: {  	[tilespmem:$0xAA30] =	vst v0  }
0x4d: {  	[tilespmem:$0xAA40] =	vst v0  }
0x4e: {  	[tilespmem:$0xAA50] =	vst v0  }
0x4f: {  	[tilespmem:$0xAA60] =	vst v0  }
0x50: {  	[tilespmem:$0xAA70] =	vst v0  }
0x51: {  	[tilespmem:$0xAA80] =	vst v0  }
0x52: {  	[tilespmem:$0xAA90] =	vst v0  }
0x53: {  	[tilespmem:$0xAAA0] =	vst v0  }
0x54: {  	[tilespmem:$0xAAB0] =	vst v0  }
0x55: {  	[tilespmem:$0xAAC0] =	vst v0  }
0x56: {  	[tilespmem:$0xAAD0] =	vst v0  }
0x57: {  	[tilespmem:$0xAAE0] =	vst v0  }
0x58: {  	[tilespmem:$0xAAF0] =	vst v0  }
0x59: {  	[tilespmem:$0xAB00] =	vst v0  }
0x5a: {  	[tilespmem:$0xAB10] =	vst v0  }
0x5b: {  	[tilespmem:$0xAB20] =	vst v0  }
0x5c: {  	[tilespmem:$0xAB30] =	vst v0  }
0x5d: {  	[tilespmem:$0xAB40] =	vst v0  }
0x5e: {  	[tilespmem:$0xAB50] =	vst v0  }
0x5f: {  	[tilespmem:$0xAB60] =	vst v0  }
0x60: {  	[tilespmem:$0xAB70] =	vst v0  }
0x61: {  	[tilespmem:$0xAB80] =	vst v0  }
0x62: {  	[tilespmem:$0xAB90] =	vst v0  }
0x63: {  	[tilespmem:$0xABA0] =	vst v0  }
0x64: {  	[tilespmem:$0xABB0] =	vst v0  }
0x65: {  	[tilespmem:$0xABC0] =	vst v0  }
0x66: {  	[tilespmem:$0xABD0] =	vst v0  }
0x67: {  	[tilespmem:$0xABE0] =	vst v0  }
0x68: {  	[tilespmem:$0xABF0] =	vst v0  }
0x69: {  	[spmem:s9] =	stream.linear.scatter [tilespmem:s28], [sflag:$0x4], $0x4000, $0x38;
	[tilespmem:$0x1EE80] =	vst v63  }
0x6a: {  	_ = 	snop  }
0x6b: {  	[spmem:s10] =	stream.linear.scatter [tilespmem:s28], [sflag:$0x4], $0x4000, $0x38;
	[tilespmem:$0x1EE80] =	vst v63  }
0x6c: {  	_ = 	snop  }
0x6d: {  	[spmem:s11] =	stream.linear.scatter [tilespmem:s28], [sflag:$0x4], $0x4000, $0x38;
	[tilespmem:$0x1EE80] =	vst v63  }
0x6e: {  	_ = 	snop  }
0x6f: {  	[spmem:s12] =	stream.linear.scatter [tilespmem:s28], [sflag:$0x4], $0x4000, $0x38;
	[tilespmem:$0x1EE80] =	vst v63  }
0x70: {  	_ = 	snop  }
0x71: {  	[spmem:s13] =	stream.linear.scatter [tilespmem:s28], [sflag:$0x4], $0x4000, $0x38;
	[tilespmem:$0x1EE80] =	vst v63  }
0x72: {  	s7 =	simm.s32 $0xA980  }
0x73: {  	[spmem:s14] =	stream.linear.scatter [tilespmem:s7], [sflag:$0x4], $0x280, $0x38;
	[tilespmem:$0x1EE80] =	vst v63  }
0x74: {  	_ =	swait.ge [sflag:s30], $0x4000  }
0x75: {  	[sflag:s30] =	ssyncset.done $0x0  }
0x76: {  	[sflag:s30] =	ssyncadd.s32 $0xFFFFC000  }
0x77: {  	_ =	swait.ge [sflag:s30], $0x4000  }
0x78: {  	[sflag:s30] =	ssyncset.done $0x0  }
0x79: {  	[sflag:s30] =	ssyncadd.s32 $0xFFFFC000  }
0x7a: {  	_ =	swait.ge [sflag:s30], $0x4000  }
0x7b: {  	[sflag:s30] =	ssyncset.done $0x0  }
0x7c: {  	[sflag:s30] =	ssyncadd.s32 $0xFFFFC000  }
0x7d: {  	_ =	swait.ge [sflag:s30], $0x4000  }
0x7e: {  	[sflag:s30] =	ssyncset.done $0x0  }
0x7f: {  	[sflag:s30] =	ssyncadd.s32 $0xFFFFC000  }
0x80: {  	_ =	swait.ge [sflag:s30], $0x4000  }
0x81: {  	[sflag:s30] =	ssyncset.done $0x0  }
0x82: {  	[sflag:s30] =	ssyncadd.s32 $0xFFFFC000  }
0x83: {  	_ =	swait.ge [sflag:s30], $0x280  }
0x84: {  	[sflag:s30] =	ssyncset.done $0x0  }
0x85: {  	[sflag:s30] =	ssyncadd.s32 $0xFFFFFD80  }
0x86: {  	[bflag:$0x0] =	sbarrier.arrive $0xFFFF  }
0x87: {  	_ =	swait.ge [sflag:s31], $0x2780  }
0x88: {  	[sflag:s31] =	ssyncset.done $0x0  }
0x89: {  	[sflag:s31] =	ssyncadd.s32 $0xFFFFD880  }
0x8a: {  	_ =	swait.ge [sflag:s2], $0x80  }
0x8b: {  	[sflag:s2] =	ssyncset.done $0x0  }
0x8c: {  	s21 =	simm.s32 $0x0;
	[sflag:s2] =	ssyncadd.s32 $0xFFFFFF80  }
0x8d: {  	[tilespmem:s28], [sflag:$0x4] =	stream.indirect.gather [hbm4b:s0+s26], $0x80, s21, s26, $0xb8;
	[tilespmem:$0x1EE80] =	vst v63  }
0x8e: {  	_ =	swait.ge [sflag:s1], $0x80  }
0x8f: {  	[sflag:s1] =	ssyncset.done $0x0  }
0x90: {  	[sflag:s1] =	ssyncadd.s32 $0xFFFFFF80  }
0x91: {  	_ =	swait.ge [sflag:s30], $0x4000  }
0x92: {  	[sflag:s30] =	ssyncset.done $0x0  }
0x93: {  	s22 =	rddreg [dreg:$0xd];
	[sflag:s30] =	ssyncadd.s32 $0xFFFFC000  }
0x94: {  	[tilespmem:s21], [sflag:$0x2] =	stream.linear.gather [hbm4b:s22+s21], $0x80, $0x38;
	[tilespmem:$0x1EE80] =	vst v63  }
0x95: {  	_ = 	snop  }
0x96: {  	[tilespmem:s29], [sflag:$0x5] =	stream.indirect.gather [hbm4b:s0+s26], $0x80, s26, s26, $0xb8;
	[tilespmem:$0x1EE80] =	vst v63  }
0x97: {  	_ = 	snop  }
0x98: {  	[spmem:s3] =	stream.indirect.scatter.add.f32 [tilespmem:s28], [sflag:$0x6], $0x80, s25, s26, $0xb8;
	[tilespmem:$0x1EE80] =	vst v63  }
0x99: {  	_ = 	snop  }
0x9a: {  	[spmem:s4] =	stream.indirect.scatter.add.f32 [tilespmem:s6], [sflag:$0x8], $0x1, s25, s26, $0xb8;
	[tilespmem:$0x1EE80] =	vst v63  }
0x9b: {  	_ =	swait.ge [sflag:s8], $0x4000  }
0x9c: {  	[sflag:s8] =	ssyncset.done $0x0  }
0x9d: {  	s17 =	sadd.s32 $0x0, s24;
	[sflag:s8] =	ssyncadd.s32 $0xFFFFC000  }
0x9e: {  	[tilespmem:s26], [sflag:$0x3] =	stream.linear.gather [hbm4b:s17+s5], $0x80, $0x38;
	[tilespmem:$0x1EE80] =	vst v63  }
0x9f: {  	_ =	swait.ge [sflag:s15], $0x4000  }
0xa0: {  	[sflag:s15] =	ssyncset.done $0x0  }
0xa1: {  	[sflag:s15] =	ssyncadd.s32 $0xFFFFC000  }
0xa2: {  	_ =	swait.ge [sflag:s2], $0x80  }
0xa3: {  	[sflag:s2] =	ssyncset.done $0x0  }
0xa4: {  	[sflag:s2] =	ssyncadd.s32 $0xFFFFFF80  }
0xa5: {  	[tilespmem:s28], [sflag:$0x4] =	stream.indirect.gather [hbm4b:s0+s26], $0x80, s5, s26, $0xb8;
	[tilespmem:$0x1EE80] =	vst v63  }
0xa6: {  	s21 =	simm.s32 $0x180  }
0xa7: {  	[spmem:s3] =	stream.indirect.scatter.add.f32 [tilespmem:s29], [sflag:$0x7], $0x80, s21, s26, $0xb8;
	[tilespmem:$0x1EE80] =	vst v63  }
0xa8: {  	_ = 	snop  }
0xa9: {  	[spmem:s4] =	stream.indirect.scatter.add.f32 [tilespmem:s6], [sflag:$0x8], $0x1, s21, s26, $0xb8;
	[tilespmem:$0x1EE80] =	vst v63  }
0xaa: {  	_ =	swait.ge [sflag:s30], $0x4000  }
0xab: {  	[sflag:s30] =	ssyncset.done $0x0  }
0xac: {  	s22 =	sadd.s32 $0x0, s23;
	[sflag:s30] =	ssyncadd.s32 $0xFFFFC000  }
0xad: {  	[tilespmem:s5], [sflag:$0x2] =	stream.linear.gather [hbm4b:s22+s5], $0x80, $0x38;
	[tilespmem:$0x1EE80] =	vst v63  }
0xae: {  	_ =	swait.ge [sflag:s16], $0x4000  }
0xaf: {  	[sflag:s16] =	ssyncset.done $0x0  }
0xb0: {  	[sflag:s16] =	ssyncadd.s32 $0xFFFFC000  }
0xb1: {  	_ =	swait.ge [sflag:s1], $0x80  }
0xb2: {  	[sflag:s1] =	ssyncset.done $0x0  }
0xb3: {  	[sflag:s1] =	ssyncadd.s32 $0xFFFFFF80  }
0xb4: {  	[tilespmem:s29], [sflag:$0x5] =	stream.indirect.gather [hbm4b:s0+s26], $0x80, s26, s26, $0xb8;
	[tilespmem:$0x1EE80] =	vst v63  }
0xb5: {  	s20 =	simm.s32 $0x200;
	s21 =	simm.s32 $0x20;
	s22 =	simm.s32 $0x300  }
0xb6: {  	[spmem:s3] =	stream.indirect.scatter.add.f32 [tilespmem:s28], [sflag:$0x6], $0x80, s20, s26, $0xb8;
	[tilespmem:$0x1EE80] =	vst v63  }
.LBB2_4:
0xb7: {  	[spmem:s4] =	stream.indirect.scatter.add.f32 [tilespmem:s6], [sflag:$0x8], $0x1, s20, s26, $0xb8;
	[tilespmem:$0x1EE80] =	vst v63  }
0xb8: {  	s7 =	smov.u32 s21;
	s20 =	smov.u32 s22  }
0xb9: {  	p0 =	sne.s32 s21, $0x4A0;
	s21 =	sadd.s32 $0x20, s21;
	_ =	swait.ge [sflag:s8], $0x4000  }
0xba: {  	[sflag:s8] =	ssyncset.done $0x0  }
0xbb: {  	s17 =	sadd.s32 s7, s24;
	[sflag:s8] =	ssyncadd.s32 $0xFFFFC000  }
0xbc: {  	[tilespmem:s26], [sflag:$0x3] =	stream.linear.gather [hbm4b:s17+s5], $0x80, $0x38;
	[tilespmem:$0x1EE80] =	vst v63  }
0xbd: {  	_ =	swait.ge [sflag:s15], $0x4000  }
0xbe: {  	[sflag:s15] =	ssyncset.done $0x0  }
0xbf: {  	[sflag:s15] =	ssyncadd.s32 $0xFFFFC000  }
0xc0: {  	_ =	swait.ge [sflag:s2], $0x80  }
0xc1: {  	[sflag:s2] =	ssyncset.done $0x0  }
0xc2: {  	[sflag:s2] =	ssyncadd.s32 $0xFFFFFF80  }
0xc3: {  	[tilespmem:s28], [sflag:$0x4] =	stream.indirect.gather [hbm4b:s0+s26], $0x80, s5, s26, $0xb8;
	[tilespmem:$0x1EE80] =	vst v63  }
0xc4: {  	s17 =	sadd.s32 $0xFFFFFF80, s22  }
0xc5: {  	[spmem:s3] =	stream.indirect.scatter.add.f32 [tilespmem:s29], [sflag:$0x7], $0x80, s17, s26, $0xb8;
	[tilespmem:$0x1EE80] =	vst v63  }
0xc6: {  	_ = 	snop  }
0xc7: {  	[spmem:s4] =	stream.indirect.scatter.add.f32 [tilespmem:s6], [sflag:$0x8], $0x1, s17, s26, $0xb8;
	[tilespmem:$0x1EE80] =	vst v63  }
0xc8: {  	_ =	swait.ge [sflag:s30], $0x4000  }
0xc9: {  	[sflag:s30] =	ssyncset.done $0x0  }
0xca: {  	s7 =	sadd.s32 s7, s23;
	[sflag:s30] =	ssyncadd.s32 $0xFFFFC000  }
0xcb: {  	[tilespmem:s5], [sflag:$0x2] =	stream.linear.gather [hbm4b:s7+s5], $0x80, $0x38;
	[tilespmem:$0x1EE80] =	vst v63  }
0xcc: {  	_ =	swait.ge [sflag:s16], $0x4000  }
0xcd: {  	[sflag:s16] =	ssyncset.done $0x0  }
0xce: {  	[sflag:s16] =	ssyncadd.s32 $0xFFFFC000  }
0xcf: {  	_ =	swait.ge [sflag:s1], $0x80  }
0xd0: {  	[sflag:s1] =	ssyncset.done $0x0  }
.Ltmp1:
0xd1: {  	[sflag:s1] =	ssyncadd.s32 $0xFFFFFF80;
	(pc) =	sbr.rel @p0 .LBB2_4-.Ltmp1, $4  }
0xd2: {  	[tilespmem:s29], [sflag:$0x5] =	stream.indirect.gather [hbm4b:s0+s26], $0x80, s26, s26, $0xb8;
	[tilespmem:$0x1EE80] =	vst v63  }
0xd3: {  	_ = 	snop  }
0xd4: {  	[spmem:s3] =	stream.indirect.scatter.add.f32 [tilespmem:s28], [sflag:$0x6], $0x80, s22, s26, $0xb8;
	[tilespmem:$0x1EE80] =	vst v63  }
0xd5: {  	s22 =	sadd.s32 $0x100, s22  }
0xd6: {  	[spmem:s4] =	stream.indirect.scatter.add.f32 [tilespmem:s6], [sflag:$0x8], $0x1, s20, s26, $0xb8;
	[tilespmem:$0x1EE80] =	vst v63  }
0xd7: {  	_ =	swait.ge [sflag:s8], $0x4000  }
0xd8: {  	[sflag:s8] =	ssyncset.done $0x0  }
0xd9: {  	[sflag:s8] =	ssyncadd.s32 $0xFFFFC000  }
0xda: {  	_ =	swait.ge [sflag:s15], $0x4000  }
0xdb: {  	[sflag:s15] =	ssyncset.done $0x0  }
0xdc: {  	[sflag:s15] =	ssyncadd.s32 $0xFFFFC000  }
0xdd: {  	_ =	swait.ge [sflag:s2], $0x80  }
0xde: {  	[sflag:s2] =	ssyncset.done $0x0  }
0xdf: {  	[sflag:s2] =	ssyncadd.s32 $0xFFFFFF80  }
0xe0: {  	[tilespmem:s28], [sflag:$0x4] =	stream.indirect.gather [hbm4b:s0+s26], $0x80, s5, s26, $0xb8;
	[tilespmem:$0x1EE80] =	vst v63  }
0xe1: {  	s7 =	simm.s32 $0x2780  }
0xe2: {  	[spmem:s3] =	stream.indirect.scatter.add.f32 [tilespmem:s29], [sflag:$0x7], $0x80, s7, s26, $0xb8;
	[tilespmem:$0x1EE80] =	vst v63  }
0xe3: {  	_ = 	snop  }
0xe4: {  	[spmem:s4] =	stream.indirect.scatter.add.f32 [tilespmem:s6], [sflag:$0x8], $0x1, s7, s26, $0xb8;
	[tilespmem:$0x1EE80] =	vst v63  }
0xe5: {  	_ =	swait.ge [sflag:s30], $0x4000  }
0xe6: {  	[sflag:s30] =	ssyncset.done $0x0  }
0xe7: {  	[sflag:s30] =	ssyncadd.s32 $0xFFFFC000  }
0xe8: {  	_ =	swait.ge [sflag:s16], $0x4000  }
0xe9: {  	[sflag:s16] =	ssyncset.done $0x0  }
0xea: {  	s22 =	simm.s32 $0x2800;
	[sflag:s16] =	ssyncadd.s32 $0xFFFFC000  }
0xeb: {  	[spmem:s3] =	stream.indirect.scatter.add.f32 [tilespmem:s28], [sflag:$0x6], $0x80, s22, s26, $0xb8;
	[tilespmem:$0x1EE80] =	vst v63  }
0xec: {  	_ = 	snop  }
0xed: {  	[spmem:s4] =	stream.indirect.scatter.add.f32 [tilespmem:s6], [sflag:$0x8], $0x1, s22, s26, $0xb8;
	[tilespmem:$0x1EE80] =	vst v63  }
0xee: {  	_ =	swait.ge [sflag:s15], $0x4000  }
0xef: {  	[sflag:s15] =	ssyncset.done $0x0  }
0xf0: {  	[sflag:s15] =	ssyncadd.s32 $0xFFFFC000  }
0xf1: {  	_ =	swait.ge [sflag:s18], $0x80  }
0xf2: {  	s20 =	simm.s32 $0x4E;
	[sflag:s18] =	ssyncset.done $0x0  }
.LBB2_6:
0xf3: {  	p0 =	sne.s32 s20, $0x1;
	s20 =	sadd.s32 $0xFFFFFFFF, s20;
	[sflag:s18] =	ssyncadd.s32 $0xFFFFFF80  }
.Ltmp2:
0xf4: {  	(pc) =	sbr.rel @p0 .LBB2_6-.Ltmp2, $3  }
0xf5: {  	_ =	sdelay $0x1  }
0xf6: {  	_ =	swait.ge [sflag:s18], $0x80  }
0xf7: {  	[sflag:s18] =	ssyncset.done $0x0  }
0xf8: {  	[sflag:s18] =	ssyncadd.s32 $0xFFFFFF80;
	s7 =	stileid.u32  }
0xf9: {  	s7 =	sshll.u32 s7, $0x6;
	[bflag:$0x0] =	sbarrier.arrive $0xFFFF  }
0xfa: {  	s17 =	sshrl.u32 s9, $0x3;
	s7 =	sor.u32 $0x1C04, s7;
	s20 =	rddreg [dreg:$0x8]  }
0xfb: {  	[hbm:s20], [sflag:s7] =	dma.local [spmem:s17], $0x800  }
0xfc: {  	s22 =	sshrl.u32 s10, $0x3;
	s20 =	rddreg [dreg:$0x9]  }
0xfd: {  	[hbm:s20], [sflag:s7] =	dma.local [spmem:s22], $0x800  }
0xfe: {  	s21 =	sshrl.u32 s11, $0x3;
	s20 =	rddreg [dreg:$0xa]  }
0xff: {  	[hbm:s20], [sflag:s7] =	dma.local [spmem:s21], $0x800  }
0x100: {  	s22 =	sshrl.u32 s12, $0x3;
	s20 =	rddreg [dreg:$0xb]  }
0x101: {  	[hbm:s20], [sflag:s7] =	dma.local [spmem:s22], $0x800  }
0x102: {  	s17 =	sshrl.u32 s14, $0x3;
	s21 =	sshrl.u32 s13, $0x3;
	s20 =	rddreg [dreg:$0xc]  }
0x103: {  	[hbm:s20], [sflag:s7] =	dma.local [spmem:s21], $0x800  }
0x104: {  	s22 =	simm.s32 $0x10;
	s21 =	simm.s32 $0x20;
	s20 =	rddreg [dreg:$0xe]  }
0x105: {  	[hbm:s20@s21], [sflag:s7] =	dma.strided [spmem:s17@s22], $0x50, s31, $0x10   }
0x106: {  	_ =	swait.ge [sflag:s30], $0x800  }
0x107: {  	[sflag:s30] =	ssyncset.done $0x0  }
0x108: {  	[sflag:s30] =	ssyncadd.s32 $0xFFFFF800  }
0x109: {  	_ =	swait.ge [sflag:s30], $0x800  }
0x10a: {  	[sflag:s30] =	ssyncset.done $0x0  }
0x10b: {  	[sflag:s30] =	ssyncadd.s32 $0xFFFFF800  }
0x10c: {  	_ =	swait.ge [sflag:s30], $0x800  }
0x10d: {  	[sflag:s30] =	ssyncset.done $0x0  }
0x10e: {  	[sflag:s30] =	ssyncadd.s32 $0xFFFFF800  }
0x10f: {  	_ =	swait.ge [sflag:s30], $0x800  }
0x110: {  	[sflag:s30] =	ssyncset.done $0x0  }
0x111: {  	[sflag:s30] =	ssyncadd.s32 $0xFFFFF800  }
0x112: {  	_ =	swait.ge [sflag:s30], $0x800  }
0x113: {  	[sflag:s30] =	ssyncset.done $0x0  }
0x114: {  	[sflag:s30] =	ssyncadd.s32 $0xFFFFF800  }
0x115: {  	_ =	swait.ge [sflag:s30], $0x50  }
0x116: {  	s19 =	sadd.s32 $0x1, s19;
	s22 =	rddreg [dreg:$0xf]  }
0x117: {  	p0 =	sne.s32 s19, s22  }
.Ltmp3:
0x118: {  	_ = 	snop;
	(pc) =	sbr.rel @p0 .LBB2_1-.Ltmp3, $3  }
0x119: {  	_ =	sdelay $0x1  }
0x11a: {  	[sflag:s30] =	ssyncset.done $0x0  }
0x11b: {  	[sflag:s30] =	ssyncadd.s32 $0xFFFFFFB0  }
0x11c: {  	_ =	sfence.sel $0x180000  }
0x11d: {  	[bflag:$0x0] =	sbarrier.arrive $0xFFFF  }
0x11e: {  	_ =	strace $0x90000047  }
0x11f: {  	s0 =	stileid.u32;
	[bflag:$0x2] =	sbarrier.arrive $0xFFFF  }
0x120: {  	p0 =	sne.s32 s0, $0x0;
	s0 =	rddreg [dreg:$0x4]  }
0x121: {  	s0 =	sadd.s32 @!p0 $0x100000, s0  }
0x122: {  	[sflag:s0] =	ssyncadd.tile.s32 @!p0 $0x1;
	_ =	shalt  }
.Lfunc_end2:
_tile_overlayer_lowered:
.L_overlay_start_2:
0x123: {  	(tag) =	ssettag $0x2  }
0x124: {  	s0 =	rddreg [dreg:$0x0];
	s2 =	stileid.u32  }
0x125: {  	s1 =	rddreg [dreg:$0x1];
	p0 =	sne.s32 s2, $0x0  }
0x126: {  	s3 =	rddreg [dreg:$0x2];
	[bflag:$0x3] =	sbarrier.arrive $0xFFFF;
	s2 =	simm.s32 @!p0 $0x1C09  }
0x127: {  	[timem:s3], [sflag:s2] =	dma.local @!p0 [hbm:s0], s1  }
0x128: {  	s0 =	simm.s32 @!p0 $0x9  }
0x129: {  	_ =	swait.ge @!p0 [sflag:s0], s1  }
0x12a: {  	s1 =	ssub.s32 @!p0 $0x0, s1;
	[sflag:s0] =	ssyncset.done @!p0 $0x0  }
0x12b: {  	[sflag:s0] =	ssyncadd.s32 @!p0 s1  }
0x12c: {  	[bflag:$0x3] =	sbarrier.arrive $0xFFFF  }
0x12d: {  	_ =	shalt  }

// kernel: kernel.9.cloned.1.call-start
scs
__scs_entry_jumppad:
0x0: {  	(pc) =	sbr.rel $0x88, $3  }
0x1: {  	(tag) =	ssettag $0x0;
	lr =	simm.s32 $0x1  }
0x2: {  	[smem:$0x3F99] =	sst lr;
	_ =	strace $0xD0000000  }
0x3: {  	_ = 	snop  }
0x4: {  	_ = 	snop  }
0x5: {  	_ = 	snop  }
0x6: {  	_ = 	snop  }
0x7: {  	_ = 	snop  }
__scs_overlays_trampoline_lowered:
0x8: {  	[smem:$0x3FA8] =	sst s0  }
0x9: {  	[smem:$0x3FA9] =	sst s1  }
0xa: {  	[smem:$0x3FAA] =	sst s2  }
0xb: {  	[smem:$0x3FAB] =	sst s3  }
0xc: {  	[smem:$0x3FAC] =	sst s4  }
0xd: {  	[smem:$0x3FAD] =	sst s5  }
0xe: {  	[smem:$0x3FAE] =	sst s6  }
0xf: {  	[smem:$0x3FAF] =	sst s7  }
0x10: {  	[smem:$0x3FB0] =	sst s8  }
0x11: {  	[smem:$0x3FB1] =	sst s9;
	s0 =	simm.s32 @!p0 $0x0  }
0x12: {  	s1 =	sld [smem:$0x3F97];
	s0 =	simm.s32 @p0 $0x1  }
0x13: {  	[smem:$0x3FB2] =	sst s0;
	s0 =	simm.s32 @!p1 $0x0  }
0x14: {  	s2 =	sld [smem:$0x3F96];
	s0 =	simm.s32 @p1 $0x1  }
0x15: {  	[smem:$0x3FB3] =	sst s0;
	s0 =	simm.s32 @!p2 $0x0  }
0x16: {  	s3 =	sld [smem:$0x3FDB];
	s0 =	simm.s32 @p2 $0x1  }
0x17: {  	s4 =	simm.s32 $0x1BF5;
	[smem:$0x3FB5] =	sst s0  }
0x18: {  	s0 =	sld [smem:$0x3F98];
	_ =	swait.ge [sflag:s4], $0x0  }
0x19: {  	s7 =	sld [smem:$0x3F99]  }
0x1a: {  	s8 =	sadd.s32 $0xFFFFE003, lr  }
0x1b: {  	s9 =	sadd.s32 $0xFFFFFEF7, lr;
	s5 =	simm.s32 $0xFFFFFFFF;
	p2 =	slt.u32 s8, $0xFFFFF086  }
0x1c: {  	p1 =	slt.u32 s9, $0xF7A;
	s5 =	simm.s32 @!p2 $0x0  }
0x1d: {  	s5 =	simm.s32 @p1 $0x1;
	p0 =	seq.s32 s7, s2  }
0x1e: {  	s7 =	smul.u32 @!p0 $0xF7A, s2;
	p2 =	seq.s32 @!p0 s5, $0x0  }
0x1f: {  	s9 =	smul.u32 $0xF7A, s1;
	s8 =	simm.s32 @!p0 $0x1BF5;
	p2 =	por !p2, p0  }
0x20: {  	[sflag:s8] =	ssyncset.s32 @!p0 $0xFFFFF086;
	s6 =	sadd.s32 @!p0 s3, s7;
	s7 =	simm.s32 @!p0 $0x108  }
0x21: {  	s3 =	sadd.s32 s3, s9;
	s6 =	sadd.s32 @!p0 $0x88, s6;
	s7 =	simm.s32 @p2 $0x1082  }
0x22: {  	[simem:s7], [sflag:s8] =	dma.local @!p0 [hbm:s6], $0xF7A  }
0x23: {  	s9 =	sor.u32 $0xD0000000, s2;
	s6 =	simm.s32 $0x108;
	_ =	swait.ge @!p0 [sflag:s8], $0x0  }
0x24: {  	s3 =	sadd.s32 $0x88, s3;
	s6 =	simm.s32 @!p1 $0x1082;
	[sflag:s4] =	ssyncset.s32 $0xFFFFF086  }
0x25: {  	[simem:s6], [sflag:s4] =	dma.local [hbm:s3], $0xF7A  }
0x26: {  	[smem:$0x3F99] =	sst s1;
	(tag) =	ssettag s2;
	_ =	strace s9  }
0x27: {  	s1 =	sld [smem:$0x3FA9]  }
0x28: {  	s2 =	sld [smem:$0x3FAA]  }
0x29: {  	s4 =	sld [smem:$0x3FAC]  }
0x2a: {  	p0 =	seq.s32 s5, $0x0;
	s5 =	sld [smem:$0x3FAD]  }
0x2b: {  	s6 =	sld [smem:$0x3FAE]  }
0x2c: {  	s7 =	sld [smem:$0x3FAF]  }
0x2d: {  	s3 =	simm.s32 $0x108;
	s8 =	sld [smem:$0x3FB0]  }
0x2e: {  	s3 =	simm.s32 @!p0 $0x1082;
	s9 =	sld [smem:$0x3FB1]  }
0x2f: {  	lr =	sadd.s32 s0, s3;
	s0 =	sld [smem:$0x3FA8]  }
0x30: {  	s3 =	sld [smem:$0x3FAB]  }
0x31: {  	[smem:$0x3FB4] =	sst s10  }
0x32: {  	s10 =	sld [smem:$0x3FB2];
	_ =	sdelay $0x3  }
0x33: {  	p0 =	seq.s32 s10, $0x1;
	s10 =	sld [smem:$0x3FB4];
	_ =	sdelay $0x3  }
0x34: {  	[smem:$0x3FB4] =	sst s10  }
0x35: {  	s10 =	sld [smem:$0x3FB3];
	_ =	sdelay $0x3  }
0x36: {  	p1 =	seq.s32 s10, $0x1;
	s10 =	sld [smem:$0x3FB4];
	_ =	sdelay $0x3  }
0x37: {  	[smem:$0x3FB4] =	sst s10  }
0x38: {  	s10 =	sld [smem:$0x3FB5]  }
0x39: {  	_ = 	snop;
	(pc) =	sbr.ind lr, $3  }
0x3a: {  	_ = 	snop  }
0x3b: {  	_ = 	snop  }
0x3c: {  	p2 =	seq.s32 s10, $0x1;
	s10 =	sld [smem:$0x3FB4]  }
0x3d: {  	_ =	shalt  }
0x3e: {  	_ =	shalt  }
0x3f: {  	_ =	shalt  }
0x40: {  	_ =	shalt  }
0x41: {  	_ =	shalt  }
0x42: {  	_ =	shalt  }
0x43: {  	_ =	shalt  }
0x44: {  	_ =	shalt  }
0x45: {  	_ =	shalt  }
0x46: {  	_ =	shalt  }
0x47: {  	_ =	shalt  }
0x48: {  	_ =	shalt  }
0x49: {  	_ =	shalt  }
0x4a: {  	_ =	shalt  }
0x4b: {  	_ =	shalt  }
0x4c: {  	_ =	shalt  }
0x4d: {  	_ =	shalt  }
0x4e: {  	_ =	shalt  }
0x4f: {  	_ =	shalt  }
0x50: {  	_ =	shalt  }
0x51: {  	_ =	shalt  }
0x52: {  	_ =	shalt  }
0x53: {  	_ =	shalt  }
0x54: {  	_ =	shalt  }
0x55: {  	_ =	shalt  }
0x56: {  	_ =	shalt  }
0x57: {  	_ =	shalt  }
0x58: {  	_ =	shalt  }
0x59: {  	_ =	shalt  }
0x5a: {  	_ =	shalt  }
0x5b: {  	_ =	shalt  }
0x5c: {  	_ =	shalt  }
0x5d: {  	_ =	shalt  }
0x5e: {  	_ =	shalt  }
0x5f: {  	_ =	shalt  }
0x60: {  	_ =	shalt  }
0x61: {  	_ =	shalt  }
0x62: {  	_ =	shalt  }
0x63: {  	_ =	shalt  }
0x64: {  	_ =	shalt  }
0x65: {  	_ =	shalt  }
0x66: {  	_ =	shalt  }
0x67: {  	_ =	shalt  }
0x68: {  	_ =	shalt  }
0x69: {  	_ =	shalt  }
0x6a: {  	_ =	shalt  }
0x6b: {  	_ =	shalt  }
0x6c: {  	_ =	shalt  }
0x6d: {  	_ =	shalt  }
0x6e: {  	_ =	shalt  }
0x6f: {  	_ =	shalt  }
0x70: {  	_ =	shalt  }
0x71: {  	_ =	shalt  }
0x72: {  	_ =	shalt  }
0x73: {  	_ =	shalt  }
0x74: {  	_ =	shalt  }
0x75: {  	_ =	shalt  }
0x76: {  	_ =	shalt  }
0x77: {  	_ =	shalt  }
0x78: {  	_ =	shalt  }
0x79: {  	_ =	shalt  }
0x7a: {  	_ =	shalt  }
0x7b: {  	_ =	shalt  }
0x7c: {  	_ =	shalt  }
0x7d: {  	_ =	shalt  }
0x7e: {  	_ =	shalt  }
0x7f: {  	_ =	shalt  }
0x80: {  	_ =	shalt  }
0x81: {  	_ =	shalt  }
0x82: {  	_ =	shalt  }
0x83: {  	_ =	shalt  }
0x84: {  	_ =	shalt  }
0x85: {  	_ =	shalt  }
0x86: {  	_ =	shalt  }
0x87: {  	_ =	shalt  }
.Lfunc_end0:
.L_simem_size_0:
called_computation.1_lowered:
.L_overlay_start_0:
0x88: {  	s2 =	sld [smem:$0x3FD9]  }
0x89: {  	s3 =	sld [smem:$0x3FFE];
	_ =	sdelay $0x1  }
0x8a: {  	s1 =	srdreg.scid  }
0x8b: {  	s0 =	sand.u32 $0x1, s1  }
0x8c: {  	s17 =	sshll.u32 s0, $0xA;
	s2 =	sadd.s32 s3, s2  }
0x8d: {  	s2 =	sadd.s32 s2, s17  }
0x8e: {  	[smem:$0x3FC0] =	sst s2  }
0x8f: {  	_ = 	snop  }
0x90: {  	s2 =	sld [smem:$0x3FD0];
	(tm) =	ssettm $0x1  }
0x91: {  	s18 =	sld [smem:$0x3FFB];
	_ =	sdelay $0x3  }
0x92: {  	_ =	strace s18  }
0x93: {  	s3 =	sld [smem:$0x3FFC];
	_ =	sdelay $0x3  }
0x94: {  	_ =	strace s3  }
0x95: {  	s3 =	sld [smem:$0x3FFD];
	_ =	sdelay $0x3  }
0x96: {  	_ =	strace s3  }
0x97: {  	_ =	strace $0x8FFFFFFF  }
0x98: {  	s19 =	sld [smem:$0x3FDB];
	_ =	sdelay $0x1  }
0x99: {  	s4 =	simm.s32 $_scs_section_size  }
0x9a: {  	s5 =	simm.s32 $_size__tile_overlayer_lowered;
	s6 =	simm.s32 $_tile_overlayer_lowered  }
0x9b: {  	s22 =	simm.s32 $0x1BFF;
	s21 =	sshll.u32 s6, $0x1;
	s3 =	sadd.s32 s4, s19  }
0x9c: {  	s7 =	simm.s32 $0x0;
	s20 =	sshll.u32 s5, $0x1;
	s5 =	sadd.s32 s21, s3  }
0x9d: {  	[timem:s7], [sflag:s22] =	dma.local [hbm:s5], s20  }
0x9e: {  	_ =	swait.ge [sflag:s22], s20  }
0x9f: {  	s4 =	ssub.s32 $0x0, s20;
	[sflag:s22] =	ssyncset.done $0x0  }
0xa0: {  	[sflag:s22] =	ssyncadd.s32 s4;
	_ =	sdelay $0x1  }
0xa1: {  	s23 =	simm.s32 $0x1B8B  }
0xa2: {  	_ =	swait.ge [sflag:s23], $0x1  }
0xa3: {  	[sflag:s23] =	ssyncset.done $0x0  }
0xa4: {  	s25 =	simm.s32 $0x1B8E;
	s24 =	sld [smem:$0x3FFE];
	[sflag:s23] =	ssyncadd.s32 $0xFFFFFFFF  }
0xa5: {  	s26 =	simm.s32 $execute0_lowered;
	[smem:$0x3FD2] =	sst s25  }
0xa6: {  	s5 =	sshll.u32 s26, $0x1;
	_ =	strace $0x80000049;
	[dreg:$0x1] =	wrdreg $0xFFFFFFFF  }
0xa7: {  	s28 =	simm.s32 $_size_execute0_lowered;
	s3 =	sadd.s32 s3, s5;
	[dreg:$0x0] =	wrdreg $0x0  }
0xa8: {  	s5 =	sshll.u32 s28, $0x1;
	[dreg:$0x2] =	wrdreg s3  }
0xa9: {  	[dreg:$0x3] =	wrdreg s5  }
0xaa: {  	[dreg:$0x4] =	wrdreg $0xC0  }
0xab: {  	_ =	task [dreg:s7], $0x5FFFF  }
0xac: {  	[dreg:$0x1] =	wrdreg $0xFFFFFFFF  }
0xad: {  	[dreg:$0x0] =	wrdreg $0x60  }
0xae: {  	[dreg:$0x2] =	wrdreg s2  }
0xaf: {  	[dreg:$0x3] =	wrdreg s24  }
0xb0: {  	[dreg:$0x4] =	wrdreg $0xA9000  }
0xb1: {  	[dreg:$0x5] =	wrdreg $0x9  }
0xb2: {  	_ =	task.clear_ibuf [dreg:s7], $0x6FFFF;
	_ =	strace $0x90000049  }
0xb3: {  	s29 =	simm.s32 $0x9;
	_ =	strace $0x8000004B  }
0xb4: {  	_ =	swait.ge [sflag:s29], $0x1  }
0xb5: {  	[sflag:s29] =	ssyncadd.s32 $0xFFFFFFFF  }
0xb6: {  	_ =	strace $0x9000004B  }
0xb7: {  	_ =	sfence  }
0xb8: {  	s30 =	sld [smem:$0x0];
	_ =	sdelay $0x2  }
0xb9: {  	s31 =	sshll.u32 s1, $0xD;
	s1 =	sshrl.u32 s1, $0x2  }
0xba: {  	s3 =	sand.u32 $0x4000, s31;
	s1 =	sadd.s32 s1, s30  }
0xbb: {  	s0 =	sor.u32 s3, s0;
	s1 =	sshll.u32 s1, $0x11  }
0xbc: {  	s0 =	sor.u32 s1, s0  }
0xbd: {  	s0 =	sadd.s32 $0x8F2B, s0  }
0xbe: {  	[sflag:s0] =	ssyncadd.remote.s32 $0x1  }
0xbf: {  	_ =	sfence.sel $0xFFFF  }
0xc0: {  	[dreg:$0x0] =	wrdreg $0xFFFFFFFF;
	(pc) =	sbr.abs _section_cstart, $3  }
0xc1: {  	[dreg:$0x1] =	wrdreg $0xFFFFFFFF  }
0xc2: {  	_ =	task.clear_ibuf [dreg:s7], $0x2FFFF;
	_ =	strace $0x9FFFFFFF  }
0xc3: {  	(tm) =	ssettm $0x7FFFFFFF  }
tec
execute0_lowered:
.L_overlay_start_1:
0x0: {  	(tag) =	ssettag $0x1  }
0x1: {  	s0 =	rddreg [dreg:$0x0]  }
0x2: {  	s1 =	srdreg.scid;
	s2 =	rddreg [dreg:$0x1]  }
0x3: {  	s3 =	rddreg [dreg:$0x2];
	s16 =	stileid.u32  }
0x4: {  	s4 =	simm.s32 $0x0;
	s28 =	simm.s32 $0x2;
	s29 =	simm.s32 $0x3  }
0x5: {  	s30 =	simm.s32 $0x6900;
	s31 =	simm.s32 $0x5;
	s9 =	smul.u32 $0x50000, s16  }
0x6: {  	s1 =	sand.u32 $0x1, s1;
	[smem:$0x7FF] =	sst s4;
	s14 =	smul.u32 $0x14000, s16  }
0x7: {  	s7 =	sadd.s32 $0xCE00, s2;
	s22 =	smul.u32 $0x2780, s16;
	s5 =	sshll.u32 s1, $0x4  }
0x8: {  	_ =	strace $0x8000004A;
	s8 =	ssub.s32 $0x2, s1;
	s17 =	smul.u32 $0x140000, s1  }
0x9: {  	s1 =	smul.u32 $0x27800, s1;
	s5 =	sor.u32 s16, s5;
	s10 =	sshrl.u32 s8, $0x1  }
0xa: {  	s20 =	sshrl.u32 s9, $0x2;
	s15 =	sadd.s32 $0x4000, s14;
	s6 =	smul.u32 $0x500, s5  }
0xb: {  	s21 =	sadd.s32 $0x8000, s14;
	s5 =	smul.u32 $0x2780, s5;
	s13 =	ssub.s32 s8, s10  }
0xc: {  	s8 =	sadd.s32 s20, s3;
	s9 =	sadd.s32 s15, s3;
	s10 =	sadd.s32 s21, s3  }
0xd: {  	s12 =	sadd.s32 s14, s17;
	s15 =	sadd.s32 s17, s15;
	s1 =	sadd.s32 s22, s1  }
0xe: {  	s22 =	simm.s32 $0x100;
	s15 =	sshrl.u32 s15, $0x3;
	s25 =	sadd.s32 $0x200, s1  }
0xf: {  	s1 =	sadd.s32 $0x180, s1;
	s6 =	sadd.s32 s6, s2;
	s2 =	sadd.s32 $0x67600, s2  }
0x10: {  	s5 =	sshrl.u32 s5, $0x3;
	s26 =	sshrl.u32 s25, $0x3;
	s1 =	sshrl.u32 s1, $0x3  }
0x11: {  	s25 =	simm.s32 $0x4;
	s19 =	sadd.s32 s7, s5;
	s6 =	sadd.s32 $0x2E00, s6  }
0x12: {  	s5 =	sadd.s32 $0x10000, s14;
	s23 =	sadd.s32 s2, s15;
	s20 =	sadd.s32 s26, s7  }
0x13: {  	s26 =	simm.s32 $0x1;
	[dreg:$0x5] =	wrdreg s6;
	s18 =	sadd.s32 $0x10, s19  }
0x14: {  	[dreg:$0x4] =	wrdreg s19;
	s19 =	sadd.s32 $0x20, s19;
	s6 =	sadd.s32 s17, s21  }
0x15: {  	[dreg:$0x9] =	wrdreg s23;
	s21 =	sadd.s32 s1, s7;
	s23 =	simm.s32 $0x80  }
0x16: {  	s1 =	simm.s32 $0x6;
	[dreg:$0x6] =	wrdreg s18;
	s18 =	sadd.s32 $0xC000, s14  }
0x17: {  	s14 =	sshrl.u32 s12, $0x3;
	s12 =	sadd.s32 s5, s3;
	[dreg:$0x7] =	wrdreg s19  }
0x18: {  	s6 =	sshrl.u32 s6, $0x3;
	s5 =	sadd.s32 s17, s5;
	s19 =	smax.u32 s13, $0x1  }
0x19: {  	s11 =	sadd.s32 s18, s3;
	s14 =	sadd.s32 s2, s14;
	s16 =	sadd.s32 s2, s6  }
0x1a: {  	s24 =	sadd.s32 s17, s18;
	s5 =	sshrl.u32 s5, $0x3;
	[dreg:$0x8] =	wrdreg s14  }
0x1b: {  	s6 =	sshrl.u32 s24, $0x3;
	s18 =	sadd.s32 s2, s5;
	s24 =	simm.s32 $0x2900  }
0x1c: {  	v0 =	vimm.f32 $0.0e+00;
	s17 =	sadd.s32 s2, s6;
	s2 =	simm.s32 $0x7;
	s6 =	simm.s32 $0x0  }
.LBB2_1:
0x1d: {  	s5 =	rddreg [dreg:$0x5]  }
0x1e: {  	[tilespmem:s22], [sflag:$0x1] =	stream.linear.gather [hbm4b:s5+s4], $0x2780, $0x38;
	[tilespmem:$0x1E900] =	vst v63  }
0x1f: {  	s14 =	rddreg [dreg:$0x4]  }
0x20: {  	[tilespmem:s4], [sflag:$0x2] =	stream.linear.gather [hbm4b:s14+s4], $0x80, $0x38;
	[tilespmem:$0x1E900] =	vst v63  }
0x21: {  	s15 =	rddreg [dreg:$0x6];
	s7 =	simm.s32 $0x200;
	s5 =	simm.s32 $0x0  }
0x22: {  	[tilespmem:s23], [sflag:$0x3] =	stream.linear.gather [hbm4b:s15+s4], $0x80, $0x38;
	[tilespmem:$0x1E900] =	vst v63  }
.LBB2_2:
0x23: {  	p0 =	sne.s32 s7, $0xFE00;
	[tilespmem:s5+$0x2970] =	vst v0  }
0x24: {  	[tilespmem:s5+$0x2900] =	vst v0  }
0x25: {  	[tilespmem:s5+$0x2910] =	vst v0  }
.Ltmp0:
0x26: {  	[tilespmem:s5+$0x2920] =	vst v0;
	(pc) =	sbr.rel @p0 .LBB2_2-.Ltmp0, $4  }
0x27: {  	[tilespmem:s5+$0x2930] =	vst v0  }
0x28: {  	[tilespmem:s5+$0x2940] =	vst v0  }
0x29: {  	[tilespmem:s5+$0x2950] =	vst v0  }
0x2a: {  	[tilespmem:s5+$0x2960] =	vst v0;
	s5 =	sshra.s32 s7, $0x2;
	s7 =	sadd.s32 $0x200, s7  }
0x2b: {  	[tilespmem:s5+$0x2970] =	vst v0  }
0x2c: {  	[tilespmem:s5+$0x2900] =	vst v0  }
0x2d: {  	[tilespmem:s5+$0x2910] =	vst v0  }
0x2e: {  	[tilespmem:s5+$0x2920] =	vst v0  }
0x2f: {  	[tilespmem:s5+$0x2930] =	vst v0  }
0x30: {  	[tilespmem:s5+$0x2940] =	vst v0  }
0x31: {  	[tilespmem:s5+$0x2950] =	vst v0  }
0x32: {  	[tilespmem:s5+$0x2960] =	vst v0  }
0x33: {  	[spmem:s8] =	stream.linear.scatter [tilespmem:s24], [sflag:$0x4], $0x4000, $0x38;
	[tilespmem:$0x1E900] =	vst v63  }
0x34: {  	_ = 	snop  }
0x35: {  	[spmem:s9] =	stream.linear.scatter [tilespmem:s24], [sflag:$0x4], $0x4000, $0x38;
	[tilespmem:$0x1E900] =	vst v63  }
0x36: {  	_ = 	snop  }
0x37: {  	[spmem:s10] =	stream.linear.scatter [tilespmem:s24], [sflag:$0x4], $0x4000, $0x38;
	[tilespmem:$0x1E900] =	vst v63  }
0x38: {  	_ = 	snop  }
0x39: {  	[spmem:s11] =	stream.linear.scatter [tilespmem:s24], [sflag:$0x4], $0x4000, $0x38;
	[tilespmem:$0x1E900] =	vst v63  }
0x3a: {  	_ = 	snop  }
0x3b: {  	[spmem:s12] =	stream.linear.scatter [tilespmem:s24], [sflag:$0x4], $0x4000, $0x38;
	[tilespmem:$0x1E900] =	vst v63  }
0x3c: {  	_ =	swait.ge [sflag:s25], $0x4000  }
0x3d: {  	[sflag:s25] =	ssyncset.done $0x0  }
0x3e: {  	[sflag:s25] =	ssyncadd.s32 $0xFFFFC000  }
0x3f: {  	_ =	swait.ge [sflag:s25], $0x4000  }
0x40: {  	[sflag:s25] =	ssyncset.done $0x0  }
0x41: {  	[sflag:s25] =	ssyncadd.s32 $0xFFFFC000  }
0x42: {  	_ =	swait.ge [sflag:s25], $0x4000  }
0x43: {  	[sflag:s25] =	ssyncset.done $0x0  }
0x44: {  	[sflag:s25] =	ssyncadd.s32 $0xFFFFC000  }
0x45: {  	_ =	swait.ge [sflag:s25], $0x4000  }
0x46: {  	[sflag:s25] =	ssyncset.done $0x0  }
0x47: {  	[sflag:s25] =	ssyncadd.s32 $0xFFFFC000  }
0x48: {  	_ =	swait.ge [sflag:s25], $0x4000  }
0x49: {  	[sflag:s25] =	ssyncset.done $0x0  }
0x4a: {  	[sflag:s25] =	ssyncadd.s32 $0xFFFFC000  }
0x4b: {  	[bflag:$0x0] =	sbarrier.arrive $0xFFFF  }
0x4c: {  	_ =	swait.ge [sflag:s26], $0x2780  }
0x4d: {  	[sflag:s26] =	ssyncset.done $0x0  }
0x4e: {  	[sflag:s26] =	ssyncadd.s32 $0xFFFFD880  }
0x4f: {  	_ =	swait.ge [sflag:s28], $0x80  }
0x50: {  	[sflag:s28] =	ssyncset.done $0x0  }
0x51: {  	s15 =	simm.s32 $0x0;
	[sflag:s28] =	ssyncadd.s32 $0xFFFFFF80  }
0x52: {  	[tilespmem:s24], [sflag:$0x4] =	stream.indirect.gather [hbm4b:s0+s23], $0x80, s15, s23, $0xb8;
	[tilespmem:$0x1E900] =	vst v63  }
0x53: {  	_ =	swait.ge [sflag:s29], $0x80  }
0x54: {  	[sflag:s29] =	ssyncset.done $0x0  }
0x55: {  	[sflag:s29] =	ssyncadd.s32 $0xFFFFFF80  }
0x56: {  	_ =	swait.ge [sflag:s25], $0x4000  }
0x57: {  	[sflag:s25] =	ssyncset.done $0x0  }
0x58: {  	s7 =	rddreg [dreg:$0x7];
	[sflag:s25] =	ssyncadd.s32 $0xFFFFC000  }
0x59: {  	[tilespmem:s15], [sflag:$0x2] =	stream.linear.gather [hbm4b:s7+s15], $0x80, $0x38;
	[tilespmem:$0x1E900] =	vst v63  }
0x5a: {  	_ = 	snop  }
0x5b: {  	[tilespmem:s30], [sflag:$0x5] =	stream.indirect.gather [hbm4b:s0+s23], $0x80, s23, s23, $0xb8;
	[tilespmem:$0x1E900] =	vst v63  }
0x5c: {  	_ = 	snop  }
0x5d: {  	[spmem:s3] =	stream.indirect.scatter.add.f32 [tilespmem:s24], [sflag:$0x6], $0x80, s22, s23, $0xb8;
	[tilespmem:$0x1E900] =	vst v63  }
0x5e: {  	_ =	swait.ge [sflag:s31], $0x4000  }
0x5f: {  	[sflag:s31] =	ssyncset.done $0x0  }
0x60: {  	s13 =	sadd.s32 $0x0, s21;
	[sflag:s31] =	ssyncadd.s32 $0xFFFFC000  }
0x61: {  	[tilespmem:s23], [sflag:$0x3] =	stream.linear.gather [hbm4b:s13+s4], $0x80, $0x38;
	[tilespmem:$0x1E900] =	vst v63  }
0x62: {  	_ =	swait.ge [sflag:s1], $0x4000  }
0x63: {  	[sflag:s1] =	ssyncset.done $0x0  }
0x64: {  	[sflag:s1] =	ssyncadd.s32 $0xFFFFC000  }
0x65: {  	_ =	swait.ge [sflag:s28], $0x80  }
0x66: {  	[sflag:s28] =	ssyncset.done $0x0  }
0x67: {  	[sflag:s28] =	ssyncadd.s32 $0xFFFFFF80  }
0x68: {  	[tilespmem:s24], [sflag:$0x4] =	stream.indirect.gather [hbm4b:s0+s23], $0x80, s4, s23, $0xb8;
	[tilespmem:$0x1E900] =	vst v63  }
0x69: {  	s14 =	simm.s32 $0x180  }
0x6a: {  	[spmem:s3] =	stream.indirect.scatter.add.f32 [tilespmem:s30], [sflag:$0x7], $0x80, s14, s23, $0xb8;
	[tilespmem:$0x1E900] =	vst v63  }
0x6b: {  	_ =	swait.ge [sflag:s25], $0x4000  }
0x6c: {  	[sflag:s25] =	ssyncset.done $0x0  }
0x6d: {  	s15 =	sadd.s32 $0x0, s20;
	[sflag:s25] =	ssyncadd.s32 $0xFFFFC000  }
0x6e: {  	[tilespmem:s4], [sflag:$0x2] =	stream.linear.gather [hbm4b:s15+s4], $0x80, $0x38;
	[tilespmem:$0x1E900] =	vst v63  }
0x6f: {  	_ =	swait.ge [sflag:s2], $0x4000  }
0x70: {  	[sflag:s2] =	ssyncset.done $0x0  }
0x71: {  	[sflag:s2] =	ssyncadd.s32 $0xFFFFC000  }
0x72: {  	_ =	swait.ge [sflag:s29], $0x80  }
0x73: {  	s5 =	simm.s32 $0x20;
	[sflag:s29] =	ssyncset.done $0x0  }
0x74: {  	s7 =	simm.s32 $0x200;
	s13 =	simm.s32 $0x300;
	[sflag:s29] =	ssyncadd.s32 $0xFFFFFF80  }
0x75: {  	[tilespmem:s30], [sflag:$0x5] =	stream.indirect.gather [hbm4b:s0+s23], $0x80, s23, s23, $0xb8;
	[tilespmem:$0x1E900] =	vst v63  }
.LBB2_4:
0x76: {  	[spmem:s3] =	stream.indirect.scatter.add.f32 [tilespmem:s24], [sflag:$0x6], $0x80, s7, s23, $0xb8;
	[tilespmem:$0x1E900] =	vst v63  }
0x77: {  	s14 =	smov.u32 s5;
	s7 =	smov.u32 s13  }
0x78: {  	p0 =	sne.s32 s5, $0x4A0;
	s5 =	sadd.s32 $0x20, s5;
	_ =	swait.ge [sflag:s31], $0x4000  }
0x79: {  	[sflag:s31] =	ssyncset.done $0x0  }
0x7a: {  	s15 =	sadd.s32 s14, s21;
	[sflag:s31] =	ssyncadd.s32 $0xFFFFC000  }
0x7b: {  	[tilespmem:s23], [sflag:$0x3] =	stream.linear.gather [hbm4b:s15+s4], $0x80, $0x38;
	[tilespmem:$0x1E900] =	vst v63  }
0x7c: {  	_ =	swait.ge [sflag:s1], $0x4000  }
0x7d: {  	[sflag:s1] =	ssyncset.done $0x0  }
0x7e: {  	[sflag:s1] =	ssyncadd.s32 $0xFFFFC000  }
0x7f: {  	_ =	swait.ge [sflag:s28], $0x80  }
0x80: {  	[sflag:s28] =	ssyncset.done $0x0  }
0x81: {  	[sflag:s28] =	ssyncadd.s32 $0xFFFFFF80  }
0x82: {  	[tilespmem:s24], [sflag:$0x4] =	stream.indirect.gather [hbm4b:s0+s23], $0x80, s4, s23, $0xb8;
	[tilespmem:$0x1E900] =	vst v63  }
0x83: {  	s15 =	sadd.s32 $0xFFFFFF80, s13  }
0x84: {  	[spmem:s3] =	stream.indirect.scatter.add.f32 [tilespmem:s30], [sflag:$0x7], $0x80, s15, s23, $0xb8;
	[tilespmem:$0x1E900] =	vst v63  }
0x85: {  	_ =	swait.ge [sflag:s25], $0x4000  }
0x86: {  	[sflag:s25] =	ssyncset.done $0x0  }
0x87: {  	s14 =	sadd.s32 s14, s20;
	[sflag:s25] =	ssyncadd.s32 $0xFFFFC000  }
0x88: {  	[tilespmem:s4], [sflag:$0x2] =	stream.linear.gather [hbm4b:s14+s4], $0x80, $0x38;
	[tilespmem:$0x1E900] =	vst v63  }
0x89: {  	_ =	swait.ge [sflag:s2], $0x4000  }
0x8a: {  	[sflag:s2] =	ssyncset.done $0x0  }
0x8b: {  	[sflag:s2] =	ssyncadd.s32 $0xFFFFC000  }
.Ltmp1:
0x8c: {  	_ =	swait.ge [sflag:s29], $0x80;
	(pc) =	sbr.rel @p0 .LBB2_4-.Ltmp1, $4  }
0x8d: {  	[sflag:s29] =	ssyncset.done $0x0  }
0x8e: {  	[sflag:s29] =	ssyncadd.s32 $0xFFFFFF80  }
0x8f: {  	[tilespmem:s30], [sflag:$0x5] =	stream.indirect.gather [hbm4b:s0+s23], $0x80, s23, s23, $0xb8;
	[tilespmem:$0x1E900] =	vst v63  }
0x90: {  	s13 =	sadd.s32 $0x100, s13  }
0x91: {  	[spmem:s3] =	stream.indirect.scatter.add.f32 [tilespmem:s24], [sflag:$0x6], $0x80, s7, s23, $0xb8;
	[tilespmem:$0x1E900] =	vst v63  }
0x92: {  	_ =	swait.ge [sflag:s31], $0x4000  }
0x93: {  	[sflag:s31] =	ssyncset.done $0x0  }
0x94: {  	[sflag:s31] =	ssyncadd.s32 $0xFFFFC000  }
0x95: {  	_ =	swait.ge [sflag:s1], $0x4000  }
0x96: {  	[sflag:s1] =	ssyncset.done $0x0  }
0x97: {  	[sflag:s1] =	ssyncadd.s32 $0xFFFFC000  }
0x98: {  	_ =	swait.ge [sflag:s28], $0x80  }
0x99: {  	[sflag:s28] =	ssyncset.done $0x0  }
0x9a: {  	[sflag:s28] =	ssyncadd.s32 $0xFFFFFF80  }
0x9b: {  	[tilespmem:s24], [sflag:$0x4] =	stream.indirect.gather [hbm4b:s0+s23], $0x80, s4, s23, $0xb8;
	[tilespmem:$0x1E900] =	vst v63  }
0x9c: {  	s5 =	simm.s32 $0x2780  }
0x9d: {  	[spmem:s3] =	stream.indirect.scatter.add.f32 [tilespmem:s30], [sflag:$0x7], $0x80, s5, s23, $0xb8;
	[tilespmem:$0x1E900] =	vst v63  }
0x9e: {  	_ =	swait.ge [sflag:s25], $0x4000  }
0x9f: {  	[sflag:s25] =	ssyncset.done $0x0  }
0xa0: {  	[sflag:s25] =	ssyncadd.s32 $0xFFFFC000  }
0xa1: {  	_ =	swait.ge [sflag:s2], $0x4000  }
0xa2: {  	[sflag:s2] =	ssyncset.done $0x0  }
0xa3: {  	s7 =	simm.s32 $0x2800;
	[sflag:s2] =	ssyncadd.s32 $0xFFFFC000  }
0xa4: {  	[spmem:s3] =	stream.indirect.scatter.add.f32 [tilespmem:s24], [sflag:$0x6], $0x80, s7, s23, $0xb8;
	[tilespmem:$0x1E900] =	vst v63  }
0xa5: {  	_ =	swait.ge [sflag:s1], $0x4000  }
0xa6: {  	[sflag:s1] =	ssyncset.done $0x0  }
0xa7: {  	s13 =	stileid.u32;
	[sflag:s1] =	ssyncadd.s32 $0xFFFFC000  }
0xa8: {  	s5 =	sshll.u32 s13, $0x6;
	[bflag:$0x0] =	sbarrier.arrive $0xFFFF  }
0xa9: {  	s14 =	sshrl.u32 s8, $0x3;
	s5 =	sor.u32 $0x1C04, s5;
	s13 =	rddreg [dreg:$0x8]  }
0xaa: {  	[hbm:s13], [sflag:s5] =	dma.local [spmem:s14], $0x800  }
0xab: {  	s15 =	sshrl.u32 s9, $0x3;
	s13 =	rddreg [dreg:$0x9]  }
0xac: {  	[hbm:s13], [sflag:s5] =	dma.local [spmem:s15], $0x800  }
0xad: {  	s14 =	sshrl.u32 s11, $0x3;
	s13 =	sshrl.u32 s10, $0x3;
	s15 =	sshrl.u32 s12, $0x3  }
0xae: {  	[hbm:s16], [sflag:s5] =	dma.local [spmem:s13], $0x800  }
0xaf: {  	[hbm:s17], [sflag:s5] =	dma.local [spmem:s14], $0x800  }
0xb0: {  	[hbm:s18], [sflag:s5] =	dma.local [spmem:s15], $0x800  }
0xb1: {  	_ =	swait.ge [sflag:s25], $0x800  }
0xb2: {  	[sflag:s25] =	ssyncset.done $0x0  }
0xb3: {  	[sflag:s25] =	ssyncadd.s32 $0xFFFFF800  }
0xb4: {  	_ =	swait.ge [sflag:s25], $0x800  }
0xb5: {  	[sflag:s25] =	ssyncset.done $0x0  }
0xb6: {  	[sflag:s25] =	ssyncadd.s32 $0xFFFFF800  }
0xb7: {  	_ =	swait.ge [sflag:s25], $0x800  }
0xb8: {  	[sflag:s25] =	ssyncset.done $0x0  }
0xb9: {  	s6 =	sadd.s32 $0x1, s6;
	[sflag:s25] =	ssyncadd.s32 $0xFFFFF800  }
0xba: {  	p0 =	sne.s32 s6, s19;
	_ =	swait.ge [sflag:s25], $0x800  }
.Ltmp2:
0xbb: {  	[sflag:s25] =	ssyncset.done $0x0;
	(pc) =	sbr.rel @p0 .LBB2_1-.Ltmp2, $4  }
0xbc: {  	[sflag:s25] =	ssyncadd.s32 $0xFFFFF800  }
0xbd: {  	_ =	swait.ge [sflag:s25], $0x800  }
0xbe: {  	[sflag:s25] =	ssyncset.done $0x0  }
0xbf: {  	[sflag:s25] =	ssyncadd.s32 $0xFFFFF800  }
0xc0: {  	_ =	sfence.sel $0x180000  }
0xc1: {  	[bflag:$0x0] =	sbarrier.arrive $0xFFFF  }
0xc2: {  	_ =	strace $0x9000004A  }
0xc3: {  	s0 =	stileid.u32;
	[bflag:$0x2] =	sbarrier.arrive $0xFFFF  }
0xc4: {  	p0 =	sne.s32 s0, $0x0;
	s0 =	rddreg [dreg:$0x3]  }
0xc5: {  	s0 =	sadd.s32 @!p0 $0x100000, s0  }
0xc6: {  	[sflag:s0] =	ssyncadd.tile.s32 @!p0 $0x1;
	_ =	shalt  }
.Lfunc_end2:
_tile_overlayer_lowered:
.L_overlay_start_2:
0xc7: {  	(tag) =	ssettag $0x2  }
0xc8: {  	s0 =	rddreg [dreg:$0x0];
	s2 =	stileid.u32  }
0xc9: {  	s1 =	rddreg [dreg:$0x1];
	p0 =	sne.s32 s2, $0x0  }
0xca: {  	s3 =	rddreg [dreg:$0x2];
	[bflag:$0x3] =	sbarrier.arrive $0xFFFF;
	s2 =	simm.s32 @!p0 $0x1C08  }
0xcb: {  	[timem:s3], [sflag:s2] =	dma.local @!p0 [hbm:s0], s1  }
0xcc: {  	s0 =	simm.s32 @!p0 $0x8  }
0xcd: {  	_ =	swait.ge @!p0 [sflag:s0], s1  }
0xce: {  	s1 =	ssub.s32 @!p0 $0x0, s1;
	[sflag:s0] =	ssyncset.done @!p0 $0x0  }
0xcf: {  	[sflag:s0] =	ssyncadd.s32 @!p0 s1  }
0xd0: {  	[bflag:$0x3] =	sbarrier.arrive $0xFFFF  }
0xd1: {  	_ =	shalt  }

</sc_bundles>
